<compile_context>
chip_gen: v7x
topology: tpu7x:2x2x1
jax: 0.10.2.dev20260603
libtpu: 0.0.44.dev20260713+nightly
codegen_flags: <defaults>
</compile_context>

<pallas_src>
import functools

import jax
import jax.numpy as jnp
from jax.experimental import pallas as pl
import jax.experimental.pallas.tpu as pltpu

_N = 5000
_NP = 5120
_TB = 256
_K = 500
_KP = 512
_C = 512
_H = 25
_W = 25
_IOU_THR = 0.7
_STRIDE = 32.0
_NUM_CLASS = 20
_BOX_BLK = 128
_ROWS_BLK = _BOX_BLK * 7
_KDIM = 25088
_FC = 4096




def _fiota(shape, dim):
    return jax.lax.broadcasted_iota(jnp.int32, shape, dim).astype(jnp.float32)


def _nms_kernel(boxes_ref, keep_ref):
    x1 = boxes_ref[0:1, :]
    y1 = boxes_ref[1:2, :]
    x2 = boxes_ref[2:3, :]
    y2 = boxes_ref[3:4, :]
    areas = (x2 - x1) * (y2 - y1)
    colg = _fiota((_TB, _NP), 1)

    keep = jnp.ones((1, _NP), jnp.float32)
    for b in range(_NP // _TB):
        s = b * _TB
        x1b = jnp.transpose(x1[:, s:s + _TB])
        y1b = jnp.transpose(y1[:, s:s + _TB])
        x2b = jnp.transpose(x2[:, s:s + _TB])
        y2b = jnp.transpose(y2[:, s:s + _TB])
        ab = jnp.transpose(areas[:, s:s + _TB])
        xx1 = jnp.maximum(x1b, x1)
        yy1 = jnp.maximum(y1b, y1)
        xx2 = jnp.minimum(x2b, x2)
        yy2 = jnp.minimum(y2b, y2)
        inter = jnp.maximum(xx2 - xx1, 0.0) * jnp.maximum(yy2 - yy1, 0.0)
        iou = inter / (ab + areas - inter + 1e-9)
        m = (iou > _IOU_THR).astype(jnp.float32)

        mb = m[:, s:s + _TB]
        ri = _fiota((_TB, _TB), 0)
        cj = _fiota((_TB, _TB), 1)
        tri = (ri < cj).astype(jnp.float32)
        mtri = mb * tri
        kin = keep[:, s:s + _TB]

        def _cond(st):
            return st[1]

        def _body(st):
            kb = st[0]
            sup = jnp.max(mtri * jnp.transpose(kb), axis=0, keepdims=True)
            kb2 = kin * (1.0 - jnp.minimum(sup, 1.0))
            return kb2, jnp.any(kb2 != kb)

        kb, _ = jax.lax.while_loop(_cond, _body, (kin, True))

        later = (colg > (s + _fiota((_TB, _NP), 0))).astype(jnp.float32)
        supg = jnp.max(m * later * jnp.transpose(kb), axis=0, keepdims=True)
        keep = keep * (1.0 - jnp.minimum(supg, 1.0))

    keep_ref[...] = jnp.broadcast_to(keep, (8, _NP))


def _run_nms(boxes_sorted):
    bp = jnp.zeros((8, _NP), jnp.float32)
    bp = bp.at[0:4, :_N].set(jnp.transpose(boxes_sorted))
    out = pl.pallas_call(
        _nms_kernel,
        out_shape=jax.ShapeDtypeStruct((8, _NP), jnp.float32),
    )(bp)
    return out[0, :_N] > 0.5



def _pool_kernel(boxes_ref, e_ref, out_ref):
    i = pl.program_id(0)
    cg = pl.program_id(1)
    bx = boxes_ref[:, pl.ds(i * _BOX_BLK, _BOX_BLK)]
    x1 = jnp.transpose(bx[0:1, :])
    y1 = jnp.transpose(bx[1:2, :])
    x2 = jnp.transpose(bx[2:3, :])
    y2 = jnp.transpose(bx[3:4, :])

    def _rep7(v):
        return jnp.concatenate([v] * 7, axis=0)

    def _ranges(lo, hi, hi_clip):
        a0 = jnp.clip(jnp.floor(lo / _STRIDE), 0.0, hi_clip - 1.0)
        a1 = jnp.clip(jnp.floor(hi / _STRIDE), 0.0, hi_clip)
        a1 = jnp.maximum(a1, a0 + 1.0)
        return _rep7(a0), _rep7(a1 - a0)

    r0, hh = _ranges(x1, x2, float(_H))
    c0, ww = _ranges(y1, y2, float(_W))

    rowi = _fiota((_ROWS_BLK, 1), 0)
    lc = jnp.floor((rowi + 0.5) / float(_BOX_BLK))
    ij = lc + 7.0 * cg.astype(jnp.float32)
    ci = jnp.floor((ij + 0.5) / 7.0)
    cjj = ij - ci * 7.0

    rs = r0 + jnp.floor((ci * hh + 0.5) / 7.0)
    re = r0 + jnp.floor(((ci + 1.0) * hh + 6.5) / 7.0)
    cs = c0 + jnp.floor((cjj * ww + 0.5) / 7.0)
    ce = c0 + jnp.floor(((cjj + 1.0) * ww + 6.5) / 7.0)

    col = _fiota((1, 640), 1)
    rcol = jnp.floor((col + 0.5) / 25.0)
    wcol = col - rcol * 25.0

    sel = ((rcol >= rs) & (rcol < re) & (wcol >= cs) & (wcol < ce))
    g = sel.astype(jnp.float32) / ((re - rs) * (ce - cs))
    out_ref[...] = jnp.dot(g, e_ref[...],
                           preferred_element_type=jnp.float32,
                           precision=jax.lax.Precision.HIGHEST)


def _run_pool(feature_map, boxes_k):
    e = jnp.transpose(feature_map, (1, 2, 0)).reshape(_H * _W, _C)
    e = jnp.pad(e, ((0, 640 - _H * _W), (0, 0)))
    bp = jnp.zeros((8, _KP), jnp.float32)
    bp = bp.at[0:4, :].set(jnp.transpose(boxes_k))
    n_blk = _KP // _BOX_BLK
    xp = pl.pallas_call(
        _pool_kernel,
        grid=(n_blk, 7),
        in_specs=[
            pl.BlockSpec((8, _KP), lambda i, cg: (0, 0)),
            pl.BlockSpec((640, _C), lambda i, cg: (0, 0)),
        ],
        out_specs=pl.BlockSpec((_ROWS_BLK, _C), lambda i, cg: (i * 7 + cg, 0)),
        out_shape=jax.ShapeDtypeStruct((_KP * 49, _C), jnp.float32),
        compiler_params=pltpu.CompilerParams(
            vmem_limit_bytes=64 * 1024 * 1024),
    )(bp, e)
    xp = xp.reshape(n_blk, 49, _BOX_BLK, _C)
    return jnp.transpose(xp, (0, 2, 3, 1)).reshape(_KP, _KDIM)



_KBLK = 896
_NBLK = 512


def _fc_kernel(x_ref, w_ref, b_ref, o_ref, acc_ref):
    k = pl.program_id(1)
    partial = jnp.dot(x_ref[:, pl.ds(k * _KBLK, _KBLK)], w_ref[...],
                      preferred_element_type=jnp.float32)

    @pl.when(k == 0)
    def _():
        acc_ref[...] = partial

    @pl.when(k > 0)
    def _():
        acc_ref[...] = acc_ref[...] + partial

    @pl.when(k == (_KDIM // _KBLK) - 1)
    def _():
        o_ref[...] = acc_ref[...] + b_ref[0:1, :]


def _run_fc(x, w_fc, b_fc):
    bb = jnp.broadcast_to(b_fc[None, :], (8, _FC))
    return pl.pallas_call(
        _fc_kernel,
        grid=(_FC // _NBLK, _KDIM // _KBLK),
        in_specs=[
            pl.BlockSpec((_KP, _KDIM), lambda n, k: (0, 0)),
            pl.BlockSpec((_KBLK, _NBLK), lambda n, k: (k, n)),
            pl.BlockSpec((8, _NBLK), lambda n, k: (0, n)),
        ],
        out_specs=pl.BlockSpec((_KP, _NBLK), lambda n, k: (0, n)),
        out_shape=jax.ShapeDtypeStruct((_KP, _FC), jnp.float32),
        scratch_shapes=[pltpu.VMEM((_KP, _NBLK), jnp.float32)],
        compiler_params=pltpu.CompilerParams(
            vmem_limit_bytes=64 * 1024 * 1024),
    )(x, w_fc, bb)



def _head_kernel(fc_ref, w_ref, b_ref, o_ref):
    t = jnp.dot(fc_ref[...], w_ref[...],
                preferred_element_type=jnp.float32) + b_ref[0:1, :]
    l = t[:, 0:4 * _NUM_CLASS]
    s = t[:, 4 * _NUM_CLASS:4 * _NUM_CLASS + _NUM_CLASS + 1]
    mx = jnp.max(s, axis=1, keepdims=True)
    idx = _fiota((_KP, _NUM_CLASS + 1), 1)
    mi = jnp.min(jnp.where(s == mx, idx, 1e9), axis=1, keepdims=True)
    pidx = _fiota((_KP, 4 * _NUM_CLASS), 1)
    full = _fiota((_KP, 128), 1)
    base = 4 * _NUM_CLASS + _NUM_CLASS + 1
    out = t
    for tshift in range(4):
        mask = (pidx == (mi + float(tshift))).astype(jnp.float32)
        col = jnp.sum(mask * l, axis=1, keepdims=True)
        dest = (full == float(base + tshift)).astype(jnp.float32)
        out = out * (1.0 - dest) + dest * col
    o_ref[...] = out


def _run_head(fc, w_l, b_l, w_s, b_s):
    wcat = jnp.concatenate([w_l, w_s], axis=1)
    wcat = jnp.pad(wcat, ((0, 0), (0, 128 - wcat.shape[1])))
    bcat = jnp.concatenate([b_l, b_s])
    bcat = jnp.pad(bcat, (0, 128 - bcat.shape[0]))
    bcat = jnp.broadcast_to(bcat[None, :], (8, 128))
    t = pl.pallas_call(
        _head_kernel,
        out_shape=jax.ShapeDtypeStruct((_KP, 128), jnp.float32),
    )(fc, wcat, bcat)
    base = 4 * _NUM_CLASS + _NUM_CLASS + 1
    l4 = t[:_K, base:base + 4]
    s = t[:_K, 4 * _NUM_CLASS:base]
    return l4, s



@functools.partial(jax.jit, static_argnums=())
def kernel(feature_map, proposals, scores, W_fc, b_fc, W_l, b_l, W_s, b_s):
    p = proposals[0]
    xy1 = p[:, :2] - p[:, 2:] / 2.0
    xy2 = xy1 + p[:, 2:]
    bbox = jnp.clip(jnp.concatenate([xy1, xy2], axis=-1), 0.0, 800.0)
    sm = jax.nn.softmax(scores, axis=2)[0, :, 1]
    order = jnp.argsort(-sm)
    bs = bbox[order]

    keep = _run_nms(bs)

    idx = jnp.arange(_N)
    pos = jnp.sort(jnp.where(keep, idx, _N))[:_K]
    pos = jnp.clip(pos, 0, _N - 1)
    keep_idx = order[pos]
    boxes_k = bbox[keep_idx]
    boxes_kp = jnp.pad(boxes_k, ((0, _KP - _K), (0, 0)))

    x = _run_pool(feature_map[0], boxes_kp)
    fc = _run_fc(x, W_fc, b_fc)
    l4, s = _run_head(fc, W_l, b_l, W_s, b_s)
    return (l4[None], s[None])

# --- scband reference (transcript-rebuilt; emitter-appended) ---
"""Pipeline reference for scband-frcnn-net-24266565222974 (READ-ONLY COPY).

The authoritative reference and input builder live on the scoring server;
editing this copy changes nothing except your own understanding.
"""

import jax, jax.numpy as jnp
import numpy as np

B = 1
N = 5000
C = 512
H = 25
W = 25
NUM_CLASS = 20
K = 500
IMG = 800.0
STRIDE = 32.0
IOU_THR = 0.7


def setup_inputs(seed: int = 0):
    key = jax.random.key(seed)
    ks = jax.random.split(key, 8)
    feature_map = jax.random.normal(ks[0], (B, C, H, W), dtype=jnp.float32)
    cxcy = jax.random.uniform(ks[1], (B, N, 2), dtype=jnp.float32) * IMG
    wh = jax.random.uniform(ks[2], (B, N, 2), dtype=jnp.float32) * 128.0 + 64.0
    proposals = jnp.concatenate([cxcy, wh], axis=-1)
    scores = jax.random.normal(ks[3], (B, N, 2), dtype=jnp.float32)
    W_fc = jax.random.normal(ks[4], (7 * 7 * 512, 4096), dtype=jnp.float32) * 0.01
    b_fc = jnp.zeros((4096,), dtype=jnp.float32)
    W_l = jax.random.normal(ks[5], (4096, NUM_CLASS * 4), dtype=jnp.float32) * 0.01
    b_l = jnp.zeros((NUM_CLASS * 4,), dtype=jnp.float32)
    W_s = jax.random.normal(ks[6], (4096, NUM_CLASS + 1), dtype=jnp.float32) * 0.01
    b_s = jnp.zeros((NUM_CLASS + 1,), dtype=jnp.float32)
    return {"feature_map": feature_map, "proposals": proposals, "scores": scores,
            "W_fc": W_fc, "b_fc": b_fc, "W_l": W_l, "b_l": b_l, "W_s": W_s, "b_s": b_s}


def _nms_keep_idx(boxes, sc, thr, k):
    n = boxes.shape[0]
    order = jnp.argsort(-sc)
    b = boxes[order]
    x1, y1, x2, y2 = b[:, 0], b[:, 1], b[:, 2], b[:, 3]
    areas = (x2 - x1) * (y2 - y1)
    xx1 = jnp.maximum(x1[:, None], x1[None, :])
    yy1 = jnp.maximum(y1[:, None], y1[None, :])
    xx2 = jnp.minimum(x2[:, None], x2[None, :])
    yy2 = jnp.minimum(y2[:, None], y2[None, :])
    inter = jnp.maximum(xx2 - xx1, 0.0) * jnp.maximum(yy2 - yy1, 0.0)
    iou = inter / (areas[:, None] + areas[None, :] - inter + 1e-9)
    idx = jnp.arange(n)

    def body(i, keep):
        sup = (iou[i] > thr) & keep[i] & (idx > i)
        return keep & (~sup)

    keep = jax.lax.fori_loop(0, n, body, jnp.ones((n,), dtype=bool))
    pos = jnp.sort(jnp.where(keep, idx, n))[:k]
    pos = jnp.clip(pos, 0, n - 1)
    return order[pos]


def _convert_boxes(proposals):
    # convert_rpn_output_predict_bbox assumed identity (cx, cy, w, h)
    xy1 = proposals[:, :, :2] - proposals[:, :, 2:] / 2.0
    xy2 = xy1 + proposals[:, :, 2:]
    return jnp.clip(jnp.concatenate([xy1, xy2], axis=-1), 0.0, 800.0)


def _roi_head(fm, boxes_k, W_fc, b_fc, W_l, b_l, W_s, b_s):
    # integral image for exact adaptive-avg-pool over int-truncated crops
    integ = jnp.pad(jnp.cumsum(jnp.cumsum(fm, axis=1), axis=2), ((0, 0), (1, 0), (1, 0)))

    def per_box(box):
        r0 = jnp.clip(jnp.floor(box[0] / STRIDE).astype(jnp.int32), 0, H - 1)
        r1 = jnp.clip(jnp.floor(box[2] / STRIDE).astype(jnp.int32), 0, H)
        c0 = jnp.clip(jnp.floor(box[1] / STRIDE).astype(jnp.int32), 0, W - 1)
        c1 = jnp.clip(jnp.floor(box[3] / STRIDE).astype(jnp.int32), 0, W)
        r1 = jnp.maximum(r1, r0 + 1)
        c1 = jnp.maximum(c1, c0 + 1)
        h = r1 - r0
        w = c1 - c0
        i = jnp.arange(7)
        rs = r0 + (i * h) // 7
        re = r0 + ((i + 1) * h + 6) // 7
        cs = c0 + (i * w) // 7
        ce = c0 + ((i + 1) * w + 6) // 7
        Ire = integ[:, re, :]
        Irs = integ[:, rs, :]
        sums = Ire[:, :, ce] - Ire[:, :, cs] - Irs[:, :, ce] + Irs[:, :, cs]
        cnt = ((re - rs)[:, None] * (ce - cs)[None, :]).astype(jnp.float32)
        pool = sums / cnt
        v = pool.reshape(-1)
        fc = v @ W_fc + b_fc
        l = fc @ W_l + b_l
        s = fc @ W_s + b_s
        mi = jnp.argmax(s)
        l4 = jax.lax.dynamic_slice(l, (mi,), (4,))
        return l4, s

    return jax.vmap(per_box)(boxes_k)


def reference(feature_map, proposals, scores, W_fc, b_fc, W_l, b_l, W_s, b_s):
    bbox = _convert_boxes(proposals)
    sm = jax.nn.softmax(scores, axis=2)
    l_out, s_out = [], []
    for i in range(B):
        keep = _nms_keep_idx(bbox[i], sm[i, :, 1], IOU_THR, K)
        boxes_k = bbox[i][keep]
        l4, s = _roi_head(feature_map[i], boxes_k, W_fc, b_fc, W_l, b_l, W_s, b_s)
        l_out.append(l4)
        s_out.append(s)
    return (jnp.stack(l_out), jnp.stack(s_out))

if __name__ == "__main__":
    import jax
    _d = setup_inputs()
    print(jax.jit(kernel)(*tuple(_d.values())))

</pallas_src>

<mosaic_0001>
module attributes {stable_mosaic.version = 14 : i64} {
  func.func @_nms_kernel(%arg0: memref<8x5120xf32, #tpu.memory_space<vmem>>, %arg1: memref<8x5120xf32, #tpu.memory_space<vmem>>) attributes {dimension_semantics = [], scalar_prefetch = 0 : i64, scratch_operands = 0 : i64, tpu.core_type = #tpu.core_type<tc>} {
    %get3A = arith.constant 0 : index
    %get3A_0 = arith.constant 0 : index
    %get3A_1 = vector.load %arg0[%get3A, %get3A_0] : memref<8x5120xf32, #tpu.memory_space<vmem>>, vector<1x5120xf32>
    %get3A_2 = arith.constant 1 : index
    %get3A_3 = arith.constant 0 : index
    %get3A_4 = vector.load %arg0[%get3A_2, %get3A_3] : memref<8x5120xf32, #tpu.memory_space<vmem>>, vector<1x5120xf32>
    %get3A_5 = arith.constant 2 : index
    %get3A_6 = arith.constant 0 : index
    %get3A_7 = vector.load %arg0[%get3A_5, %get3A_6] : memref<8x5120xf32, #tpu.memory_space<vmem>>, vector<1x5120xf32>
    %get3A_8 = arith.constant 3 : index
    %get3A_9 = arith.constant 0 : index
    %get3A_10 = vector.load %arg0[%get3A_8, %get3A_9] : memref<8x5120xf32, #tpu.memory_space<vmem>>, vector<1x5120xf32>
    %sub3A = arith.subf %get3A_7, %get3A_1 : vector<1x5120xf32>
    %sub3A_11 = arith.subf %get3A_10, %get3A_4 : vector<1x5120xf32>
    %mul3A = arith.mulf %sub3A, %sub3A_11 : vector<1x5120xf32>
    %iota3A = tpu.iota {dimensions = array<i32: 1>} : vector<256x5120xi32>
    %convert_element_type3A = arith.sitofp %iota3A : vector<256x5120xi32> to vector<256x5120xf32>
    %broadcast_in_dim3A = arith.constant 1.000000e+00 : f32
    %broadcast_in_dim3A_12 = vector.broadcast %broadcast_in_dim3A : f32 to vector<1x5120xf32>
    %slice3A = vector.extract_strided_slice %get3A_1 {offsets = [0, 0], sizes = [1, 256], strides = [1, 1]} : vector<1x5120xf32> to vector<1x256xf32>
    %transpose3A = tpu.transpose %slice3A, [1, 0] : vector<1x256xf32> -> vector<256x1xf32>
    %slice3A_13 = vector.extract_strided_slice %get3A_4 {offsets = [0, 0], sizes = [1, 256], strides = [1, 1]} : vector<1x5120xf32> to vector<1x256xf32>
    %transpose3A_14 = tpu.transpose %slice3A_13, [1, 0] : vector<1x256xf32> -> vector<256x1xf32>
    %slice3A_15 = vector.extract_strided_slice %get3A_7 {offsets = [0, 0], sizes = [1, 256], strides = [1, 1]} : vector<1x5120xf32> to vector<1x256xf32>
    %transpose3A_16 = tpu.transpose %slice3A_15, [1, 0] : vector<1x256xf32> -> vector<256x1xf32>
    %slice3A_17 = vector.extract_strided_slice %get3A_10 {offsets = [0, 0], sizes = [1, 256], strides = [1, 1]} : vector<1x5120xf32> to vector<1x256xf32>
    %transpose3A_18 = tpu.transpose %slice3A_17, [1, 0] : vector<1x256xf32> -> vector<256x1xf32>
    %slice3A_19 = vector.extract_strided_slice %mul3A {offsets = [0, 0], sizes = [1, 256], strides = [1, 1]} : vector<1x5120xf32> to vector<1x256xf32>
    %transpose3A_20 = tpu.transpose %slice3A_19, [1, 0] : vector<1x256xf32> -> vector<256x1xf32>
    %max3A = vector.broadcast %transpose3A : vector<256x1xf32> to vector<256x5120xf32>
    %max3A_21 = vector.broadcast %get3A_1 : vector<1x5120xf32> to vector<256x5120xf32>
    %max3A_22 = arith.maximumf %max3A, %max3A_21 : vector<256x5120xf32>
    %max3A_23 = vector.broadcast %transpose3A_14 : vector<256x1xf32> to vector<256x5120xf32>
    %max3A_24 = vector.broadcast %get3A_4 : vector<1x5120xf32> to vector<256x5120xf32>
    %max3A_25 = arith.maximumf %max3A_23, %max3A_24 : vector<256x5120xf32>
    %min3A = vector.broadcast %transpose3A_16 : vector<256x1xf32> to vector<256x5120xf32>
    %min3A_26 = vector.broadcast %get3A_7 : vector<1x5120xf32> to vector<256x5120xf32>
    %min3A_27 = arith.minimumf %min3A, %min3A_26 : vector<256x5120xf32>
    %min3A_28 = vector.broadcast %transpose3A_18 : vector<256x1xf32> to vector<256x5120xf32>
    %min3A_29 = vector.broadcast %get3A_10 : vector<1x5120xf32> to vector<256x5120xf32>
    %min3A_30 = arith.minimumf %min3A_28, %min3A_29 : vector<256x5120xf32>
    %sub3A_31 = arith.subf %min3A_27, %max3A_22 : vector<256x5120xf32>
    %max3A_32 = arith.constant 0.000000e+00 : f32
    %max3A_33 = vector.broadcast %max3A_32 : f32 to vector<256x5120xf32>
    %max3A_34 = arith.maximumf %sub3A_31, %max3A_33 : vector<256x5120xf32>
    %sub3A_35 = arith.subf %min3A_30, %max3A_25 : vector<256x5120xf32>
    %max3A_36 = arith.constant 0.000000e+00 : f32
    %max3A_37 = vector.broadcast %max3A_36 : f32 to vector<256x5120xf32>
    %max3A_38 = arith.maximumf %sub3A_35, %max3A_37 : vector<256x5120xf32>
    %mul3A_39 = arith.mulf %max3A_34, %max3A_38 : vector<256x5120xf32>
    %add3A = vector.broadcast %transpose3A_20 : vector<256x1xf32> to vector<256x5120xf32>
    %add3A_40 = vector.broadcast %mul3A : vector<1x5120xf32> to vector<256x5120xf32>
    %add3A_41 = arith.addf %add3A, %add3A_40 : vector<256x5120xf32>
    %sub3A_42 = arith.subf %add3A_41, %mul3A_39 : vector<256x5120xf32>
    %add3A_43 = arith.constant 9.99999971E-10 : f32
    %add3A_44 = vector.broadcast %add3A_43 : f32 to vector<256x5120xf32>
    %add3A_45 = arith.addf %sub3A_42, %add3A_44 : vector<256x5120xf32>
    %div3A = arith.divf %mul3A_39, %add3A_45 : vector<256x5120xf32>
    %gt3A = arith.constant 0.699999988 : f32
    %gt3A_46 = vector.broadcast %gt3A : f32 to vector<256x5120xf32>
    %gt3A_47 = arith.cmpf ogt, %div3A, %gt3A_46 : vector<256x5120xf32>
    %convert_element_type3A_48 = arith.extui %gt3A_47 : vector<256x5120xi1> to vector<256x5120xi32>
    %convert_element_type3A_49 = arith.sitofp %convert_element_type3A_48 : vector<256x5120xi32> to vector<256x5120xf32>
    %slice3A_50 = vector.extract_strided_slice %convert_element_type3A_49 {offsets = [0, 0], sizes = [256, 256], strides = [1, 1]} : vector<256x5120xf32> to vector<256x256xf32>
    %iota3A_51 = tpu.iota {dimensions = array<i32: 0>} : vector<256x256xi32>
    %convert_element_type3A_52 = arith.sitofp %iota3A_51 : vector<256x256xi32> to vector<256x256xf32>
    %iota3A_53 = tpu.iota {dimensions = array<i32: 1>} : vector<256x256xi32>
    %convert_element_type3A_54 = arith.sitofp %iota3A_53 : vector<256x256xi32> to vector<256x256xf32>
    %lt3A = arith.cmpf olt, %convert_element_type3A_52, %convert_element_type3A_54 : vector<256x256xf32>
    %convert_element_type3A_55 = arith.extui %lt3A : vector<256x256xi1> to vector<256x256xi32>
    %convert_element_type3A_56 = arith.sitofp %convert_element_type3A_55 : vector<256x256xi32> to vector<256x256xf32>
    %mul3A_57 = arith.mulf %slice3A_50, %convert_element_type3A_56 : vector<256x256xf32>
    %slice3A_58 = vector.extract_strided_slice %broadcast_in_dim3A_12 {offsets = [0, 0], sizes = [1, 256], strides = [1, 1]} : vector<1x5120xf32> to vector<1x256xf32>
    %while3A = arith.constant true
    %while3A_59:2 = scf.while (%while3A_1567 = %slice3A_58, %while3A_1568 = %while3A) : (vector<1x256xf32>, i1) -> (vector<1x256xf32>, i1) {
      scf.condition(%while3A_1568) %while3A_1567, %while3A_1568 : vector<1x256xf32>, i1
    } do {
    ^bb0(%while3A_1567: vector<1x256xf32>, %while3A_1568: i1):
      %transpose3A_1569 = tpu.transpose %while3A_1567, [1, 0] : vector<1x256xf32> -> vector<256x1xf32>
      %mul3A_1570 = vector.broadcast %transpose3A_1569 : vector<256x1xf32> to vector<256x256xf32>
      %mul3A_1571 = arith.mulf %mul3A_57, %mul3A_1570 : vector<256x256xf32>
      %reduce_max3A_1572 = arith.constant dense<0xFF800000> : vector<256xf32>
      %reduce_max3A_1573 = vector.multi_reduction <maximumf>, %mul3A_1571, %reduce_max3A_1572 [0] : vector<256x256xf32> to vector<256xf32>
      %broadcast_in_dim3A_1574 = vector.shape_cast %reduce_max3A_1573 : vector<256xf32> to vector<1x256xf32>
      %min3A_1575 = arith.constant 1.000000e+00 : f32
      %min3A_1576 = vector.broadcast %min3A_1575 : f32 to vector<1x256xf32>
      %min3A_1577 = arith.minimumf %broadcast_in_dim3A_1574, %min3A_1576 : vector<1x256xf32>
      %sub3A_1578 = arith.constant 1.000000e+00 : f32
      %sub3A_1579 = vector.broadcast %sub3A_1578 : f32 to vector<1x256xf32>
      %sub3A_1580 = arith.subf %sub3A_1579, %min3A_1577 : vector<1x256xf32>
      %mul3A_1581 = arith.mulf %slice3A_58, %sub3A_1580 : vector<1x256xf32>
      %ne3A = arith.cmpf one, %mul3A_1581, %while3A_1567 : vector<1x256xf32>
      %reduce_or3A = arith.constant 1.000000e+00 : f32
      %reduce_or3A_1582 = arith.constant 0.000000e+00 : f32
      %reduce_or3A_1583 = vector.broadcast %reduce_or3A : f32 to vector<1x256xf32>
      %reduce_or3A_1584 = vector.broadcast %reduce_or3A_1582 : f32 to vector<1x256xf32>
      %reduce_or3A_1585 = arith.select %ne3A, %reduce_or3A_1583, %reduce_or3A_1584 : vector<1x256xi1>, vector<1x256xf32>
      %reduce_or3A_1586 = vector.shape_cast %reduce_or3A_1585 : vector<1x256xf32> to vector<1x1x256xf32>
      %reduce_or3A_1587 = arith.constant dense<0xFF800000> : vector<1xf32>
      %reduce_or3A_1588 = vector.multi_reduction <maximumf>, %reduce_or3A_1586, %reduce_or3A_1587 [1, 2] : vector<1x1x256xf32> to vector<1xf32>
      %reduce_or3A_1589 = vector.shape_cast %reduce_or3A_1588 : vector<1xf32> to vector<1x1x1xf32>
      %reduce_or3A_1590 = vector.extract %reduce_or3A_1589[0, 0, 0] : f32 from vector<1x1x1xf32>
      %reduce_or3A_1591 = arith.constant 0.000000e+00 : f32
      %reduce_or3A_1592 = arith.cmpf ogt, %reduce_or3A_1590, %reduce_or3A_1591 : f32
      scf.yield %mul3A_1581, %reduce_or3A_1592 : vector<1x256xf32>, i1
    }
    %iota3A_60 = tpu.iota {dimensions = array<i32: 0>} : vector<256x5120xi32>
    %convert_element_type3A_61 = arith.sitofp %iota3A_60 : vector<256x5120xi32> to vector<256x5120xf32>
    %add3A_62 = arith.constant 0.000000e+00 : f32
    %add3A_63 = vector.broadcast %add3A_62 : f32 to vector<256x5120xf32>
    %add3A_64 = arith.addf %add3A_63, %convert_element_type3A_61 : vector<256x5120xf32>
    %gt3A_65 = arith.cmpf ogt, %convert_element_type3A, %add3A_64 : vector<256x5120xf32>
    %convert_element_type3A_66 = arith.extui %gt3A_65 : vector<256x5120xi1> to vector<256x5120xi32>
    %convert_element_type3A_67 = arith.sitofp %convert_element_type3A_66 : vector<256x5120xi32> to vector<256x5120xf32>
    %mul3A_68 = arith.mulf %convert_element_type3A_49, %convert_element_type3A_67 : vector<256x5120xf32>
    %transpose3A_69 = tpu.transpose %while3A_59#0, [1, 0] : vector<1x256xf32> -> vector<256x1xf32>
    %mul3A_70 = vector.broadcast %transpose3A_69 : vector<256x1xf32> to vector<256x5120xf32>
    %mul3A_71 = arith.mulf %mul3A_68, %mul3A_70 : vector<256x5120xf32>
    %reduce_max3A = arith.constant dense<0xFF800000> : vector<5120xf32>
    %reduce_max3A_72 = vector.multi_reduction <maximumf>, %mul3A_71, %reduce_max3A [0] : vector<256x5120xf32> to vector<5120xf32>
    %broadcast_in_dim3A_73 = vector.shape_cast %reduce_max3A_72 : vector<5120xf32> to vector<1x5120xf32>
    %min3A_74 = arith.constant 1.000000e+00 : f32
    %min3A_75 = vector.broadcast %min3A_74 : f32 to vector<1x5120xf32>
    %min3A_76 = arith.minimumf %broadcast_in_dim3A_73, %min3A_75 : vector<1x5120xf32>
    %sub3A_77 = arith.constant 1.000000e+00 : f32
    %sub3A_78 = vector.broadcast %sub3A_77 : f32 to vector<1x5120xf32>
    %sub3A_79 = arith.subf %sub3A_78, %min3A_76 : vector<1x5120xf32>
    %mul3A_80 = arith.mulf %broadcast_in_dim3A_12, %sub3A_79 : vector<1x5120xf32>
    %slice3A_81 = vector.extract_strided_slice %get3A_1 {offsets = [0, 256], sizes = [1, 256], strides = [1, 1]} : vector<1x5120xf32> to vector<1x256xf32>
    %transpose3A_82 = tpu.transpose %slice3A_81, [1, 0] : vector<1x256xf32> -> vector<256x1xf32>
    %slice3A_83 = vector.extract_strided_slice %get3A_4 {offsets = [0, 256], sizes = [1, 256], strides = [1, 1]} : vector<1x5120xf32> to vector<1x256xf32>
    %transpose3A_84 = tpu.transpose %slice3A_83, [1, 0] : vector<1x256xf32> -> vector<256x1xf32>
    %slice3A_85 = vector.extract_strided_slice %get3A_7 {offsets = [0, 256], sizes = [1, 256], strides = [1, 1]} : vector<1x5120xf32> to vector<1x256xf32>
    %transpose3A_86 = tpu.transpose %slice3A_85, [1, 0] : vector<1x256xf32> -> vector<256x1xf32>
    %slice3A_87 = vector.extract_strided_slice %get3A_10 {offsets = [0, 256], sizes = [1, 256], strides = [1, 1]} : vector<1x5120xf32> to vector<1x256xf32>
    %transpose3A_88 = tpu.transpose %slice3A_87, [1, 0] : vector<1x256xf32> -> vector<256x1xf32>
    %slice3A_89 = vector.extract_strided_slice %mul3A {offsets = [0, 256], sizes = [1, 256], strides = [1, 1]} : vector<1x5120xf32> to vector<1x256xf32>
    %transpose3A_90 = tpu.transpose %slice3A_89, [1, 0] : vector<1x256xf32> -> vector<256x1xf32>
    %max3A_91 = vector.broadcast %transpose3A_82 : vector<256x1xf32> to vector<256x5120xf32>
    %max3A_92 = vector.broadcast %get3A_1 : vector<1x5120xf32> to vector<256x5120xf32>
    %max3A_93 = arith.maximumf %max3A_91, %max3A_92 : vector<256x5120xf32>
    %max3A_94 = vector.broadcast %transpose3A_84 : vector<256x1xf32> to vector<256x5120xf32>
    %max3A_95 = vector.broadcast %get3A_4 : vector<1x5120xf32> to vector<256x5120xf32>
    %max3A_96 = arith.maximumf %max3A_94, %max3A_95 : vector<256x5120xf32>
    %min3A_97 = vector.broadcast %transpose3A_86 : vector<256x1xf32> to vector<256x5120xf32>
    %min3A_98 = vector.broadcast %get3A_7 : vector<1x5120xf32> to vector<256x5120xf32>
    %min3A_99 = arith.minimumf %min3A_97, %min3A_98 : vector<256x5120xf32>
    %min3A_100 = vector.broadcast %transpose3A_88 : vector<256x1xf32> to vector<256x5120xf32>
    %min3A_101 = vector.broadcast %get3A_10 : vector<1x5120xf32> to vector<256x5120xf32>
    %min3A_102 = arith.minimumf %min3A_100, %min3A_101 : vector<256x5120xf32>
    %sub3A_103 = arith.subf %min3A_99, %max3A_93 : vector<256x5120xf32>
    %max3A_104 = arith.constant 0.000000e+00 : f32
    %max3A_105 = vector.broadcast %max3A_104 : f32 to vector<256x5120xf32>
    %max3A_106 = arith.maximumf %sub3A_103, %max3A_105 : vector<256x5120xf32>
    %sub3A_107 = arith.subf %min3A_102, %max3A_96 : vector<256x5120xf32>
    %max3A_108 = arith.constant 0.000000e+00 : f32
    %max3A_109 = vector.broadcast %max3A_108 : f32 to vector<256x5120xf32>
    %max3A_110 = arith.maximumf %sub3A_107, %max3A_109 : vector<256x5120xf32>
    %mul3A_111 = arith.mulf %max3A_106, %max3A_110 : vector<256x5120xf32>
    %add3A_112 = vector.broadcast %transpose3A_90 : vector<256x1xf32> to vector<256x5120xf32>
    %add3A_113 = vector.broadcast %mul3A : vector<1x5120xf32> to vector<256x5120xf32>
    %add3A_114 = arith.addf %add3A_112, %add3A_113 : vector<256x5120xf32>
    %sub3A_115 = arith.subf %add3A_114, %mul3A_111 : vector<256x5120xf32>
    %add3A_116 = arith.constant 9.99999971E-10 : f32
    %add3A_117 = vector.broadcast %add3A_116 : f32 to vector<256x5120xf32>
    %add3A_118 = arith.addf %sub3A_115, %add3A_117 : vector<256x5120xf32>
    %div3A_119 = arith.divf %mul3A_111, %add3A_118 : vector<256x5120xf32>
    %gt3A_120 = arith.constant 0.699999988 : f32
    %gt3A_121 = vector.broadcast %gt3A_120 : f32 to vector<256x5120xf32>
    %gt3A_122 = arith.cmpf ogt, %div3A_119, %gt3A_121 : vector<256x5120xf32>
    %convert_element_type3A_123 = arith.extui %gt3A_122 : vector<256x5120xi1> to vector<256x5120xi32>
    %convert_element_type3A_124 = arith.sitofp %convert_element_type3A_123 : vector<256x5120xi32> to vector<256x5120xf32>
    %slice3A_125 = vector.extract_strided_slice %convert_element_type3A_124 {offsets = [0, 256], sizes = [256, 256], strides = [1, 1]} : vector<256x5120xf32> to vector<256x256xf32>
    %iota3A_126 = tpu.iota {dimensions = array<i32: 0>} : vector<256x256xi32>
    %convert_element_type3A_127 = arith.sitofp %iota3A_126 : vector<256x256xi32> to vector<256x256xf32>
    %iota3A_128 = tpu.iota {dimensions = array<i32: 1>} : vector<256x256xi32>
    %convert_element_type3A_129 = arith.sitofp %iota3A_128 : vector<256x256xi32> to vector<256x256xf32>
    %lt3A_130 = arith.cmpf olt, %convert_element_type3A_127, %convert_element_type3A_129 : vector<256x256xf32>
    %convert_element_type3A_131 = arith.extui %lt3A_130 : vector<256x256xi1> to vector<256x256xi32>
    %convert_element_type3A_132 = arith.sitofp %convert_element_type3A_131 : vector<256x256xi32> to vector<256x256xf32>
    %mul3A_133 = arith.mulf %slice3A_125, %convert_element_type3A_132 : vector<256x256xf32>
    %slice3A_134 = vector.extract_strided_slice %mul3A_80 {offsets = [0, 256], sizes = [1, 256], strides = [1, 1]} : vector<1x5120xf32> to vector<1x256xf32>
    %while3A_135 = arith.constant true
    %while3A_136:2 = scf.while (%while3A_1567 = %slice3A_134, %while3A_1568 = %while3A_135) : (vector<1x256xf32>, i1) -> (vector<1x256xf32>, i1) {
      scf.condition(%while3A_1568) %while3A_1567, %while3A_1568 : vector<1x256xf32>, i1
    } do {
    ^bb0(%while3A_1567: vector<1x256xf32>, %while3A_1568: i1):
      %transpose3A_1569 = tpu.transpose %while3A_1567, [1, 0] : vector<1x256xf32> -> vector<256x1xf32>
      %mul3A_1570 = vector.broadcast %transpose3A_1569 : vector<256x1xf32> to vector<256x256xf32>
      %mul3A_1571 = arith.mulf %mul3A_133, %mul3A_1570 : vector<256x256xf32>
      %reduce_max3A_1572 = arith.constant dense<0xFF800000> : vector<256xf32>
      %reduce_max3A_1573 = vector.multi_reduction <maximumf>, %mul3A_1571, %reduce_max3A_1572 [0] : vector<256x256xf32> to vector<256xf32>
      %broadcast_in_dim3A_1574 = vector.shape_cast %reduce_max3A_1573 : vector<256xf32> to vector<1x256xf32>
      %min3A_1575 = arith.constant 1.000000e+00 : f32
      %min3A_1576 = vector.broadcast %min3A_1575 : f32 to vector<1x256xf32>
      %min3A_1577 = arith.minimumf %broadcast_in_dim3A_1574, %min3A_1576 : vector<1x256xf32>
      %sub3A_1578 = arith.constant 1.000000e+00 : f32
      %sub3A_1579 = vector.broadcast %sub3A_1578 : f32 to vector<1x256xf32>
      %sub3A_1580 = arith.subf %sub3A_1579, %min3A_1577 : vector<1x256xf32>
      %mul3A_1581 = arith.mulf %slice3A_134, %sub3A_1580 : vector<1x256xf32>
      %ne3A = arith.cmpf one, %mul3A_1581, %while3A_1567 : vector<1x256xf32>
      %reduce_or3A = arith.constant 1.000000e+00 : f32
      %reduce_or3A_1582 = arith.constant 0.000000e+00 : f32
      %reduce_or3A_1583 = vector.broadcast %reduce_or3A : f32 to vector<1x256xf32>
      %reduce_or3A_1584 = vector.broadcast %reduce_or3A_1582 : f32 to vector<1x256xf32>
      %reduce_or3A_1585 = arith.select %ne3A, %reduce_or3A_1583, %reduce_or3A_1584 : vector<1x256xi1>, vector<1x256xf32>
      %reduce_or3A_1586 = vector.shape_cast %reduce_or3A_1585 : vector<1x256xf32> to vector<1x1x256xf32>
      %reduce_or3A_1587 = arith.constant dense<0xFF800000> : vector<1xf32>
      %reduce_or3A_1588 = vector.multi_reduction <maximumf>, %reduce_or3A_1586, %reduce_or3A_1587 [1, 2] : vector<1x1x256xf32> to vector<1xf32>
      %reduce_or3A_1589 = vector.shape_cast %reduce_or3A_1588 : vector<1xf32> to vector<1x1x1xf32>
      %reduce_or3A_1590 = vector.extract %reduce_or3A_1589[0, 0, 0] : f32 from vector<1x1x1xf32>
      %reduce_or3A_1591 = arith.constant 0.000000e+00 : f32
      %reduce_or3A_1592 = arith.cmpf ogt, %reduce_or3A_1590, %reduce_or3A_1591 : f32
      scf.yield %mul3A_1581, %reduce_or3A_1592 : vector<1x256xf32>, i1
    }
    %iota3A_137 = tpu.iota {dimensions = array<i32: 0>} : vector<256x5120xi32>
    %convert_element_type3A_138 = arith.sitofp %iota3A_137 : vector<256x5120xi32> to vector<256x5120xf32>
    %add3A_139 = arith.constant 2.560000e+02 : f32
    %add3A_140 = vector.broadcast %add3A_139 : f32 to vector<256x5120xf32>
    %add3A_141 = arith.addf %add3A_140, %convert_element_type3A_138 : vector<256x5120xf32>
    %gt3A_142 = arith.cmpf ogt, %convert_element_type3A, %add3A_141 : vector<256x5120xf32>
    %convert_element_type3A_143 = arith.extui %gt3A_142 : vector<256x5120xi1> to vector<256x5120xi32>
    %convert_element_type3A_144 = arith.sitofp %convert_element_type3A_143 : vector<256x5120xi32> to vector<256x5120xf32>
    %mul3A_145 = arith.mulf %convert_element_type3A_124, %convert_element_type3A_144 : vector<256x5120xf32>
    %transpose3A_146 = tpu.transpose %while3A_136#0, [1, 0] : vector<1x256xf32> -> vector<256x1xf32>
    %mul3A_147 = vector.broadcast %transpose3A_146 : vector<256x1xf32> to vector<256x5120xf32>
    %mul3A_148 = arith.mulf %mul3A_145, %mul3A_147 : vector<256x5120xf32>
    %reduce_max3A_149 = arith.constant dense<0xFF800000> : vector<5120xf32>
    %reduce_max3A_150 = vector.multi_reduction <maximumf>, %mul3A_148, %reduce_max3A_149 [0] : vector<256x5120xf32> to vector<5120xf32>
    %broadcast_in_dim3A_151 = vector.shape_cast %reduce_max3A_150 : vector<5120xf32> to vector<1x5120xf32>
    %min3A_152 = arith.constant 1.000000e+00 : f32
    %min3A_153 = vector.broadcast %min3A_152 : f32 to vector<1x5120xf32>
    %min3A_154 = arith.minimumf %broadcast_in_dim3A_151, %min3A_153 : vector<1x5120xf32>
    %sub3A_155 = arith.constant 1.000000e+00 : f32
    %sub3A_156 = vector.broadcast %sub3A_155 : f32 to vector<1x5120xf32>
    %sub3A_157 = arith.subf %sub3A_156, %min3A_154 : vector<1x5120xf32>
    %mul3A_158 = arith.mulf %mul3A_80, %sub3A_157 : vector<1x5120xf32>
    %slice3A_159 = vector.extract_strided_slice %get3A_1 {offsets = [0, 512], sizes = [1, 256], strides = [1, 1]} : vector<1x5120xf32> to vector<1x256xf32>
    %transpose3A_160 = tpu.transpose %slice3A_159, [1, 0] : vector<1x256xf32> -> vector<256x1xf32>
    %slice3A_161 = vector.extract_strided_slice %get3A_4 {offsets = [0, 512], sizes = [1, 256], strides = [1, 1]} : vector<1x5120xf32> to vector<1x256xf32>
    %transpose3A_162 = tpu.transpose %slice3A_161, [1, 0] : vector<1x256xf32> -> vector<256x1xf32>
    %slice3A_163 = vector.extract_strided_slice %get3A_7 {offsets = [0, 512], sizes = [1, 256], strides = [1, 1]} : vector<1x5120xf32> to vector<1x256xf32>
    %transpose3A_164 = tpu.transpose %slice3A_163, [1, 0] : vector<1x256xf32> -> vector<256x1xf32>
    %slice3A_165 = vector.extract_strided_slice %get3A_10 {offsets = [0, 512], sizes = [1, 256], strides = [1, 1]} : vector<1x5120xf32> to vector<1x256xf32>
    %transpose3A_166 = tpu.transpose %slice3A_165, [1, 0] : vector<1x256xf32> -> vector<256x1xf32>
    %slice3A_167 = vector.extract_strided_slice %mul3A {offsets = [0, 512], sizes = [1, 256], strides = [1, 1]} : vector<1x5120xf32> to vector<1x256xf32>
    %transpose3A_168 = tpu.transpose %slice3A_167, [1, 0] : vector<1x256xf32> -> vector<256x1xf32>
    %max3A_169 = vector.broadcast %transpose3A_160 : vector<256x1xf32> to vector<256x5120xf32>
    %max3A_170 = vector.broadcast %get3A_1 : vector<1x5120xf32> to vector<256x5120xf32>
    %max3A_171 = arith.maximumf %max3A_169, %max3A_170 : vector<256x5120xf32>
    %max3A_172 = vector.broadcast %transpose3A_162 : vector<256x1xf32> to vector<256x5120xf32>
    %max3A_173 = vector.broadcast %get3A_4 : vector<1x5120xf32> to vector<256x5120xf32>
    %max3A_174 = arith.maximumf %max3A_172, %max3A_173 : vector<256x5120xf32>
    %min3A_175 = vector.broadcast %transpose3A_164 : vector<256x1xf32> to vector<256x5120xf32>
    %min3A_176 = vector.broadcast %get3A_7 : vector<1x5120xf32> to vector<256x5120xf32>
    %min3A_177 = arith.minimumf %min3A_175, %min3A_176 : vector<256x5120xf32>
    %min3A_178 = vector.broadcast %transpose3A_166 : vector<256x1xf32> to vector<256x5120xf32>
    %min3A_179 = vector.broadcast %get3A_10 : vector<1x5120xf32> to vector<256x5120xf32>
    %min3A_180 = arith.minimumf %min3A_178, %min3A_179 : vector<256x5120xf32>
    %sub3A_181 = arith.subf %min3A_177, %max3A_171 : vector<256x5120xf32>
    %max3A_182 = arith.constant 0.000000e+00 : f32
    %max3A_183 = vector.broadcast %max3A_182 : f32 to vector<256x5120xf32>
    %max3A_184 = arith.maximumf %sub3A_181, %max3A_183 : vector<256x5120xf32>
    %sub3A_185 = arith.subf %min3A_180, %max3A_174 : vector<256x5120xf32>
    %max3A_186 = arith.constant 0.000000e+00 : f32
    %max3A_187 = vector.broadcast %max3A_186 : f32 to vector<256x5120xf32>
    %max3A_188 = arith.maximumf %sub3A_185, %max3A_187 : vector<256x5120xf32>
    %mul3A_189 = arith.mulf %max3A_184, %max3A_188 : vector<256x5120xf32>
    %add3A_190 = vector.broadcast %transpose3A_168 : vector<256x1xf32> to vector<256x5120xf32>
    %add3A_191 = vector.broadcast %mul3A : vector<1x5120xf32> to vector<256x5120xf32>
    %add3A_192 = arith.addf %add3A_190, %add3A_191 : vector<256x5120xf32>
    %sub3A_193 = arith.subf %add3A_192, %mul3A_189 : vector<256x5120xf32>
    %add3A_194 = arith.constant 9.99999971E-10 : f32
    %add3A_195 = vector.broadcast %add3A_194 : f32 to vector<256x5120xf32>
    %add3A_196 = arith.addf %sub3A_193, %add3A_195 : vector<256x5120xf32>
    %div3A_197 = arith.divf %mul3A_189, %add3A_196 : vector<256x5120xf32>
    %gt3A_198 = arith.constant 0.699999988 : f32
    %gt3A_199 = vector.broadcast %gt3A_198 : f32 to vector<256x5120xf32>
    %gt3A_200 = arith.cmpf ogt, %div3A_197, %gt3A_199 : vector<256x5120xf32>
    %convert_element_type3A_201 = arith.extui %gt3A_200 : vector<256x5120xi1> to vector<256x5120xi32>
    %convert_element_type3A_202 = arith.sitofp %convert_element_type3A_201 : vector<256x5120xi32> to vector<256x5120xf32>
    %slice3A_203 = vector.extract_strided_slice %convert_element_type3A_202 {offsets = [0, 512], sizes = [256, 256], strides = [1, 1]} : vector<256x5120xf32> to vector<256x256xf32>
    %iota3A_204 = tpu.iota {dimensions = array<i32: 0>} : vector<256x256xi32>
    %convert_element_type3A_205 = arith.sitofp %iota3A_204 : vector<256x256xi32> to vector<256x256xf32>
    %iota3A_206 = tpu.iota {dimensions = array<i32: 1>} : vector<256x256xi32>
    %convert_element_type3A_207 = arith.sitofp %iota3A_206 : vector<256x256xi32> to vector<256x256xf32>
    %lt3A_208 = arith.cmpf olt, %convert_element_type3A_205, %convert_element_type3A_207 : vector<256x256xf32>
    %convert_element_type3A_209 = arith.extui %lt3A_208 : vector<256x256xi1> to vector<256x256xi32>
    %convert_element_type3A_210 = arith.sitofp %convert_element_type3A_209 : vector<256x256xi32> to vector<256x256xf32>
    %mul3A_211 = arith.mulf %slice3A_203, %convert_element_type3A_210 : vector<256x256xf32>
    %slice3A_212 = vector.extract_strided_slice %mul3A_158 {offsets = [0, 512], sizes = [1, 256], strides = [1, 1]} : vector<1x5120xf32> to vector<1x256xf32>
    %while3A_213 = arith.constant true
    %while3A_214:2 = scf.while (%while3A_1567 = %slice3A_212, %while3A_1568 = %while3A_213) : (vector<1x256xf32>, i1) -> (vector<1x256xf32>, i1) {
      scf.condition(%while3A_1568) %while3A_1567, %while3A_1568 : vector<1x256xf32>, i1
    } do {
    ^bb0(%while3A_1567: vector<1x256xf32>, %while3A_1568: i1):
      %transpose3A_1569 = tpu.transpose %while3A_1567, [1, 0] : vector<1x256xf32> -> vector<256x1xf32>
      %mul3A_1570 = vector.broadcast %transpose3A_1569 : vector<256x1xf32> to vector<256x256xf32>
      %mul3A_1571 = arith.mulf %mul3A_211, %mul3A_1570 : vector<256x256xf32>
      %reduce_max3A_1572 = arith.constant dense<0xFF800000> : vector<256xf32>
      %reduce_max3A_1573 = vector.multi_reduction <maximumf>, %mul3A_1571, %reduce_max3A_1572 [0] : vector<256x256xf32> to vector<256xf32>
      %broadcast_in_dim3A_1574 = vector.shape_cast %reduce_max3A_1573 : vector<256xf32> to vector<1x256xf32>
      %min3A_1575 = arith.constant 1.000000e+00 : f32
      %min3A_1576 = vector.broadcast %min3A_1575 : f32 to vector<1x256xf32>
      %min3A_1577 = arith.minimumf %broadcast_in_dim3A_1574, %min3A_1576 : vector<1x256xf32>
      %sub3A_1578 = arith.constant 1.000000e+00 : f32
      %sub3A_1579 = vector.broadcast %sub3A_1578 : f32 to vector<1x256xf32>
      %sub3A_1580 = arith.subf %sub3A_1579, %min3A_1577 : vector<1x256xf32>
      %mul3A_1581 = arith.mulf %slice3A_212, %sub3A_1580 : vector<1x256xf32>
      %ne3A = arith.cmpf one, %mul3A_1581, %while3A_1567 : vector<1x256xf32>
      %reduce_or3A = arith.constant 1.000000e+00 : f32
      %reduce_or3A_1582 = arith.constant 0.000000e+00 : f32
      %reduce_or3A_1583 = vector.broadcast %reduce_or3A : f32 to vector<1x256xf32>
      %reduce_or3A_1584 = vector.broadcast %reduce_or3A_1582 : f32 to vector<1x256xf32>
      %reduce_or3A_1585 = arith.select %ne3A, %reduce_or3A_1583, %reduce_or3A_1584 : vector<1x256xi1>, vector<1x256xf32>
      %reduce_or3A_1586 = vector.shape_cast %reduce_or3A_1585 : vector<1x256xf32> to vector<1x1x256xf32>
      %reduce_or3A_1587 = arith.constant dense<0xFF800000> : vector<1xf32>
      %reduce_or3A_1588 = vector.multi_reduction <maximumf>, %reduce_or3A_1586, %reduce_or3A_1587 [1, 2] : vector<1x1x256xf32> to vector<1xf32>
      %reduce_or3A_1589 = vector.shape_cast %reduce_or3A_1588 : vector<1xf32> to vector<1x1x1xf32>
      %reduce_or3A_1590 = vector.extract %reduce_or3A_1589[0, 0, 0] : f32 from vector<1x1x1xf32>
      %reduce_or3A_1591 = arith.constant 0.000000e+00 : f32
      %reduce_or3A_1592 = arith.cmpf ogt, %reduce_or3A_1590, %reduce_or3A_1591 : f32
      scf.yield %mul3A_1581, %reduce_or3A_1592 : vector<1x256xf32>, i1
    }
    %iota3A_215 = tpu.iota {dimensions = array<i32: 0>} : vector<256x5120xi32>
    %convert_element_type3A_216 = arith.sitofp %iota3A_215 : vector<256x5120xi32> to vector<256x5120xf32>
    %add3A_217 = arith.constant 5.120000e+02 : f32
    %add3A_218 = vector.broadcast %add3A_217 : f32 to vector<256x5120xf32>
    %add3A_219 = arith.addf %add3A_218, %convert_element_type3A_216 : vector<256x5120xf32>
    %gt3A_220 = arith.cmpf ogt, %convert_element_type3A, %add3A_219 : vector<256x5120xf32>
    %convert_element_type3A_221 = arith.extui %gt3A_220 : vector<256x5120xi1> to vector<256x5120xi32>
    %convert_element_type3A_222 = arith.sitofp %convert_element_type3A_221 : vector<256x5120xi32> to vector<256x5120xf32>
    %mul3A_223 = arith.mulf %convert_element_type3A_202, %convert_element_type3A_222 : vector<256x5120xf32>
    %transpose3A_224 = tpu.transpose %while3A_214#0, [1, 0] : vector<1x256xf32> -> vector<256x1xf32>
    %mul3A_225 = vector.broadcast %transpose3A_224 : vector<256x1xf32> to vector<256x5120xf32>
    %mul3A_226 = arith.mulf %mul3A_223, %mul3A_225 : vector<256x5120xf32>
    %reduce_max3A_227 = arith.constant dense<0xFF800000> : vector<5120xf32>
    %reduce_max3A_228 = vector.multi_reduction <maximumf>, %mul3A_226, %reduce_max3A_227 [0] : vector<256x5120xf32> to vector<5120xf32>
    %broadcast_in_dim3A_229 = vector.shape_cast %reduce_max3A_228 : vector<5120xf32> to vector<1x5120xf32>
    %min3A_230 = arith.constant 1.000000e+00 : f32
    %min3A_231 = vector.broadcast %min3A_230 : f32 to vector<1x5120xf32>
    %min3A_232 = arith.minimumf %broadcast_in_dim3A_229, %min3A_231 : vector<1x5120xf32>
    %sub3A_233 = arith.constant 1.000000e+00 : f32
    %sub3A_234 = vector.broadcast %sub3A_233 : f32 to vector<1x5120xf32>
    %sub3A_235 = arith.subf %sub3A_234, %min3A_232 : vector<1x5120xf32>
    %mul3A_236 = arith.mulf %mul3A_158, %sub3A_235 : vector<1x5120xf32>
    %slice3A_237 = vector.extract_strided_slice %get3A_1 {offsets = [0, 768], sizes = [1, 256], strides = [1, 1]} : vector<1x5120xf32> to vector<1x256xf32>
    %transpose3A_238 = tpu.transpose %slice3A_237, [1, 0] : vector<1x256xf32> -> vector<256x1xf32>
    %slice3A_239 = vector.extract_strided_slice %get3A_4 {offsets = [0, 768], sizes = [1, 256], strides = [1, 1]} : vector<1x5120xf32> to vector<1x256xf32>
    %transpose3A_240 = tpu.transpose %slice3A_239, [1, 0] : vector<1x256xf32> -> vector<256x1xf32>
    %slice3A_241 = vector.extract_strided_slice %get3A_7 {offsets = [0, 768], sizes = [1, 256], strides = [1, 1]} : vector<1x5120xf32> to vector<1x256xf32>
    %transpose3A_242 = tpu.transpose %slice3A_241, [1, 0] : vector<1x256xf32> -> vector<256x1xf32>
    %slice3A_243 = vector.extract_strided_slice %get3A_10 {offsets = [0, 768], sizes = [1, 256], strides = [1, 1]} : vector<1x5120xf32> to vector<1x256xf32>
    %transpose3A_244 = tpu.transpose %slice3A_243, [1, 0] : vector<1x256xf32> -> vector<256x1xf32>
    %slice3A_245 = vector.extract_strided_slice %mul3A {offsets = [0, 768], sizes = [1, 256], strides = [1, 1]} : vector<1x5120xf32> to vector<1x256xf32>
    %transpose3A_246 = tpu.transpose %slice3A_245, [1, 0] : vector<1x256xf32> -> vector<256x1xf32>
    %max3A_247 = vector.broadcast %transpose3A_238 : vector<256x1xf32> to vector<256x5120xf32>
    %max3A_248 = vector.broadcast %get3A_1 : vector<1x5120xf32> to vector<256x5120xf32>
    %max3A_249 = arith.maximumf %max3A_247, %max3A_248 : vector<256x5120xf32>
    %max3A_250 = vector.broadcast %transpose3A_240 : vector<256x1xf32> to vector<256x5120xf32>
    %max3A_251 = vector.broadcast %get3A_4 : vector<1x5120xf32> to vector<256x5120xf32>
    %max3A_252 = arith.maximumf %max3A_250, %max3A_251 : vector<256x5120xf32>
    %min3A_253 = vector.broadcast %transpose3A_242 : vector<256x1xf32> to vector<256x5120xf32>
    %min3A_254 = vector.broadcast %get3A_7 : vector<1x5120xf32> to vector<256x5120xf32>
    %min3A_255 = arith.minimumf %min3A_253, %min3A_254 : vector<256x5120xf32>
    %min3A_256 = vector.broadcast %transpose3A_244 : vector<256x1xf32> to vector<256x5120xf32>
    %min3A_257 = vector.broadcast %get3A_10 : vector<1x5120xf32> to vector<256x5120xf32>
    %min3A_258 = arith.minimumf %min3A_256, %min3A_257 : vector<256x5120xf32>
    %sub3A_259 = arith.subf %min3A_255, %max3A_249 : vector<256x5120xf32>
    %max3A_260 = arith.constant 0.000000e+00 : f32
    %max3A_261 = vector.broadcast %max3A_260 : f32 to vector<256x5120xf32>
    %max3A_262 = arith.maximumf %sub3A_259, %max3A_261 : vector<256x5120xf32>
    %sub3A_263 = arith.subf %min3A_258, %max3A_252 : vector<256x5120xf32>
    %max3A_264 = arith.constant 0.000000e+00 : f32
    %max3A_265 = vector.broadcast %max3A_264 : f32 to vector<256x5120xf32>
    %max3A_266 = arith.maximumf %sub3A_263, %max3A_265 : vector<256x5120xf32>
    %mul3A_267 = arith.mulf %max3A_262, %max3A_266 : vector<256x5120xf32>
    %add3A_268 = vector.broadcast %transpose3A_246 : vector<256x1xf32> to vector<256x5120xf32>
    %add3A_269 = vector.broadcast %mul3A : vector<1x5120xf32> to vector<256x5120xf32>
    %add3A_270 = arith.addf %add3A_268, %add3A_269 : vector<256x5120xf32>
    %sub3A_271 = arith.subf %add3A_270, %mul3A_267 : vector<256x5120xf32>
    %add3A_272 = arith.constant 9.99999971E-10 : f32
    %add3A_273 = vector.broadcast %add3A_272 : f32 to vector<256x5120xf32>
    %add3A_274 = arith.addf %sub3A_271, %add3A_273 : vector<256x5120xf32>
    %div3A_275 = arith.divf %mul3A_267, %add3A_274 : vector<256x5120xf32>
    %gt3A_276 = arith.constant 0.699999988 : f32
    %gt3A_277 = vector.broadcast %gt3A_276 : f32 to vector<256x5120xf32>
    %gt3A_278 = arith.cmpf ogt, %div3A_275, %gt3A_277 : vector<256x5120xf32>
    %convert_element_type3A_279 = arith.extui %gt3A_278 : vector<256x5120xi1> to vector<256x5120xi32>
    %convert_element_type3A_280 = arith.sitofp %convert_element_type3A_279 : vector<256x5120xi32> to vector<256x5120xf32>
    %slice3A_281 = vector.extract_strided_slice %convert_element_type3A_280 {offsets = [0, 768], sizes = [256, 256], strides = [1, 1]} : vector<256x5120xf32> to vector<256x256xf32>
    %iota3A_282 = tpu.iota {dimensions = array<i32: 0>} : vector<256x256xi32>
    %convert_element_type3A_283 = arith.sitofp %iota3A_282 : vector<256x256xi32> to vector<256x256xf32>
    %iota3A_284 = tpu.iota {dimensions = array<i32: 1>} : vector<256x256xi32>
    %convert_element_type3A_285 = arith.sitofp %iota3A_284 : vector<256x256xi32> to vector<256x256xf32>
    %lt3A_286 = arith.cmpf olt, %convert_element_type3A_283, %convert_element_type3A_285 : vector<256x256xf32>
    %convert_element_type3A_287 = arith.extui %lt3A_286 : vector<256x256xi1> to vector<256x256xi32>
    %convert_element_type3A_288 = arith.sitofp %convert_element_type3A_287 : vector<256x256xi32> to vector<256x256xf32>
    %mul3A_289 = arith.mulf %slice3A_281, %convert_element_type3A_288 : vector<256x256xf32>
    %slice3A_290 = vector.extract_strided_slice %mul3A_236 {offsets = [0, 768], sizes = [1, 256], strides = [1, 1]} : vector<1x5120xf32> to vector<1x256xf32>
    %while3A_291 = arith.constant true
    %while3A_292:2 = scf.while (%while3A_1567 = %slice3A_290, %while3A_1568 = %while3A_291) : (vector<1x256xf32>, i1) -> (vector<1x256xf32>, i1) {
      scf.condition(%while3A_1568) %while3A_1567, %while3A_1568 : vector<1x256xf32>, i1
    } do {
    ^bb0(%while3A_1567: vector<1x256xf32>, %while3A_1568: i1):
      %transpose3A_1569 = tpu.transpose %while3A_1567, [1, 0] : vector<1x256xf32> -> vector<256x1xf32>
      %mul3A_1570 = vector.broadcast %transpose3A_1569 : vector<256x1xf32> to vector<256x256xf32>
      %mul3A_1571 = arith.mulf %mul3A_289, %mul3A_1570 : vector<256x256xf32>
      %reduce_max3A_1572 = arith.constant dense<0xFF800000> : vector<256xf32>
      %reduce_max3A_1573 = vector.multi_reduction <maximumf>, %mul3A_1571, %reduce_max3A_1572 [0] : vector<256x256xf32> to vector<256xf32>
      %broadcast_in_dim3A_1574 = vector.shape_cast %reduce_max3A_1573 : vector<256xf32> to vector<1x256xf32>
      %min3A_1575 = arith.constant 1.000000e+00 : f32
      %min3A_1576 = vector.broadcast %min3A_1575 : f32 to vector<1x256xf32>
      %min3A_1577 = arith.minimumf %broadcast_in_dim3A_1574, %min3A_1576 : vector<1x256xf32>
      %sub3A_1578 = arith.constant 1.000000e+00 : f32
      %sub3A_1579 = vector.broadcast %sub3A_1578 : f32 to vector<1x256xf32>
      %sub3A_1580 = arith.subf %sub3A_1579, %min3A_1577 : vector<1x256xf32>
      %mul3A_1581 = arith.mulf %slice3A_290, %sub3A_1580 : vector<1x256xf32>
      %ne3A = arith.cmpf one, %mul3A_1581, %while3A_1567 : vector<1x256xf32>
      %reduce_or3A = arith.constant 1.000000e+00 : f32
      %reduce_or3A_1582 = arith.constant 0.000000e+00 : f32
      %reduce_or3A_1583 = vector.broadcast %reduce_or3A : f32 to vector<1x256xf32>
      %reduce_or3A_1584 = vector.broadcast %reduce_or3A_1582 : f32 to vector<1x256xf32>
      %reduce_or3A_1585 = arith.select %ne3A, %reduce_or3A_1583, %reduce_or3A_1584 : vector<1x256xi1>, vector<1x256xf32>
      %reduce_or3A_1586 = vector.shape_cast %reduce_or3A_1585 : vector<1x256xf32> to vector<1x1x256xf32>
      %reduce_or3A_1587 = arith.constant dense<0xFF800000> : vector<1xf32>
      %reduce_or3A_1588 = vector.multi_reduction <maximumf>, %reduce_or3A_1586, %reduce_or3A_1587 [1, 2] : vector<1x1x256xf32> to vector<1xf32>
      %reduce_or3A_1589 = vector.shape_cast %reduce_or3A_1588 : vector<1xf32> to vector<1x1x1xf32>
      %reduce_or3A_1590 = vector.extract %reduce_or3A_1589[0, 0, 0] : f32 from vector<1x1x1xf32>
      %reduce_or3A_1591 = arith.constant 0.000000e+00 : f32
      %reduce_or3A_1592 = arith.cmpf ogt, %reduce_or3A_1590, %reduce_or3A_1591 : f32
      scf.yield %mul3A_1581, %reduce_or3A_1592 : vector<1x256xf32>, i1
    }
    %iota3A_293 = tpu.iota {dimensions = array<i32: 0>} : vector<256x5120xi32>
    %convert_element_type3A_294 = arith.sitofp %iota3A_293 : vector<256x5120xi32> to vector<256x5120xf32>
    %add3A_295 = arith.constant 7.680000e+02 : f32
    %add3A_296 = vector.broadcast %add3A_295 : f32 to vector<256x5120xf32>
    %add3A_297 = arith.addf %add3A_296, %convert_element_type3A_294 : vector<256x5120xf32>
    %gt3A_298 = arith.cmpf ogt, %convert_element_type3A, %add3A_297 : vector<256x5120xf32>
    %convert_element_type3A_299 = arith.extui %gt3A_298 : vector<256x5120xi1> to vector<256x5120xi32>
    %convert_element_type3A_300 = arith.sitofp %convert_element_type3A_299 : vector<256x5120xi32> to vector<256x5120xf32>
    %mul3A_301 = arith.mulf %convert_element_type3A_280, %convert_element_type3A_300 : vector<256x5120xf32>
    %transpose3A_302 = tpu.transpose %while3A_292#0, [1, 0] : vector<1x256xf32> -> vector<256x1xf32>
    %mul3A_303 = vector.broadcast %transpose3A_302 : vector<256x1xf32> to vector<256x5120xf32>
    %mul3A_304 = arith.mulf %mul3A_301, %mul3A_303 : vector<256x5120xf32>
    %reduce_max3A_305 = arith.constant dense<0xFF800000> : vector<5120xf32>
    %reduce_max3A_306 = vector.multi_reduction <maximumf>, %mul3A_304, %reduce_max3A_305 [0] : vector<256x5120xf32> to vector<5120xf32>
    %broadcast_in_dim3A_307 = vector.shape_cast %reduce_max3A_306 : vector<5120xf32> to vector<1x5120xf32>
    %min3A_308 = arith.constant 1.000000e+00 : f32
    %min3A_309 = vector.broadcast %min3A_308 : f32 to vector<1x5120xf32>
    %min3A_310 = arith.minimumf %broadcast_in_dim3A_307, %min3A_309 : vector<1x5120xf32>
    %sub3A_311 = arith.constant 1.000000e+00 : f32
    %sub3A_312 = vector.broadcast %sub3A_311 : f32 to vector<1x5120xf32>
    %sub3A_313 = arith.subf %sub3A_312, %min3A_310 : vector<1x5120xf32>
    %mul3A_314 = arith.mulf %mul3A_236, %sub3A_313 : vector<1x5120xf32>
    %slice3A_315 = vector.extract_strided_slice %get3A_1 {offsets = [0, 1024], sizes = [1, 256], strides = [1, 1]} : vector<1x5120xf32> to vector<1x256xf32>
    %transpose3A_316 = tpu.transpose %slice3A_315, [1, 0] : vector<1x256xf32> -> vector<256x1xf32>
    %slice3A_317 = vector.extract_strided_slice %get3A_4 {offsets = [0, 1024], sizes = [1, 256], strides = [1, 1]} : vector<1x5120xf32> to vector<1x256xf32>
    %transpose3A_318 = tpu.transpose %slice3A_317, [1, 0] : vector<1x256xf32> -> vector<256x1xf32>
    %slice3A_319 = vector.extract_strided_slice %get3A_7 {offsets = [0, 1024], sizes = [1, 256], strides = [1, 1]} : vector<1x5120xf32> to vector<1x256xf32>
    %transpose3A_320 = tpu.transpose %slice3A_319, [1, 0] : vector<1x256xf32> -> vector<256x1xf32>
    %slice3A_321 = vector.extract_strided_slice %get3A_10 {offsets = [0, 1024], sizes = [1, 256], strides = [1, 1]} : vector<1x5120xf32> to vector<1x256xf32>
    %transpose3A_322 = tpu.transpose %slice3A_321, [1, 0] : vector<1x256xf32> -> vector<256x1xf32>
    %slice3A_323 = vector.extract_strided_slice %mul3A {offsets = [0, 1024], sizes = [1, 256], strides = [1, 1]} : vector<1x5120xf32> to vector<1x256xf32>
    %transpose3A_324 = tpu.transpose %slice3A_323, [1, 0] : vector<1x256xf32> -> vector<256x1xf32>
    %max3A_325 = vector.broadcast %transpose3A_316 : vector<256x1xf32> to vector<256x5120xf32>
    %max3A_326 = vector.broadcast %get3A_1 : vector<1x5120xf32> to vector<256x5120xf32>
    %max3A_327 = arith.maximumf %max3A_325, %max3A_326 : vector<256x5120xf32>
    %max3A_328 = vector.broadcast %transpose3A_318 : vector<256x1xf32> to vector<256x5120xf32>
    %max3A_329 = vector.broadcast %get3A_4 : vector<1x5120xf32> to vector<256x5120xf32>
    %max3A_330 = arith.maximumf %max3A_328, %max3A_329 : vector<256x5120xf32>
    %min3A_331 = vector.broadcast %transpose3A_320 : vector<256x1xf32> to vector<256x5120xf32>
    %min3A_332 = vector.broadcast %get3A_7 : vector<1x5120xf32> to vector<256x5120xf32>
    %min3A_333 = arith.minimumf %min3A_331, %min3A_332 : vector<256x5120xf32>
    %min3A_334 = vector.broadcast %transpose3A_322 : vector<256x1xf32> to vector<256x5120xf32>
    %min3A_335 = vector.broadcast %get3A_10 : vector<1x5120xf32> to vector<256x5120xf32>
    %min3A_336 = arith.minimumf %min3A_334, %min3A_335 : vector<256x5120xf32>
    %sub3A_337 = arith.subf %min3A_333, %max3A_327 : vector<256x5120xf32>
    %max3A_338 = arith.constant 0.000000e+00 : f32
    %max3A_339 = vector.broadcast %max3A_338 : f32 to vector<256x5120xf32>
    %max3A_340 = arith.maximumf %sub3A_337, %max3A_339 : vector<256x5120xf32>
    %sub3A_341 = arith.subf %min3A_336, %max3A_330 : vector<256x5120xf32>
    %max3A_342 = arith.constant 0.000000e+00 : f32
    %max3A_343 = vector.broadcast %max3A_342 : f32 to vector<256x5120xf32>
    %max3A_344 = arith.maximumf %sub3A_341, %max3A_343 : vector<256x5120xf32>
    %mul3A_345 = arith.mulf %max3A_340, %max3A_344 : vector<256x5120xf32>
    %add3A_346 = vector.broadcast %transpose3A_324 : vector<256x1xf32> to vector<256x5120xf32>
    %add3A_347 = vector.broadcast %mul3A : vector<1x5120xf32> to vector<256x5120xf32>
    %add3A_348 = arith.addf %add3A_346, %add3A_347 : vector<256x5120xf32>
    %sub3A_349 = arith.subf %add3A_348, %mul3A_345 : vector<256x5120xf32>
    %add3A_350 = arith.constant 9.99999971E-10 : f32
    %add3A_351 = vector.broadcast %add3A_350 : f32 to vector<256x5120xf32>
    %add3A_352 = arith.addf %sub3A_349, %add3A_351 : vector<256x5120xf32>
    %div3A_353 = arith.divf %mul3A_345, %add3A_352 : vector<256x5120xf32>
    %gt3A_354 = arith.constant 0.699999988 : f32
    %gt3A_355 = vector.broadcast %gt3A_354 : f32 to vector<256x5120xf32>
    %gt3A_356 = arith.cmpf ogt, %div3A_353, %gt3A_355 : vector<256x5120xf32>
    %convert_element_type3A_357 = arith.extui %gt3A_356 : vector<256x5120xi1> to vector<256x5120xi32>
    %convert_element_type3A_358 = arith.sitofp %convert_element_type3A_357 : vector<256x5120xi32> to vector<256x5120xf32>
    %slice3A_359 = vector.extract_strided_slice %convert_element_type3A_358 {offsets = [0, 1024], sizes = [256, 256], strides = [1, 1]} : vector<256x5120xf32> to vector<256x256xf32>
    %iota3A_360 = tpu.iota {dimensions = array<i32: 0>} : vector<256x256xi32>
    %convert_element_type3A_361 = arith.sitofp %iota3A_360 : vector<256x256xi32> to vector<256x256xf32>
    %iota3A_362 = tpu.iota {dimensions = array<i32: 1>} : vector<256x256xi32>
    %convert_element_type3A_363 = arith.sitofp %iota3A_362 : vector<256x256xi32> to vector<256x256xf32>
    %lt3A_364 = arith.cmpf olt, %convert_element_type3A_361, %convert_element_type3A_363 : vector<256x256xf32>
    %convert_element_type3A_365 = arith.extui %lt3A_364 : vector<256x256xi1> to vector<256x256xi32>
    %convert_element_type3A_366 = arith.sitofp %convert_element_type3A_365 : vector<256x256xi32> to vector<256x256xf32>
    %mul3A_367 = arith.mulf %slice3A_359, %convert_element_type3A_366 : vector<256x256xf32>
    %slice3A_368 = vector.extract_strided_slice %mul3A_314 {offsets = [0, 1024], sizes = [1, 256], strides = [1, 1]} : vector<1x5120xf32> to vector<1x256xf32>
    %while3A_369 = arith.constant true
    %while3A_370:2 = scf.while (%while3A_1567 = %slice3A_368, %while3A_1568 = %while3A_369) : (vector<1x256xf32>, i1) -> (vector<1x256xf32>, i1) {
      scf.condition(%while3A_1568) %while3A_1567, %while3A_1568 : vector<1x256xf32>, i1
    } do {
    ^bb0(%while3A_1567: vector<1x256xf32>, %while3A_1568: i1):
      %transpose3A_1569 = tpu.transpose %while3A_1567, [1, 0] : vector<1x256xf32> -> vector<256x1xf32>
      %mul3A_1570 = vector.broadcast %transpose3A_1569 : vector<256x1xf32> to vector<256x256xf32>
      %mul3A_1571 = arith.mulf %mul3A_367, %mul3A_1570 : vector<256x256xf32>
      %reduce_max3A_1572 = arith.constant dense<0xFF800000> : vector<256xf32>
      %reduce_max3A_1573 = vector.multi_reduction <maximumf>, %mul3A_1571, %reduce_max3A_1572 [0] : vector<256x256xf32> to vector<256xf32>
      %broadcast_in_dim3A_1574 = vector.shape_cast %reduce_max3A_1573 : vector<256xf32> to vector<1x256xf32>
      %min3A_1575 = arith.constant 1.000000e+00 : f32
      %min3A_1576 = vector.broadcast %min3A_1575 : f32 to vector<1x256xf32>
      %min3A_1577 = arith.minimumf %broadcast_in_dim3A_1574, %min3A_1576 : vector<1x256xf32>
      %sub3A_1578 = arith.constant 1.000000e+00 : f32
      %sub3A_1579 = vector.broadcast %sub3A_1578 : f32 to vector<1x256xf32>
      %sub3A_1580 = arith.subf %sub3A_1579, %min3A_1577 : vector<1x256xf32>
      %mul3A_1581 = arith.mulf %slice3A_368, %sub3A_1580 : vector<1x256xf32>
      %ne3A = arith.cmpf one, %mul3A_1581, %while3A_1567 : vector<1x256xf32>
      %reduce_or3A = arith.constant 1.000000e+00 : f32
      %reduce_or3A_1582 = arith.constant 0.000000e+00 : f32
      %reduce_or3A_1583 = vector.broadcast %reduce_or3A : f32 to vector<1x256xf32>
      %reduce_or3A_1584 = vector.broadcast %reduce_or3A_1582 : f32 to vector<1x256xf32>
      %reduce_or3A_1585 = arith.select %ne3A, %reduce_or3A_1583, %reduce_or3A_1584 : vector<1x256xi1>, vector<1x256xf32>
      %reduce_or3A_1586 = vector.shape_cast %reduce_or3A_1585 : vector<1x256xf32> to vector<1x1x256xf32>
      %reduce_or3A_1587 = arith.constant dense<0xFF800000> : vector<1xf32>
      %reduce_or3A_1588 = vector.multi_reduction <maximumf>, %reduce_or3A_1586, %reduce_or3A_1587 [1, 2] : vector<1x1x256xf32> to vector<1xf32>
      %reduce_or3A_1589 = vector.shape_cast %reduce_or3A_1588 : vector<1xf32> to vector<1x1x1xf32>
      %reduce_or3A_1590 = vector.extract %reduce_or3A_1589[0, 0, 0] : f32 from vector<1x1x1xf32>
      %reduce_or3A_1591 = arith.constant 0.000000e+00 : f32
      %reduce_or3A_1592 = arith.cmpf ogt, %reduce_or3A_1590, %reduce_or3A_1591 : f32
      scf.yield %mul3A_1581, %reduce_or3A_1592 : vector<1x256xf32>, i1
    }
    %iota3A_371 = tpu.iota {dimensions = array<i32: 0>} : vector<256x5120xi32>
    %convert_element_type3A_372 = arith.sitofp %iota3A_371 : vector<256x5120xi32> to vector<256x5120xf32>
    %add3A_373 = arith.constant 1.024000e+03 : f32
    %add3A_374 = vector.broadcast %add3A_373 : f32 to vector<256x5120xf32>
    %add3A_375 = arith.addf %add3A_374, %convert_element_type3A_372 : vector<256x5120xf32>
    %gt3A_376 = arith.cmpf ogt, %convert_element_type3A, %add3A_375 : vector<256x5120xf32>
    %convert_element_type3A_377 = arith.extui %gt3A_376 : vector<256x5120xi1> to vector<256x5120xi32>
    %convert_element_type3A_378 = arith.sitofp %convert_element_type3A_377 : vector<256x5120xi32> to vector<256x5120xf32>
    %mul3A_379 = arith.mulf %convert_element_type3A_358, %convert_element_type3A_378 : vector<256x5120xf32>
    %transpose3A_380 = tpu.transpose %while3A_370#0, [1, 0] : vector<1x256xf32> -> vector<256x1xf32>
    %mul3A_381 = vector.broadcast %transpose3A_380 : vector<256x1xf32> to vector<256x5120xf32>
    %mul3A_382 = arith.mulf %mul3A_379, %mul3A_381 : vector<256x5120xf32>
    %reduce_max3A_383 = arith.constant dense<0xFF800000> : vector<5120xf32>
    %reduce_max3A_384 = vector.multi_reduction <maximumf>, %mul3A_382, %reduce_max3A_383 [0] : vector<256x5120xf32> to vector<5120xf32>
    %broadcast_in_dim3A_385 = vector.shape_cast %reduce_max3A_384 : vector<5120xf32> to vector<1x5120xf32>
    %min3A_386 = arith.constant 1.000000e+00 : f32
    %min3A_387 = vector.broadcast %min3A_386 : f32 to vector<1x5120xf32>
    %min3A_388 = arith.minimumf %broadcast_in_dim3A_385, %min3A_387 : vector<1x5120xf32>
    %sub3A_389 = arith.constant 1.000000e+00 : f32
    %sub3A_390 = vector.broadcast %sub3A_389 : f32 to vector<1x5120xf32>
    %sub3A_391 = arith.subf %sub3A_390, %min3A_388 : vector<1x5120xf32>
    %mul3A_392 = arith.mulf %mul3A_314, %sub3A_391 : vector<1x5120xf32>
    %slice3A_393 = vector.extract_strided_slice %get3A_1 {offsets = [0, 1280], sizes = [1, 256], strides = [1, 1]} : vector<1x5120xf32> to vector<1x256xf32>
    %transpose3A_394 = tpu.transpose %slice3A_393, [1, 0] : vector<1x256xf32> -> vector<256x1xf32>
    %slice3A_395 = vector.extract_strided_slice %get3A_4 {offsets = [0, 1280], sizes = [1, 256], strides = [1, 1]} : vector<1x5120xf32> to vector<1x256xf32>
    %transpose3A_396 = tpu.transpose %slice3A_395, [1, 0] : vector<1x256xf32> -> vector<256x1xf32>
    %slice3A_397 = vector.extract_strided_slice %get3A_7 {offsets = [0, 1280], sizes = [1, 256], strides = [1, 1]} : vector<1x5120xf32> to vector<1x256xf32>
    %transpose3A_398 = tpu.transpose %slice3A_397, [1, 0] : vector<1x256xf32> -> vector<256x1xf32>
    %slice3A_399 = vector.extract_strided_slice %get3A_10 {offsets = [0, 1280], sizes = [1, 256], strides = [1, 1]} : vector<1x5120xf32> to vector<1x256xf32>
    %transpose3A_400 = tpu.transpose %slice3A_399, [1, 0] : vector<1x256xf32> -> vector<256x1xf32>
    %slice3A_401 = vector.extract_strided_slice %mul3A {offsets = [0, 1280], sizes = [1, 256], strides = [1, 1]} : vector<1x5120xf32> to vector<1x256xf32>
    %transpose3A_402 = tpu.transpose %slice3A_401, [1, 0] : vector<1x256xf32> -> vector<256x1xf32>
    %max3A_403 = vector.broadcast %transpose3A_394 : vector<256x1xf32> to vector<256x5120xf32>
    %max3A_404 = vector.broadcast %get3A_1 : vector<1x5120xf32> to vector<256x5120xf32>
    %max3A_405 = arith.maximumf %max3A_403, %max3A_404 : vector<256x5120xf32>
    %max3A_406 = vector.broadcast %transpose3A_396 : vector<256x1xf32> to vector<256x5120xf32>
    %max3A_407 = vector.broadcast %get3A_4 : vector<1x5120xf32> to vector<256x5120xf32>
    %max3A_408 = arith.maximumf %max3A_406, %max3A_407 : vector<256x5120xf32>
    %min3A_409 = vector.broadcast %transpose3A_398 : vector<256x1xf32> to vector<256x5120xf32>
    %min3A_410 = vector.broadcast %get3A_7 : vector<1x5120xf32> to vector<256x5120xf32>
    %min3A_411 = arith.minimumf %min3A_409, %min3A_410 : vector<256x5120xf32>
    %min3A_412 = vector.broadcast %transpose3A_400 : vector<256x1xf32> to vector<256x5120xf32>
    %min3A_413 = vector.broadcast %get3A_10 : vector<1x5120xf32> to vector<256x5120xf32>
    %min3A_414 = arith.minimumf %min3A_412, %min3A_413 : vector<256x5120xf32>
    %sub3A_415 = arith.subf %min3A_411, %max3A_405 : vector<256x5120xf32>
    %max3A_416 = arith.constant 0.000000e+00 : f32
    %max3A_417 = vector.broadcast %max3A_416 : f32 to vector<256x5120xf32>
    %max3A_418 = arith.maximumf %sub3A_415, %max3A_417 : vector<256x5120xf32>
    %sub3A_419 = arith.subf %min3A_414, %max3A_408 : vector<256x5120xf32>
    %max3A_420 = arith.constant 0.000000e+00 : f32
    %max3A_421 = vector.broadcast %max3A_420 : f32 to vector<256x5120xf32>
    %max3A_422 = arith.maximumf %sub3A_419, %max3A_421 : vector<256x5120xf32>
    %mul3A_423 = arith.mulf %max3A_418, %max3A_422 : vector<256x5120xf32>
    %add3A_424 = vector.broadcast %transpose3A_402 : vector<256x1xf32> to vector<256x5120xf32>
    %add3A_425 = vector.broadcast %mul3A : vector<1x5120xf32> to vector<256x5120xf32>
    %add3A_426 = arith.addf %add3A_424, %add3A_425 : vector<256x5120xf32>
    %sub3A_427 = arith.subf %add3A_426, %mul3A_423 : vector<256x5120xf32>
    %add3A_428 = arith.constant 9.99999971E-10 : f32
    %add3A_429 = vector.broadcast %add3A_428 : f32 to vector<256x5120xf32>
    %add3A_430 = arith.addf %sub3A_427, %add3A_429 : vector<256x5120xf32>
    %div3A_431 = arith.divf %mul3A_423, %add3A_430 : vector<256x5120xf32>
    %gt3A_432 = arith.constant 0.699999988 : f32
    %gt3A_433 = vector.broadcast %gt3A_432 : f32 to vector<256x5120xf32>
    %gt3A_434 = arith.cmpf ogt, %div3A_431, %gt3A_433 : vector<256x5120xf32>
    %convert_element_type3A_435 = arith.extui %gt3A_434 : vector<256x5120xi1> to vector<256x5120xi32>
    %convert_element_type3A_436 = arith.sitofp %convert_element_type3A_435 : vector<256x5120xi32> to vector<256x5120xf32>
    %slice3A_437 = vector.extract_strided_slice %convert_element_type3A_436 {offsets = [0, 1280], sizes = [256, 256], strides = [1, 1]} : vector<256x5120xf32> to vector<256x256xf32>
    %iota3A_438 = tpu.iota {dimensions = array<i32: 0>} : vector<256x256xi32>
    %convert_element_type3A_439 = arith.sitofp %iota3A_438 : vector<256x256xi32> to vector<256x256xf32>
    %iota3A_440 = tpu.iota {dimensions = array<i32: 1>} : vector<256x256xi32>
    %convert_element_type3A_441 = arith.sitofp %iota3A_440 : vector<256x256xi32> to vector<256x256xf32>
    %lt3A_442 = arith.cmpf olt, %convert_element_type3A_439, %convert_element_type3A_441 : vector<256x256xf32>
    %convert_element_type3A_443 = arith.extui %lt3A_442 : vector<256x256xi1> to vector<256x256xi32>
    %convert_element_type3A_444 = arith.sitofp %convert_element_type3A_443 : vector<256x256xi32> to vector<256x256xf32>
    %mul3A_445 = arith.mulf %slice3A_437, %convert_element_type3A_444 : vector<256x256xf32>
    %slice3A_446 = vector.extract_strided_slice %mul3A_392 {offsets = [0, 1280], sizes = [1, 256], strides = [1, 1]} : vector<1x5120xf32> to vector<1x256xf32>
    %while3A_447 = arith.constant true
    %while3A_448:2 = scf.while (%while3A_1567 = %slice3A_446, %while3A_1568 = %while3A_447) : (vector<1x256xf32>, i1) -> (vector<1x256xf32>, i1) {
      scf.condition(%while3A_1568) %while3A_1567, %while3A_1568 : vector<1x256xf32>, i1
    } do {
    ^bb0(%while3A_1567: vector<1x256xf32>, %while3A_1568: i1):
      %transpose3A_1569 = tpu.transpose %while3A_1567, [1, 0] : vector<1x256xf32> -> vector<256x1xf32>
      %mul3A_1570 = vector.broadcast %transpose3A_1569 : vector<256x1xf32> to vector<256x256xf32>
      %mul3A_1571 = arith.mulf %mul3A_445, %mul3A_1570 : vector<256x256xf32>
      %reduce_max3A_1572 = arith.constant dense<0xFF800000> : vector<256xf32>
      %reduce_max3A_1573 = vector.multi_reduction <maximumf>, %mul3A_1571, %reduce_max3A_1572 [0] : vector<256x256xf32> to vector<256xf32>
      %broadcast_in_dim3A_1574 = vector.shape_cast %reduce_max3A_1573 : vector<256xf32> to vector<1x256xf32>
      %min3A_1575 = arith.constant 1.000000e+00 : f32
      %min3A_1576 = vector.broadcast %min3A_1575 : f32 to vector<1x256xf32>
      %min3A_1577 = arith.minimumf %broadcast_in_dim3A_1574, %min3A_1576 : vector<1x256xf32>
      %sub3A_1578 = arith.constant 1.000000e+00 : f32
      %sub3A_1579 = vector.broadcast %sub3A_1578 : f32 to vector<1x256xf32>
      %sub3A_1580 = arith.subf %sub3A_1579, %min3A_1577 : vector<1x256xf32>
      %mul3A_1581 = arith.mulf %slice3A_446, %sub3A_1580 : vector<1x256xf32>
      %ne3A = arith.cmpf one, %mul3A_1581, %while3A_1567 : vector<1x256xf32>
      %reduce_or3A = arith.constant 1.000000e+00 : f32
      %reduce_or3A_1582 = arith.constant 0.000000e+00 : f32
      %reduce_or3A_1583 = vector.broadcast %reduce_or3A : f32 to vector<1x256xf32>
      %reduce_or3A_1584 = vector.broadcast %reduce_or3A_1582 : f32 to vector<1x256xf32>
      %reduce_or3A_1585 = arith.select %ne3A, %reduce_or3A_1583, %reduce_or3A_1584 : vector<1x256xi1>, vector<1x256xf32>
      %reduce_or3A_1586 = vector.shape_cast %reduce_or3A_1585 : vector<1x256xf32> to vector<1x1x256xf32>
      %reduce_or3A_1587 = arith.constant dense<0xFF800000> : vector<1xf32>
      %reduce_or3A_1588 = vector.multi_reduction <maximumf>, %reduce_or3A_1586, %reduce_or3A_1587 [1, 2] : vector<1x1x256xf32> to vector<1xf32>
      %reduce_or3A_1589 = vector.shape_cast %reduce_or3A_1588 : vector<1xf32> to vector<1x1x1xf32>
      %reduce_or3A_1590 = vector.extract %reduce_or3A_1589[0, 0, 0] : f32 from vector<1x1x1xf32>
      %reduce_or3A_1591 = arith.constant 0.000000e+00 : f32
      %reduce_or3A_1592 = arith.cmpf ogt, %reduce_or3A_1590, %reduce_or3A_1591 : f32
      scf.yield %mul3A_1581, %reduce_or3A_1592 : vector<1x256xf32>, i1
    }
    %iota3A_449 = tpu.iota {dimensions = array<i32: 0>} : vector<256x5120xi32>
    %convert_element_type3A_450 = arith.sitofp %iota3A_449 : vector<256x5120xi32> to vector<256x5120xf32>
    %add3A_451 = arith.constant 1.280000e+03 : f32
    %add3A_452 = vector.broadcast %add3A_451 : f32 to vector<256x5120xf32>
    %add3A_453 = arith.addf %add3A_452, %convert_element_type3A_450 : vector<256x5120xf32>
    %gt3A_454 = arith.cmpf ogt, %convert_element_type3A, %add3A_453 : vector<256x5120xf32>
    %convert_element_type3A_455 = arith.extui %gt3A_454 : vector<256x5120xi1> to vector<256x5120xi32>
    %convert_element_type3A_456 = arith.sitofp %convert_element_type3A_455 : vector<256x5120xi32> to vector<256x5120xf32>
    %mul3A_457 = arith.mulf %convert_element_type3A_436, %convert_element_type3A_456 : vector<256x5120xf32>
    %transpose3A_458 = tpu.transpose %while3A_448#0, [1, 0] : vector<1x256xf32> -> vector<256x1xf32>
    %mul3A_459 = vector.broadcast %transpose3A_458 : vector<256x1xf32> to vector<256x5120xf32>
    %mul3A_460 = arith.mulf %mul3A_457, %mul3A_459 : vector<256x5120xf32>
    %reduce_max3A_461 = arith.constant dense<0xFF800000> : vector<5120xf32>
    %reduce_max3A_462 = vector.multi_reduction <maximumf>, %mul3A_460, %reduce_max3A_461 [0] : vector<256x5120xf32> to vector<5120xf32>
    %broadcast_in_dim3A_463 = vector.shape_cast %reduce_max3A_462 : vector<5120xf32> to vector<1x5120xf32>
    %min3A_464 = arith.constant 1.000000e+00 : f32
    %min3A_465 = vector.broadcast %min3A_464 : f32 to vector<1x5120xf32>
    %min3A_466 = arith.minimumf %broadcast_in_dim3A_463, %min3A_465 : vector<1x5120xf32>
    %sub3A_467 = arith.constant 1.000000e+00 : f32
    %sub3A_468 = vector.broadcast %sub3A_467 : f32 to vector<1x5120xf32>
    %sub3A_469 = arith.subf %sub3A_468, %min3A_466 : vector<1x5120xf32>
    %mul3A_470 = arith.mulf %mul3A_392, %sub3A_469 : vector<1x5120xf32>
    %slice3A_471 = vector.extract_strided_slice %get3A_1 {offsets = [0, 1536], sizes = [1, 256], strides = [1, 1]} : vector<1x5120xf32> to vector<1x256xf32>
    %transpose3A_472 = tpu.transpose %slice3A_471, [1, 0] : vector<1x256xf32> -> vector<256x1xf32>
    %slice3A_473 = vector.extract_strided_slice %get3A_4 {offsets = [0, 1536], sizes = [1, 256], strides = [1, 1]} : vector<1x5120xf32> to vector<1x256xf32>
    %transpose3A_474 = tpu.transpose %slice3A_473, [1, 0] : vector<1x256xf32> -> vector<256x1xf32>
    %slice3A_475 = vector.extract_strided_slice %get3A_7 {offsets = [0, 1536], sizes = [1, 256], strides = [1, 1]} : vector<1x5120xf32> to vector<1x256xf32>
    %transpose3A_476 = tpu.transpose %slice3A_475, [1, 0] : vector<1x256xf32> -> vector<256x1xf32>
    %slice3A_477 = vector.extract_strided_slice %get3A_10 {offsets = [0, 1536], sizes = [1, 256], strides = [1, 1]} : vector<1x5120xf32> to vector<1x256xf32>
    %transpose3A_478 = tpu.transpose %slice3A_477, [1, 0] : vector<1x256xf32> -> vector<256x1xf32>
    %slice3A_479 = vector.extract_strided_slice %mul3A {offsets = [0, 1536], sizes = [1, 256], strides = [1, 1]} : vector<1x5120xf32> to vector<1x256xf32>
    %transpose3A_480 = tpu.transpose %slice3A_479, [1, 0] : vector<1x256xf32> -> vector<256x1xf32>
    %max3A_481 = vector.broadcast %transpose3A_472 : vector<256x1xf32> to vector<256x5120xf32>
    %max3A_482 = vector.broadcast %get3A_1 : vector<1x5120xf32> to vector<256x5120xf32>
    %max3A_483 = arith.maximumf %max3A_481, %max3A_482 : vector<256x5120xf32>
    %max3A_484 = vector.broadcast %transpose3A_474 : vector<256x1xf32> to vector<256x5120xf32>
    %max3A_485 = vector.broadcast %get3A_4 : vector<1x5120xf32> to vector<256x5120xf32>
    %max3A_486 = arith.maximumf %max3A_484, %max3A_485 : vector<256x5120xf32>
    %min3A_487 = vector.broadcast %transpose3A_476 : vector<256x1xf32> to vector<256x5120xf32>
    %min3A_488 = vector.broadcast %get3A_7 : vector<1x5120xf32> to vector<256x5120xf32>
    %min3A_489 = arith.minimumf %min3A_487, %min3A_488 : vector<256x5120xf32>
    %min3A_490 = vector.broadcast %transpose3A_478 : vector<256x1xf32> to vector<256x5120xf32>
    %min3A_491 = vector.broadcast %get3A_10 : vector<1x5120xf32> to vector<256x5120xf32>
    %min3A_492 = arith.minimumf %min3A_490, %min3A_491 : vector<256x5120xf32>
    %sub3A_493 = arith.subf %min3A_489, %max3A_483 : vector<256x5120xf32>
    %max3A_494 = arith.constant 0.000000e+00 : f32
    %max3A_495 = vector.broadcast %max3A_494 : f32 to vector<256x5120xf32>
    %max3A_496 = arith.maximumf %sub3A_493, %max3A_495 : vector<256x5120xf32>
    %sub3A_497 = arith.subf %min3A_492, %max3A_486 : vector<256x5120xf32>
    %max3A_498 = arith.constant 0.000000e+00 : f32
    %max3A_499 = vector.broadcast %max3A_498 : f32 to vector<256x5120xf32>
    %max3A_500 = arith.maximumf %sub3A_497, %max3A_499 : vector<256x5120xf32>
    %mul3A_501 = arith.mulf %max3A_496, %max3A_500 : vector<256x5120xf32>
    %add3A_502 = vector.broadcast %transpose3A_480 : vector<256x1xf32> to vector<256x5120xf32>
    %add3A_503 = vector.broadcast %mul3A : vector<1x5120xf32> to vector<256x5120xf32>
    %add3A_504 = arith.addf %add3A_502, %add3A_503 : vector<256x5120xf32>
    %sub3A_505 = arith.subf %add3A_504, %mul3A_501 : vector<256x5120xf32>
    %add3A_506 = arith.constant 9.99999971E-10 : f32
    %add3A_507 = vector.broadcast %add3A_506 : f32 to vector<256x5120xf32>
    %add3A_508 = arith.addf %sub3A_505, %add3A_507 : vector<256x5120xf32>
    %div3A_509 = arith.divf %mul3A_501, %add3A_508 : vector<256x5120xf32>
    %gt3A_510 = arith.constant 0.699999988 : f32
    %gt3A_511 = vector.broadcast %gt3A_510 : f32 to vector<256x5120xf32>
    %gt3A_512 = arith.cmpf ogt, %div3A_509, %gt3A_511 : vector<256x5120xf32>
    %convert_element_type3A_513 = arith.extui %gt3A_512 : vector<256x5120xi1> to vector<256x5120xi32>
    %convert_element_type3A_514 = arith.sitofp %convert_element_type3A_513 : vector<256x5120xi32> to vector<256x5120xf32>
    %slice3A_515 = vector.extract_strided_slice %convert_element_type3A_514 {offsets = [0, 1536], sizes = [256, 256], strides = [1, 1]} : vector<256x5120xf32> to vector<256x256xf32>
    %iota3A_516 = tpu.iota {dimensions = array<i32: 0>} : vector<256x256xi32>
    %convert_element_type3A_517 = arith.sitofp %iota3A_516 : vector<256x256xi32> to vector<256x256xf32>
    %iota3A_518 = tpu.iota {dimensions = array<i32: 1>} : vector<256x256xi32>
    %convert_element_type3A_519 = arith.sitofp %iota3A_518 : vector<256x256xi32> to vector<256x256xf32>
    %lt3A_520 = arith.cmpf olt, %convert_element_type3A_517, %convert_element_type3A_519 : vector<256x256xf32>
    %convert_element_type3A_521 = arith.extui %lt3A_520 : vector<256x256xi1> to vector<256x256xi32>
    %convert_element_type3A_522 = arith.sitofp %convert_element_type3A_521 : vector<256x256xi32> to vector<256x256xf32>
    %mul3A_523 = arith.mulf %slice3A_515, %convert_element_type3A_522 : vector<256x256xf32>
    %slice3A_524 = vector.extract_strided_slice %mul3A_470 {offsets = [0, 1536], sizes = [1, 256], strides = [1, 1]} : vector<1x5120xf32> to vector<1x256xf32>
    %while3A_525 = arith.constant true
    %while3A_526:2 = scf.while (%while3A_1567 = %slice3A_524, %while3A_1568 = %while3A_525) : (vector<1x256xf32>, i1) -> (vector<1x256xf32>, i1) {
      scf.condition(%while3A_1568) %while3A_1567, %while3A_1568 : vector<1x256xf32>, i1
    } do {
    ^bb0(%while3A_1567: vector<1x256xf32>, %while3A_1568: i1):
      %transpose3A_1569 = tpu.transpose %while3A_1567, [1, 0] : vector<1x256xf32> -> vector<256x1xf32>
      %mul3A_1570 = vector.broadcast %transpose3A_1569 : vector<256x1xf32> to vector<256x256xf32>
      %mul3A_1571 = arith.mulf %mul3A_523, %mul3A_1570 : vector<256x256xf32>
      %reduce_max3A_1572 = arith.constant dense<0xFF800000> : vector<256xf32>
      %reduce_max3A_1573 = vector.multi_reduction <maximumf>, %mul3A_1571, %reduce_max3A_1572 [0] : vector<256x256xf32> to vector<256xf32>
      %broadcast_in_dim3A_1574 = vector.shape_cast %reduce_max3A_1573 : vector<256xf32> to vector<1x256xf32>
      %min3A_1575 = arith.constant 1.000000e+00 : f32
      %min3A_1576 = vector.broadcast %min3A_1575 : f32 to vector<1x256xf32>
      %min3A_1577 = arith.minimumf %broadcast_in_dim3A_1574, %min3A_1576 : vector<1x256xf32>
      %sub3A_1578 = arith.constant 1.000000e+00 : f32
      %sub3A_1579 = vector.broadcast %sub3A_1578 : f32 to vector<1x256xf32>
      %sub3A_1580 = arith.subf %sub3A_1579, %min3A_1577 : vector<1x256xf32>
      %mul3A_1581 = arith.mulf %slice3A_524, %sub3A_1580 : vector<1x256xf32>
      %ne3A = arith.cmpf one, %mul3A_1581, %while3A_1567 : vector<1x256xf32>
      %reduce_or3A = arith.constant 1.000000e+00 : f32
      %reduce_or3A_1582 = arith.constant 0.000000e+00 : f32
      %reduce_or3A_1583 = vector.broadcast %reduce_or3A : f32 to vector<1x256xf32>
      %reduce_or3A_1584 = vector.broadcast %reduce_or3A_1582 : f32 to vector<1x256xf32>
      %reduce_or3A_1585 = arith.select %ne3A, %reduce_or3A_1583, %reduce_or3A_1584 : vector<1x256xi1>, vector<1x256xf32>
      %reduce_or3A_1586 = vector.shape_cast %reduce_or3A_1585 : vector<1x256xf32> to vector<1x1x256xf32>
      %reduce_or3A_1587 = arith.constant dense<0xFF800000> : vector<1xf32>
      %reduce_or3A_1588 = vector.multi_reduction <maximumf>, %reduce_or3A_1586, %reduce_or3A_1587 [1, 2] : vector<1x1x256xf32> to vector<1xf32>
      %reduce_or3A_1589 = vector.shape_cast %reduce_or3A_1588 : vector<1xf32> to vector<1x1x1xf32>
      %reduce_or3A_1590 = vector.extract %reduce_or3A_1589[0, 0, 0] : f32 from vector<1x1x1xf32>
      %reduce_or3A_1591 = arith.constant 0.000000e+00 : f32
      %reduce_or3A_1592 = arith.cmpf ogt, %reduce_or3A_1590, %reduce_or3A_1591 : f32
      scf.yield %mul3A_1581, %reduce_or3A_1592 : vector<1x256xf32>, i1
    }
    %iota3A_527 = tpu.iota {dimensions = array<i32: 0>} : vector<256x5120xi32>
    %convert_element_type3A_528 = arith.sitofp %iota3A_527 : vector<256x5120xi32> to vector<256x5120xf32>
    %add3A_529 = arith.constant 1.536000e+03 : f32
    %add3A_530 = vector.broadcast %add3A_529 : f32 to vector<256x5120xf32>
    %add3A_531 = arith.addf %add3A_530, %convert_element_type3A_528 : vector<256x5120xf32>
    %gt3A_532 = arith.cmpf ogt, %convert_element_type3A, %add3A_531 : vector<256x5120xf32>
    %convert_element_type3A_533 = arith.extui %gt3A_532 : vector<256x5120xi1> to vector<256x5120xi32>
    %convert_element_type3A_534 = arith.sitofp %convert_element_type3A_533 : vector<256x5120xi32> to vector<256x5120xf32>
    %mul3A_535 = arith.mulf %convert_element_type3A_514, %convert_element_type3A_534 : vector<256x5120xf32>
    %transpose3A_536 = tpu.transpose %while3A_526#0, [1, 0] : vector<1x256xf32> -> vector<256x1xf32>
    %mul3A_537 = vector.broadcast %transpose3A_536 : vector<256x1xf32> to vector<256x5120xf32>
    %mul3A_538 = arith.mulf %mul3A_535, %mul3A_537 : vector<256x5120xf32>
    %reduce_max3A_539 = arith.constant dense<0xFF800000> : vector<5120xf32>
    %reduce_max3A_540 = vector.multi_reduction <maximumf>, %mul3A_538, %reduce_max3A_539 [0] : vector<256x5120xf32> to vector<5120xf32>
    %broadcast_in_dim3A_541 = vector.shape_cast %reduce_max3A_540 : vector<5120xf32> to vector<1x5120xf32>
    %min3A_542 = arith.constant 1.000000e+00 : f32
    %min3A_543 = vector.broadcast %min3A_542 : f32 to vector<1x5120xf32>
    %min3A_544 = arith.minimumf %broadcast_in_dim3A_541, %min3A_543 : vector<1x5120xf32>
    %sub3A_545 = arith.constant 1.000000e+00 : f32
    %sub3A_546 = vector.broadcast %sub3A_545 : f32 to vector<1x5120xf32>
    %sub3A_547 = arith.subf %sub3A_546, %min3A_544 : vector<1x5120xf32>
    %mul3A_548 = arith.mulf %mul3A_470, %sub3A_547 : vector<1x5120xf32>
    %slice3A_549 = vector.extract_strided_slice %get3A_1 {offsets = [0, 1792], sizes = [1, 256], strides = [1, 1]} : vector<1x5120xf32> to vector<1x256xf32>
    %transpose3A_550 = tpu.transpose %slice3A_549, [1, 0] : vector<1x256xf32> -> vector<256x1xf32>
    %slice3A_551 = vector.extract_strided_slice %get3A_4 {offsets = [0, 1792], sizes = [1, 256], strides = [1, 1]} : vector<1x5120xf32> to vector<1x256xf32>
    %transpose3A_552 = tpu.transpose %slice3A_551, [1, 0] : vector<1x256xf32> -> vector<256x1xf32>
    %slice3A_553 = vector.extract_strided_slice %get3A_7 {offsets = [0, 1792], sizes = [1, 256], strides = [1, 1]} : vector<1x5120xf32> to vector<1x256xf32>
    %transpose3A_554 = tpu.transpose %slice3A_553, [1, 0] : vector<1x256xf32> -> vector<256x1xf32>
    %slice3A_555 = vector.extract_strided_slice %get3A_10 {offsets = [0, 1792], sizes = [1, 256], strides = [1, 1]} : vector<1x5120xf32> to vector<1x256xf32>
    %transpose3A_556 = tpu.transpose %slice3A_555, [1, 0] : vector<1x256xf32> -> vector<256x1xf32>
    %slice3A_557 = vector.extract_strided_slice %mul3A {offsets = [0, 1792], sizes = [1, 256], strides = [1, 1]} : vector<1x5120xf32> to vector<1x256xf32>
    %transpose3A_558 = tpu.transpose %slice3A_557, [1, 0] : vector<1x256xf32> -> vector<256x1xf32>
    %max3A_559 = vector.broadcast %transpose3A_550 : vector<256x1xf32> to vector<256x5120xf32>
    %max3A_560 = vector.broadcast %get3A_1 : vector<1x5120xf32> to vector<256x5120xf32>
    %max3A_561 = arith.maximumf %max3A_559, %max3A_560 : vector<256x5120xf32>
    %max3A_562 = vector.broadcast %transpose3A_552 : vector<256x1xf32> to vector<256x5120xf32>
    %max3A_563 = vector.broadcast %get3A_4 : vector<1x5120xf32> to vector<256x5120xf32>
    %max3A_564 = arith.maximumf %max3A_562, %max3A_563 : vector<256x5120xf32>
    %min3A_565 = vector.broadcast %transpose3A_554 : vector<256x1xf32> to vector<256x5120xf32>
    %min3A_566 = vector.broadcast %get3A_7 : vector<1x5120xf32> to vector<256x5120xf32>
    %min3A_567 = arith.minimumf %min3A_565, %min3A_566 : vector<256x5120xf32>
    %min3A_568 = vector.broadcast %transpose3A_556 : vector<256x1xf32> to vector<256x5120xf32>
    %min3A_569 = vector.broadcast %get3A_10 : vector<1x5120xf32> to vector<256x5120xf32>
    %min3A_570 = arith.minimumf %min3A_568, %min3A_569 : vector<256x5120xf32>
    %sub3A_571 = arith.subf %min3A_567, %max3A_561 : vector<256x5120xf32>
    %max3A_572 = arith.constant 0.000000e+00 : f32
    %max3A_573 = vector.broadcast %max3A_572 : f32 to vector<256x5120xf32>
    %max3A_574 = arith.maximumf %sub3A_571, %max3A_573 : vector<256x5120xf32>
    %sub3A_575 = arith.subf %min3A_570, %max3A_564 : vector<256x5120xf32>
    %max3A_576 = arith.constant 0.000000e+00 : f32
    %max3A_577 = vector.broadcast %max3A_576 : f32 to vector<256x5120xf32>
    %max3A_578 = arith.maximumf %sub3A_575, %max3A_577 : vector<256x5120xf32>
    %mul3A_579 = arith.mulf %max3A_574, %max3A_578 : vector<256x5120xf32>
    %add3A_580 = vector.broadcast %transpose3A_558 : vector<256x1xf32> to vector<256x5120xf32>
    %add3A_581 = vector.broadcast %mul3A : vector<1x5120xf32> to vector<256x5120xf32>
    %add3A_582 = arith.addf %add3A_580, %add3A_581 : vector<256x5120xf32>
    %sub3A_583 = arith.subf %add3A_582, %mul3A_579 : vector<256x5120xf32>
    %add3A_584 = arith.constant 9.99999971E-10 : f32
    %add3A_585 = vector.broadcast %add3A_584 : f32 to vector<256x5120xf32>
    %add3A_586 = arith.addf %sub3A_583, %add3A_585 : vector<256x5120xf32>
    %div3A_587 = arith.divf %mul3A_579, %add3A_586 : vector<256x5120xf32>
    %gt3A_588 = arith.constant 0.699999988 : f32
    %gt3A_589 = vector.broadcast %gt3A_588 : f32 to vector<256x5120xf32>
    %gt3A_590 = arith.cmpf ogt, %div3A_587, %gt3A_589 : vector<256x5120xf32>
    %convert_element_type3A_591 = arith.extui %gt3A_590 : vector<256x5120xi1> to vector<256x5120xi32>
    %convert_element_type3A_592 = arith.sitofp %convert_element_type3A_591 : vector<256x5120xi32> to vector<256x5120xf32>
    %slice3A_593 = vector.extract_strided_slice %convert_element_type3A_592 {offsets = [0, 1792], sizes = [256, 256], strides = [1, 1]} : vector<256x5120xf32> to vector<256x256xf32>
    %iota3A_594 = tpu.iota {dimensions = array<i32: 0>} : vector<256x256xi32>
    %convert_element_type3A_595 = arith.sitofp %iota3A_594 : vector<256x256xi32> to vector<256x256xf32>
    %iota3A_596 = tpu.iota {dimensions = array<i32: 1>} : vector<256x256xi32>
    %convert_element_type3A_597 = arith.sitofp %iota3A_596 : vector<256x256xi32> to vector<256x256xf32>
    %lt3A_598 = arith.cmpf olt, %convert_element_type3A_595, %convert_element_type3A_597 : vector<256x256xf32>
    %convert_element_type3A_599 = arith.extui %lt3A_598 : vector<256x256xi1> to vector<256x256xi32>
    %convert_element_type3A_600 = arith.sitofp %convert_element_type3A_599 : vector<256x256xi32> to vector<256x256xf32>
    %mul3A_601 = arith.mulf %slice3A_593, %convert_element_type3A_600 : vector<256x256xf32>
    %slice3A_602 = vector.extract_strided_slice %mul3A_548 {offsets = [0, 1792], sizes = [1, 256], strides = [1, 1]} : vector<1x5120xf32> to vector<1x256xf32>
    %while3A_603 = arith.constant true
    %while3A_604:2 = scf.while (%while3A_1567 = %slice3A_602, %while3A_1568 = %while3A_603) : (vector<1x256xf32>, i1) -> (vector<1x256xf32>, i1) {
      scf.condition(%while3A_1568) %while3A_1567, %while3A_1568 : vector<1x256xf32>, i1
    } do {
    ^bb0(%while3A_1567: vector<1x256xf32>, %while3A_1568: i1):
      %transpose3A_1569 = tpu.transpose %while3A_1567, [1, 0] : vector<1x256xf32> -> vector<256x1xf32>
      %mul3A_1570 = vector.broadcast %transpose3A_1569 : vector<256x1xf32> to vector<256x256xf32>
      %mul3A_1571 = arith.mulf %mul3A_601, %mul3A_1570 : vector<256x256xf32>
      %reduce_max3A_1572 = arith.constant dense<0xFF800000> : vector<256xf32>
      %reduce_max3A_1573 = vector.multi_reduction <maximumf>, %mul3A_1571, %reduce_max3A_1572 [0] : vector<256x256xf32> to vector<256xf32>
      %broadcast_in_dim3A_1574 = vector.shape_cast %reduce_max3A_1573 : vector<256xf32> to vector<1x256xf32>
      %min3A_1575 = arith.constant 1.000000e+00 : f32
      %min3A_1576 = vector.broadcast %min3A_1575 : f32 to vector<1x256xf32>
      %min3A_1577 = arith.minimumf %broadcast_in_dim3A_1574, %min3A_1576 : vector<1x256xf32>
      %sub3A_1578 = arith.constant 1.000000e+00 : f32
      %sub3A_1579 = vector.broadcast %sub3A_1578 : f32 to vector<1x256xf32>
      %sub3A_1580 = arith.subf %sub3A_1579, %min3A_1577 : vector<1x256xf32>
      %mul3A_1581 = arith.mulf %slice3A_602, %sub3A_1580 : vector<1x256xf32>
      %ne3A = arith.cmpf one, %mul3A_1581, %while3A_1567 : vector<1x256xf32>
      %reduce_or3A = arith.constant 1.000000e+00 : f32
      %reduce_or3A_1582 = arith.constant 0.000000e+00 : f32
      %reduce_or3A_1583 = vector.broadcast %reduce_or3A : f32 to vector<1x256xf32>
      %reduce_or3A_1584 = vector.broadcast %reduce_or3A_1582 : f32 to vector<1x256xf32>
      %reduce_or3A_1585 = arith.select %ne3A, %reduce_or3A_1583, %reduce_or3A_1584 : vector<1x256xi1>, vector<1x256xf32>
      %reduce_or3A_1586 = vector.shape_cast %reduce_or3A_1585 : vector<1x256xf32> to vector<1x1x256xf32>
      %reduce_or3A_1587 = arith.constant dense<0xFF800000> : vector<1xf32>
      %reduce_or3A_1588 = vector.multi_reduction <maximumf>, %reduce_or3A_1586, %reduce_or3A_1587 [1, 2] : vector<1x1x256xf32> to vector<1xf32>
      %reduce_or3A_1589 = vector.shape_cast %reduce_or3A_1588 : vector<1xf32> to vector<1x1x1xf32>
      %reduce_or3A_1590 = vector.extract %reduce_or3A_1589[0, 0, 0] : f32 from vector<1x1x1xf32>
      %reduce_or3A_1591 = arith.constant 0.000000e+00 : f32
      %reduce_or3A_1592 = arith.cmpf ogt, %reduce_or3A_1590, %reduce_or3A_1591 : f32
      scf.yield %mul3A_1581, %reduce_or3A_1592 : vector<1x256xf32>, i1
    }
    %iota3A_605 = tpu.iota {dimensions = array<i32: 0>} : vector<256x5120xi32>
    %convert_element_type3A_606 = arith.sitofp %iota3A_605 : vector<256x5120xi32> to vector<256x5120xf32>
    %add3A_607 = arith.constant 1.792000e+03 : f32
    %add3A_608 = vector.broadcast %add3A_607 : f32 to vector<256x5120xf32>
    %add3A_609 = arith.addf %add3A_608, %convert_element_type3A_606 : vector<256x5120xf32>
    %gt3A_610 = arith.cmpf ogt, %convert_element_type3A, %add3A_609 : vector<256x5120xf32>
    %convert_element_type3A_611 = arith.extui %gt3A_610 : vector<256x5120xi1> to vector<256x5120xi32>
    %convert_element_type3A_612 = arith.sitofp %convert_element_type3A_611 : vector<256x5120xi32> to vector<256x5120xf32>
    %mul3A_613 = arith.mulf %convert_element_type3A_592, %convert_element_type3A_612 : vector<256x5120xf32>
    %transpose3A_614 = tpu.transpose %while3A_604#0, [1, 0] : vector<1x256xf32> -> vector<256x1xf32>
    %mul3A_615 = vector.broadcast %transpose3A_614 : vector<256x1xf32> to vector<256x5120xf32>
    %mul3A_616 = arith.mulf %mul3A_613, %mul3A_615 : vector<256x5120xf32>
    %reduce_max3A_617 = arith.constant dense<0xFF800000> : vector<5120xf32>
    %reduce_max3A_618 = vector.multi_reduction <maximumf>, %mul3A_616, %reduce_max3A_617 [0] : vector<256x5120xf32> to vector<5120xf32>
    %broadcast_in_dim3A_619 = vector.shape_cast %reduce_max3A_618 : vector<5120xf32> to vector<1x5120xf32>
    %min3A_620 = arith.constant 1.000000e+00 : f32
    %min3A_621 = vector.broadcast %min3A_620 : f32 to vector<1x5120xf32>
    %min3A_622 = arith.minimumf %broadcast_in_dim3A_619, %min3A_621 : vector<1x5120xf32>
    %sub3A_623 = arith.constant 1.000000e+00 : f32
    %sub3A_624 = vector.broadcast %sub3A_623 : f32 to vector<1x5120xf32>
    %sub3A_625 = arith.subf %sub3A_624, %min3A_622 : vector<1x5120xf32>
    %mul3A_626 = arith.mulf %mul3A_548, %sub3A_625 : vector<1x5120xf32>
    %slice3A_627 = vector.extract_strided_slice %get3A_1 {offsets = [0, 2048], sizes = [1, 256], strides = [1, 1]} : vector<1x5120xf32> to vector<1x256xf32>
    %transpose3A_628 = tpu.transpose %slice3A_627, [1, 0] : vector<1x256xf32> -> vector<256x1xf32>
    %slice3A_629 = vector.extract_strided_slice %get3A_4 {offsets = [0, 2048], sizes = [1, 256], strides = [1, 1]} : vector<1x5120xf32> to vector<1x256xf32>
    %transpose3A_630 = tpu.transpose %slice3A_629, [1, 0] : vector<1x256xf32> -> vector<256x1xf32>
    %slice3A_631 = vector.extract_strided_slice %get3A_7 {offsets = [0, 2048], sizes = [1, 256], strides = [1, 1]} : vector<1x5120xf32> to vector<1x256xf32>
    %transpose3A_632 = tpu.transpose %slice3A_631, [1, 0] : vector<1x256xf32> -> vector<256x1xf32>
    %slice3A_633 = vector.extract_strided_slice %get3A_10 {offsets = [0, 2048], sizes = [1, 256], strides = [1, 1]} : vector<1x5120xf32> to vector<1x256xf32>
    %transpose3A_634 = tpu.transpose %slice3A_633, [1, 0] : vector<1x256xf32> -> vector<256x1xf32>
    %slice3A_635 = vector.extract_strided_slice %mul3A {offsets = [0, 2048], sizes = [1, 256], strides = [1, 1]} : vector<1x5120xf32> to vector<1x256xf32>
    %transpose3A_636 = tpu.transpose %slice3A_635, [1, 0] : vector<1x256xf32> -> vector<256x1xf32>
    %max3A_637 = vector.broadcast %transpose3A_628 : vector<256x1xf32> to vector<256x5120xf32>
    %max3A_638 = vector.broadcast %get3A_1 : vector<1x5120xf32> to vector<256x5120xf32>
    %max3A_639 = arith.maximumf %max3A_637, %max3A_638 : vector<256x5120xf32>
    %max3A_640 = vector.broadcast %transpose3A_630 : vector<256x1xf32> to vector<256x5120xf32>
    %max3A_641 = vector.broadcast %get3A_4 : vector<1x5120xf32> to vector<256x5120xf32>
    %max3A_642 = arith.maximumf %max3A_640, %max3A_641 : vector<256x5120xf32>
    %min3A_643 = vector.broadcast %transpose3A_632 : vector<256x1xf32> to vector<256x5120xf32>
    %min3A_644 = vector.broadcast %get3A_7 : vector<1x5120xf32> to vector<256x5120xf32>
    %min3A_645 = arith.minimumf %min3A_643, %min3A_644 : vector<256x5120xf32>
    %min3A_646 = vector.broadcast %transpose3A_634 : vector<256x1xf32> to vector<256x5120xf32>
    %min3A_647 = vector.broadcast %get3A_10 : vector<1x5120xf32> to vector<256x5120xf32>
    %min3A_648 = arith.minimumf %min3A_646, %min3A_647 : vector<256x5120xf32>
    %sub3A_649 = arith.subf %min3A_645, %max3A_639 : vector<256x5120xf32>
    %max3A_650 = arith.constant 0.000000e+00 : f32
    %max3A_651 = vector.broadcast %max3A_650 : f32 to vector<256x5120xf32>
    %max3A_652 = arith.maximumf %sub3A_649, %max3A_651 : vector<256x5120xf32>
    %sub3A_653 = arith.subf %min3A_648, %max3A_642 : vector<256x5120xf32>
    %max3A_654 = arith.constant 0.000000e+00 : f32
    %max3A_655 = vector.broadcast %max3A_654 : f32 to vector<256x5120xf32>
    %max3A_656 = arith.maximumf %sub3A_653, %max3A_655 : vector<256x5120xf32>
    %mul3A_657 = arith.mulf %max3A_652, %max3A_656 : vector<256x5120xf32>
    %add3A_658 = vector.broadcast %transpose3A_636 : vector<256x1xf32> to vector<256x5120xf32>
    %add3A_659 = vector.broadcast %mul3A : vector<1x5120xf32> to vector<256x5120xf32>
    %add3A_660 = arith.addf %add3A_658, %add3A_659 : vector<256x5120xf32>
    %sub3A_661 = arith.subf %add3A_660, %mul3A_657 : vector<256x5120xf32>
    %add3A_662 = arith.constant 9.99999971E-10 : f32
    %add3A_663 = vector.broadcast %add3A_662 : f32 to vector<256x5120xf32>
    %add3A_664 = arith.addf %sub3A_661, %add3A_663 : vector<256x5120xf32>
    %div3A_665 = arith.divf %mul3A_657, %add3A_664 : vector<256x5120xf32>
    %gt3A_666 = arith.constant 0.699999988 : f32
    %gt3A_667 = vector.broadcast %gt3A_666 : f32 to vector<256x5120xf32>
    %gt3A_668 = arith.cmpf ogt, %div3A_665, %gt3A_667 : vector<256x5120xf32>
    %convert_element_type3A_669 = arith.extui %gt3A_668 : vector<256x5120xi1> to vector<256x5120xi32>
    %convert_element_type3A_670 = arith.sitofp %convert_element_type3A_669 : vector<256x5120xi32> to vector<256x5120xf32>
    %slice3A_671 = vector.extract_strided_slice %convert_element_type3A_670 {offsets = [0, 2048], sizes = [256, 256], strides = [1, 1]} : vector<256x5120xf32> to vector<256x256xf32>
    %iota3A_672 = tpu.iota {dimensions = array<i32: 0>} : vector<256x256xi32>
    %convert_element_type3A_673 = arith.sitofp %iota3A_672 : vector<256x256xi32> to vector<256x256xf32>
    %iota3A_674 = tpu.iota {dimensions = array<i32: 1>} : vector<256x256xi32>
    %convert_element_type3A_675 = arith.sitofp %iota3A_674 : vector<256x256xi32> to vector<256x256xf32>
    %lt3A_676 = arith.cmpf olt, %convert_element_type3A_673, %convert_element_type3A_675 : vector<256x256xf32>
    %convert_element_type3A_677 = arith.extui %lt3A_676 : vector<256x256xi1> to vector<256x256xi32>
    %convert_element_type3A_678 = arith.sitofp %convert_element_type3A_677 : vector<256x256xi32> to vector<256x256xf32>
    %mul3A_679 = arith.mulf %slice3A_671, %convert_element_type3A_678 : vector<256x256xf32>
    %slice3A_680 = vector.extract_strided_slice %mul3A_626 {offsets = [0, 2048], sizes = [1, 256], strides = [1, 1]} : vector<1x5120xf32> to vector<1x256xf32>
    %while3A_681 = arith.constant true
    %while3A_682:2 = scf.while (%while3A_1567 = %slice3A_680, %while3A_1568 = %while3A_681) : (vector<1x256xf32>, i1) -> (vector<1x256xf32>, i1) {
      scf.condition(%while3A_1568) %while3A_1567, %while3A_1568 : vector<1x256xf32>, i1
    } do {
    ^bb0(%while3A_1567: vector<1x256xf32>, %while3A_1568: i1):
      %transpose3A_1569 = tpu.transpose %while3A_1567, [1, 0] : vector<1x256xf32> -> vector<256x1xf32>
      %mul3A_1570 = vector.broadcast %transpose3A_1569 : vector<256x1xf32> to vector<256x256xf32>
      %mul3A_1571 = arith.mulf %mul3A_679, %mul3A_1570 : vector<256x256xf32>
      %reduce_max3A_1572 = arith.constant dense<0xFF800000> : vector<256xf32>
      %reduce_max3A_1573 = vector.multi_reduction <maximumf>, %mul3A_1571, %reduce_max3A_1572 [0] : vector<256x256xf32> to vector<256xf32>
      %broadcast_in_dim3A_1574 = vector.shape_cast %reduce_max3A_1573 : vector<256xf32> to vector<1x256xf32>
      %min3A_1575 = arith.constant 1.000000e+00 : f32
      %min3A_1576 = vector.broadcast %min3A_1575 : f32 to vector<1x256xf32>
      %min3A_1577 = arith.minimumf %broadcast_in_dim3A_1574, %min3A_1576 : vector<1x256xf32>
      %sub3A_1578 = arith.constant 1.000000e+00 : f32
      %sub3A_1579 = vector.broadcast %sub3A_1578 : f32 to vector<1x256xf32>
      %sub3A_1580 = arith.subf %sub3A_1579, %min3A_1577 : vector<1x256xf32>
      %mul3A_1581 = arith.mulf %slice3A_680, %sub3A_1580 : vector<1x256xf32>
      %ne3A = arith.cmpf one, %mul3A_1581, %while3A_1567 : vector<1x256xf32>
      %reduce_or3A = arith.constant 1.000000e+00 : f32
      %reduce_or3A_1582 = arith.constant 0.000000e+00 : f32
      %reduce_or3A_1583 = vector.broadcast %reduce_or3A : f32 to vector<1x256xf32>
      %reduce_or3A_1584 = vector.broadcast %reduce_or3A_1582 : f32 to vector<1x256xf32>
      %reduce_or3A_1585 = arith.select %ne3A, %reduce_or3A_1583, %reduce_or3A_1584 : vector<1x256xi1>, vector<1x256xf32>
      %reduce_or3A_1586 = vector.shape_cast %reduce_or3A_1585 : vector<1x256xf32> to vector<1x1x256xf32>
      %reduce_or3A_1587 = arith.constant dense<0xFF800000> : vector<1xf32>
      %reduce_or3A_1588 = vector.multi_reduction <maximumf>, %reduce_or3A_1586, %reduce_or3A_1587 [1, 2] : vector<1x1x256xf32> to vector<1xf32>
      %reduce_or3A_1589 = vector.shape_cast %reduce_or3A_1588 : vector<1xf32> to vector<1x1x1xf32>
      %reduce_or3A_1590 = vector.extract %reduce_or3A_1589[0, 0, 0] : f32 from vector<1x1x1xf32>
      %reduce_or3A_1591 = arith.constant 0.000000e+00 : f32
      %reduce_or3A_1592 = arith.cmpf ogt, %reduce_or3A_1590, %reduce_or3A_1591 : f32
      scf.yield %mul3A_1581, %reduce_or3A_1592 : vector<1x256xf32>, i1
    }
    %iota3A_683 = tpu.iota {dimensions = array<i32: 0>} : vector<256x5120xi32>
    %convert_element_type3A_684 = arith.sitofp %iota3A_683 : vector<256x5120xi32> to vector<256x5120xf32>
    %add3A_685 = arith.constant 2.048000e+03 : f32
    %add3A_686 = vector.broadcast %add3A_685 : f32 to vector<256x5120xf32>
    %add3A_687 = arith.addf %add3A_686, %convert_element_type3A_684 : vector<256x5120xf32>
    %gt3A_688 = arith.cmpf ogt, %convert_element_type3A, %add3A_687 : vector<256x5120xf32>
    %convert_element_type3A_689 = arith.extui %gt3A_688 : vector<256x5120xi1> to vector<256x5120xi32>
    %convert_element_type3A_690 = arith.sitofp %convert_element_type3A_689 : vector<256x5120xi32> to vector<256x5120xf32>
    %mul3A_691 = arith.mulf %convert_element_type3A_670, %convert_element_type3A_690 : vector<256x5120xf32>
    %transpose3A_692 = tpu.transpose %while3A_682#0, [1, 0] : vector<1x256xf32> -> vector<256x1xf32>
    %mul3A_693 = vector.broadcast %transpose3A_692 : vector<256x1xf32> to vector<256x5120xf32>
    %mul3A_694 = arith.mulf %mul3A_691, %mul3A_693 : vector<256x5120xf32>
    %reduce_max3A_695 = arith.constant dense<0xFF800000> : vector<5120xf32>
    %reduce_max3A_696 = vector.multi_reduction <maximumf>, %mul3A_694, %reduce_max3A_695 [0] : vector<256x5120xf32> to vector<5120xf32>
    %broadcast_in_dim3A_697 = vector.shape_cast %reduce_max3A_696 : vector<5120xf32> to vector<1x5120xf32>
    %min3A_698 = arith.constant 1.000000e+00 : f32
    %min3A_699 = vector.broadcast %min3A_698 : f32 to vector<1x5120xf32>
    %min3A_700 = arith.minimumf %broadcast_in_dim3A_697, %min3A_699 : vector<1x5120xf32>
    %sub3A_701 = arith.constant 1.000000e+00 : f32
    %sub3A_702 = vector.broadcast %sub3A_701 : f32 to vector<1x5120xf32>
    %sub3A_703 = arith.subf %sub3A_702, %min3A_700 : vector<1x5120xf32>
    %mul3A_704 = arith.mulf %mul3A_626, %sub3A_703 : vector<1x5120xf32>
    %slice3A_705 = vector.extract_strided_slice %get3A_1 {offsets = [0, 2304], sizes = [1, 256], strides = [1, 1]} : vector<1x5120xf32> to vector<1x256xf32>
    %transpose3A_706 = tpu.transpose %slice3A_705, [1, 0] : vector<1x256xf32> -> vector<256x1xf32>
    %slice3A_707 = vector.extract_strided_slice %get3A_4 {offsets = [0, 2304], sizes = [1, 256], strides = [1, 1]} : vector<1x5120xf32> to vector<1x256xf32>
    %transpose3A_708 = tpu.transpose %slice3A_707, [1, 0] : vector<1x256xf32> -> vector<256x1xf32>
    %slice3A_709 = vector.extract_strided_slice %get3A_7 {offsets = [0, 2304], sizes = [1, 256], strides = [1, 1]} : vector<1x5120xf32> to vector<1x256xf32>
    %transpose3A_710 = tpu.transpose %slice3A_709, [1, 0] : vector<1x256xf32> -> vector<256x1xf32>
    %slice3A_711 = vector.extract_strided_slice %get3A_10 {offsets = [0, 2304], sizes = [1, 256], strides = [1, 1]} : vector<1x5120xf32> to vector<1x256xf32>
    %transpose3A_712 = tpu.transpose %slice3A_711, [1, 0] : vector<1x256xf32> -> vector<256x1xf32>
    %slice3A_713 = vector.extract_strided_slice %mul3A {offsets = [0, 2304], sizes = [1, 256], strides = [1, 1]} : vector<1x5120xf32> to vector<1x256xf32>
    %transpose3A_714 = tpu.transpose %slice3A_713, [1, 0] : vector<1x256xf32> -> vector<256x1xf32>
    %max3A_715 = vector.broadcast %transpose3A_706 : vector<256x1xf32> to vector<256x5120xf32>
    %max3A_716 = vector.broadcast %get3A_1 : vector<1x5120xf32> to vector<256x5120xf32>
    %max3A_717 = arith.maximumf %max3A_715, %max3A_716 : vector<256x5120xf32>
    %max3A_718 = vector.broadcast %transpose3A_708 : vector<256x1xf32> to vector<256x5120xf32>
    %max3A_719 = vector.broadcast %get3A_4 : vector<1x5120xf32> to vector<256x5120xf32>
    %max3A_720 = arith.maximumf %max3A_718, %max3A_719 : vector<256x5120xf32>
    %min3A_721 = vector.broadcast %transpose3A_710 : vector<256x1xf32> to vector<256x5120xf32>
    %min3A_722 = vector.broadcast %get3A_7 : vector<1x5120xf32> to vector<256x5120xf32>
    %min3A_723 = arith.minimumf %min3A_721, %min3A_722 : vector<256x5120xf32>
    %min3A_724 = vector.broadcast %transpose3A_712 : vector<256x1xf32> to vector<256x5120xf32>
    %min3A_725 = vector.broadcast %get3A_10 : vector<1x5120xf32> to vector<256x5120xf32>
    %min3A_726 = arith.minimumf %min3A_724, %min3A_725 : vector<256x5120xf32>
    %sub3A_727 = arith.subf %min3A_723, %max3A_717 : vector<256x5120xf32>
    %max3A_728 = arith.constant 0.000000e+00 : f32
    %max3A_729 = vector.broadcast %max3A_728 : f32 to vector<256x5120xf32>
    %max3A_730 = arith.maximumf %sub3A_727, %max3A_729 : vector<256x5120xf32>
    %sub3A_731 = arith.subf %min3A_726, %max3A_720 : vector<256x5120xf32>
    %max3A_732 = arith.constant 0.000000e+00 : f32
    %max3A_733 = vector.broadcast %max3A_732 : f32 to vector<256x5120xf32>
    %max3A_734 = arith.maximumf %sub3A_731, %max3A_733 : vector<256x5120xf32>
    %mul3A_735 = arith.mulf %max3A_730, %max3A_734 : vector<256x5120xf32>
    %add3A_736 = vector.broadcast %transpose3A_714 : vector<256x1xf32> to vector<256x5120xf32>
    %add3A_737 = vector.broadcast %mul3A : vector<1x5120xf32> to vector<256x5120xf32>
    %add3A_738 = arith.addf %add3A_736, %add3A_737 : vector<256x5120xf32>
    %sub3A_739 = arith.subf %add3A_738, %mul3A_735 : vector<256x5120xf32>
    %add3A_740 = arith.constant 9.99999971E-10 : f32
    %add3A_741 = vector.broadcast %add3A_740 : f32 to vector<256x5120xf32>
    %add3A_742 = arith.addf %sub3A_739, %add3A_741 : vector<256x5120xf32>
    %div3A_743 = arith.divf %mul3A_735, %add3A_742 : vector<256x5120xf32>
    %gt3A_744 = arith.constant 0.699999988 : f32
    %gt3A_745 = vector.broadcast %gt3A_744 : f32 to vector<256x5120xf32>
    %gt3A_746 = arith.cmpf ogt, %div3A_743, %gt3A_745 : vector<256x5120xf32>
    %convert_element_type3A_747 = arith.extui %gt3A_746 : vector<256x5120xi1> to vector<256x5120xi32>
    %convert_element_type3A_748 = arith.sitofp %convert_element_type3A_747 : vector<256x5120xi32> to vector<256x5120xf32>
    %slice3A_749 = vector.extract_strided_slice %convert_element_type3A_748 {offsets = [0, 2304], sizes = [256, 256], strides = [1, 1]} : vector<256x5120xf32> to vector<256x256xf32>
    %iota3A_750 = tpu.iota {dimensions = array<i32: 0>} : vector<256x256xi32>
    %convert_element_type3A_751 = arith.sitofp %iota3A_750 : vector<256x256xi32> to vector<256x256xf32>
    %iota3A_752 = tpu.iota {dimensions = array<i32: 1>} : vector<256x256xi32>
    %convert_element_type3A_753 = arith.sitofp %iota3A_752 : vector<256x256xi32> to vector<256x256xf32>
    %lt3A_754 = arith.cmpf olt, %convert_element_type3A_751, %convert_element_type3A_753 : vector<256x256xf32>
    %convert_element_type3A_755 = arith.extui %lt3A_754 : vector<256x256xi1> to vector<256x256xi32>
    %convert_element_type3A_756 = arith.sitofp %convert_element_type3A_755 : vector<256x256xi32> to vector<256x256xf32>
    %mul3A_757 = arith.mulf %slice3A_749, %convert_element_type3A_756 : vector<256x256xf32>
    %slice3A_758 = vector.extract_strided_slice %mul3A_704 {offsets = [0, 2304], sizes = [1, 256], strides = [1, 1]} : vector<1x5120xf32> to vector<1x256xf32>
    %while3A_759 = arith.constant true
    %while3A_760:2 = scf.while (%while3A_1567 = %slice3A_758, %while3A_1568 = %while3A_759) : (vector<1x256xf32>, i1) -> (vector<1x256xf32>, i1) {
      scf.condition(%while3A_1568) %while3A_1567, %while3A_1568 : vector<1x256xf32>, i1
    } do {
    ^bb0(%while3A_1567: vector<1x256xf32>, %while3A_1568: i1):
      %transpose3A_1569 = tpu.transpose %while3A_1567, [1, 0] : vector<1x256xf32> -> vector<256x1xf32>
      %mul3A_1570 = vector.broadcast %transpose3A_1569 : vector<256x1xf32> to vector<256x256xf32>
      %mul3A_1571 = arith.mulf %mul3A_757, %mul3A_1570 : vector<256x256xf32>
      %reduce_max3A_1572 = arith.constant dense<0xFF800000> : vector<256xf32>
      %reduce_max3A_1573 = vector.multi_reduction <maximumf>, %mul3A_1571, %reduce_max3A_1572 [0] : vector<256x256xf32> to vector<256xf32>
      %broadcast_in_dim3A_1574 = vector.shape_cast %reduce_max3A_1573 : vector<256xf32> to vector<1x256xf32>
      %min3A_1575 = arith.constant 1.000000e+00 : f32
      %min3A_1576 = vector.broadcast %min3A_1575 : f32 to vector<1x256xf32>
      %min3A_1577 = arith.minimumf %broadcast_in_dim3A_1574, %min3A_1576 : vector<1x256xf32>
      %sub3A_1578 = arith.constant 1.000000e+00 : f32
      %sub3A_1579 = vector.broadcast %sub3A_1578 : f32 to vector<1x256xf32>
      %sub3A_1580 = arith.subf %sub3A_1579, %min3A_1577 : vector<1x256xf32>
      %mul3A_1581 = arith.mulf %slice3A_758, %sub3A_1580 : vector<1x256xf32>
      %ne3A = arith.cmpf one, %mul3A_1581, %while3A_1567 : vector<1x256xf32>
      %reduce_or3A = arith.constant 1.000000e+00 : f32
      %reduce_or3A_1582 = arith.constant 0.000000e+00 : f32
      %reduce_or3A_1583 = vector.broadcast %reduce_or3A : f32 to vector<1x256xf32>
      %reduce_or3A_1584 = vector.broadcast %reduce_or3A_1582 : f32 to vector<1x256xf32>
      %reduce_or3A_1585 = arith.select %ne3A, %reduce_or3A_1583, %reduce_or3A_1584 : vector<1x256xi1>, vector<1x256xf32>
      %reduce_or3A_1586 = vector.shape_cast %reduce_or3A_1585 : vector<1x256xf32> to vector<1x1x256xf32>
      %reduce_or3A_1587 = arith.constant dense<0xFF800000> : vector<1xf32>
      %reduce_or3A_1588 = vector.multi_reduction <maximumf>, %reduce_or3A_1586, %reduce_or3A_1587 [1, 2] : vector<1x1x256xf32> to vector<1xf32>
      %reduce_or3A_1589 = vector.shape_cast %reduce_or3A_1588 : vector<1xf32> to vector<1x1x1xf32>
      %reduce_or3A_1590 = vector.extract %reduce_or3A_1589[0, 0, 0] : f32 from vector<1x1x1xf32>
      %reduce_or3A_1591 = arith.constant 0.000000e+00 : f32
      %reduce_or3A_1592 = arith.cmpf ogt, %reduce_or3A_1590, %reduce_or3A_1591 : f32
      scf.yield %mul3A_1581, %reduce_or3A_1592 : vector<1x256xf32>, i1
    }
    %iota3A_761 = tpu.iota {dimensions = array<i32: 0>} : vector<256x5120xi32>
    %convert_element_type3A_762 = arith.sitofp %iota3A_761 : vector<256x5120xi32> to vector<256x5120xf32>
    %add3A_763 = arith.constant 2.304000e+03 : f32
    %add3A_764 = vector.broadcast %add3A_763 : f32 to vector<256x5120xf32>
    %add3A_765 = arith.addf %add3A_764, %convert_element_type3A_762 : vector<256x5120xf32>
    %gt3A_766 = arith.cmpf ogt, %convert_element_type3A, %add3A_765 : vector<256x5120xf32>
    %convert_element_type3A_767 = arith.extui %gt3A_766 : vector<256x5120xi1> to vector<256x5120xi32>
    %convert_element_type3A_768 = arith.sitofp %convert_element_type3A_767 : vector<256x5120xi32> to vector<256x5120xf32>
    %mul3A_769 = arith.mulf %convert_element_type3A_748, %convert_element_type3A_768 : vector<256x5120xf32>
    %transpose3A_770 = tpu.transpose %while3A_760#0, [1, 0] : vector<1x256xf32> -> vector<256x1xf32>
    %mul3A_771 = vector.broadcast %transpose3A_770 : vector<256x1xf32> to vector<256x5120xf32>
    %mul3A_772 = arith.mulf %mul3A_769, %mul3A_771 : vector<256x5120xf32>
    %reduce_max3A_773 = arith.constant dense<0xFF800000> : vector<5120xf32>
    %reduce_max3A_774 = vector.multi_reduction <maximumf>, %mul3A_772, %reduce_max3A_773 [0] : vector<256x5120xf32> to vector<5120xf32>
    %broadcast_in_dim3A_775 = vector.shape_cast %reduce_max3A_774 : vector<5120xf32> to vector<1x5120xf32>
    %min3A_776 = arith.constant 1.000000e+00 : f32
    %min3A_777 = vector.broadcast %min3A_776 : f32 to vector<1x5120xf32>
    %min3A_778 = arith.minimumf %broadcast_in_dim3A_775, %min3A_777 : vector<1x5120xf32>
    %sub3A_779 = arith.constant 1.000000e+00 : f32
    %sub3A_780 = vector.broadcast %sub3A_779 : f32 to vector<1x5120xf32>
    %sub3A_781 = arith.subf %sub3A_780, %min3A_778 : vector<1x5120xf32>
    %mul3A_782 = arith.mulf %mul3A_704, %sub3A_781 : vector<1x5120xf32>
    %slice3A_783 = vector.extract_strided_slice %get3A_1 {offsets = [0, 2560], sizes = [1, 256], strides = [1, 1]} : vector<1x5120xf32> to vector<1x256xf32>
    %transpose3A_784 = tpu.transpose %slice3A_783, [1, 0] : vector<1x256xf32> -> vector<256x1xf32>
    %slice3A_785 = vector.extract_strided_slice %get3A_4 {offsets = [0, 2560], sizes = [1, 256], strides = [1, 1]} : vector<1x5120xf32> to vector<1x256xf32>
    %transpose3A_786 = tpu.transpose %slice3A_785, [1, 0] : vector<1x256xf32> -> vector<256x1xf32>
    %slice3A_787 = vector.extract_strided_slice %get3A_7 {offsets = [0, 2560], sizes = [1, 256], strides = [1, 1]} : vector<1x5120xf32> to vector<1x256xf32>
    %transpose3A_788 = tpu.transpose %slice3A_787, [1, 0] : vector<1x256xf32> -> vector<256x1xf32>
    %slice3A_789 = vector.extract_strided_slice %get3A_10 {offsets = [0, 2560], sizes = [1, 256], strides = [1, 1]} : vector<1x5120xf32> to vector<1x256xf32>
    %transpose3A_790 = tpu.transpose %slice3A_789, [1, 0] : vector<1x256xf32> -> vector<256x1xf32>
    %slice3A_791 = vector.extract_strided_slice %mul3A {offsets = [0, 2560], sizes = [1, 256], strides = [1, 1]} : vector<1x5120xf32> to vector<1x256xf32>
    %transpose3A_792 = tpu.transpose %slice3A_791, [1, 0] : vector<1x256xf32> -> vector<256x1xf32>
    %max3A_793 = vector.broadcast %transpose3A_784 : vector<256x1xf32> to vector<256x5120xf32>
    %max3A_794 = vector.broadcast %get3A_1 : vector<1x5120xf32> to vector<256x5120xf32>
    %max3A_795 = arith.maximumf %max3A_793, %max3A_794 : vector<256x5120xf32>
    %max3A_796 = vector.broadcast %transpose3A_786 : vector<256x1xf32> to vector<256x5120xf32>
    %max3A_797 = vector.broadcast %get3A_4 : vector<1x5120xf32> to vector<256x5120xf32>
    %max3A_798 = arith.maximumf %max3A_796, %max3A_797 : vector<256x5120xf32>
    %min3A_799 = vector.broadcast %transpose3A_788 : vector<256x1xf32> to vector<256x5120xf32>
    %min3A_800 = vector.broadcast %get3A_7 : vector<1x5120xf32> to vector<256x5120xf32>
    %min3A_801 = arith.minimumf %min3A_799, %min3A_800 : vector<256x5120xf32>
    %min3A_802 = vector.broadcast %transpose3A_790 : vector<256x1xf32> to vector<256x5120xf32>
    %min3A_803 = vector.broadcast %get3A_10 : vector<1x5120xf32> to vector<256x5120xf32>
    %min3A_804 = arith.minimumf %min3A_802, %min3A_803 : vector<256x5120xf32>
    %sub3A_805 = arith.subf %min3A_801, %max3A_795 : vector<256x5120xf32>
    %max3A_806 = arith.constant 0.000000e+00 : f32
    %max3A_807 = vector.broadcast %max3A_806 : f32 to vector<256x5120xf32>
    %max3A_808 = arith.maximumf %sub3A_805, %max3A_807 : vector<256x5120xf32>
    %sub3A_809 = arith.subf %min3A_804, %max3A_798 : vector<256x5120xf32>
    %max3A_810 = arith.constant 0.000000e+00 : f32
    %max3A_811 = vector.broadcast %max3A_810 : f32 to vector<256x5120xf32>
    %max3A_812 = arith.maximumf %sub3A_809, %max3A_811 : vector<256x5120xf32>
    %mul3A_813 = arith.mulf %max3A_808, %max3A_812 : vector<256x5120xf32>
    %add3A_814 = vector.broadcast %transpose3A_792 : vector<256x1xf32> to vector<256x5120xf32>
    %add3A_815 = vector.broadcast %mul3A : vector<1x5120xf32> to vector<256x5120xf32>
    %add3A_816 = arith.addf %add3A_814, %add3A_815 : vector<256x5120xf32>
    %sub3A_817 = arith.subf %add3A_816, %mul3A_813 : vector<256x5120xf32>
    %add3A_818 = arith.constant 9.99999971E-10 : f32
    %add3A_819 = vector.broadcast %add3A_818 : f32 to vector<256x5120xf32>
    %add3A_820 = arith.addf %sub3A_817, %add3A_819 : vector<256x5120xf32>
    %div3A_821 = arith.divf %mul3A_813, %add3A_820 : vector<256x5120xf32>
    %gt3A_822 = arith.constant 0.699999988 : f32
    %gt3A_823 = vector.broadcast %gt3A_822 : f32 to vector<256x5120xf32>
    %gt3A_824 = arith.cmpf ogt, %div3A_821, %gt3A_823 : vector<256x5120xf32>
    %convert_element_type3A_825 = arith.extui %gt3A_824 : vector<256x5120xi1> to vector<256x5120xi32>
    %convert_element_type3A_826 = arith.sitofp %convert_element_type3A_825 : vector<256x5120xi32> to vector<256x5120xf32>
    %slice3A_827 = vector.extract_strided_slice %convert_element_type3A_826 {offsets = [0, 2560], sizes = [256, 256], strides = [1, 1]} : vector<256x5120xf32> to vector<256x256xf32>
    %iota3A_828 = tpu.iota {dimensions = array<i32: 0>} : vector<256x256xi32>
    %convert_element_type3A_829 = arith.sitofp %iota3A_828 : vector<256x256xi32> to vector<256x256xf32>
    %iota3A_830 = tpu.iota {dimensions = array<i32: 1>} : vector<256x256xi32>
    %convert_element_type3A_831 = arith.sitofp %iota3A_830 : vector<256x256xi32> to vector<256x256xf32>
    %lt3A_832 = arith.cmpf olt, %convert_element_type3A_829, %convert_element_type3A_831 : vector<256x256xf32>
    %convert_element_type3A_833 = arith.extui %lt3A_832 : vector<256x256xi1> to vector<256x256xi32>
    %convert_element_type3A_834 = arith.sitofp %convert_element_type3A_833 : vector<256x256xi32> to vector<256x256xf32>
    %mul3A_835 = arith.mulf %slice3A_827, %convert_element_type3A_834 : vector<256x256xf32>
    %slice3A_836 = vector.extract_strided_slice %mul3A_782 {offsets = [0, 2560], sizes = [1, 256], strides = [1, 1]} : vector<1x5120xf32> to vector<1x256xf32>
    %while3A_837 = arith.constant true
    %while3A_838:2 = scf.while (%while3A_1567 = %slice3A_836, %while3A_1568 = %while3A_837) : (vector<1x256xf32>, i1) -> (vector<1x256xf32>, i1) {
      scf.condition(%while3A_1568) %while3A_1567, %while3A_1568 : vector<1x256xf32>, i1
    } do {
    ^bb0(%while3A_1567: vector<1x256xf32>, %while3A_1568: i1):
      %transpose3A_1569 = tpu.transpose %while3A_1567, [1, 0] : vector<1x256xf32> -> vector<256x1xf32>
      %mul3A_1570 = vector.broadcast %transpose3A_1569 : vector<256x1xf32> to vector<256x256xf32>
      %mul3A_1571 = arith.mulf %mul3A_835, %mul3A_1570 : vector<256x256xf32>
      %reduce_max3A_1572 = arith.constant dense<0xFF800000> : vector<256xf32>
      %reduce_max3A_1573 = vector.multi_reduction <maximumf>, %mul3A_1571, %reduce_max3A_1572 [0] : vector<256x256xf32> to vector<256xf32>
      %broadcast_in_dim3A_1574 = vector.shape_cast %reduce_max3A_1573 : vector<256xf32> to vector<1x256xf32>
      %min3A_1575 = arith.constant 1.000000e+00 : f32
      %min3A_1576 = vector.broadcast %min3A_1575 : f32 to vector<1x256xf32>
      %min3A_1577 = arith.minimumf %broadcast_in_dim3A_1574, %min3A_1576 : vector<1x256xf32>
      %sub3A_1578 = arith.constant 1.000000e+00 : f32
      %sub3A_1579 = vector.broadcast %sub3A_1578 : f32 to vector<1x256xf32>
      %sub3A_1580 = arith.subf %sub3A_1579, %min3A_1577 : vector<1x256xf32>
      %mul3A_1581 = arith.mulf %slice3A_836, %sub3A_1580 : vector<1x256xf32>
      %ne3A = arith.cmpf one, %mul3A_1581, %while3A_1567 : vector<1x256xf32>
      %reduce_or3A = arith.constant 1.000000e+00 : f32
      %reduce_or3A_1582 = arith.constant 0.000000e+00 : f32
      %reduce_or3A_1583 = vector.broadcast %reduce_or3A : f32 to vector<1x256xf32>
      %reduce_or3A_1584 = vector.broadcast %reduce_or3A_1582 : f32 to vector<1x256xf32>
      %reduce_or3A_1585 = arith.select %ne3A, %reduce_or3A_1583, %reduce_or3A_1584 : vector<1x256xi1>, vector<1x256xf32>
      %reduce_or3A_1586 = vector.shape_cast %reduce_or3A_1585 : vector<1x256xf32> to vector<1x1x256xf32>
      %reduce_or3A_1587 = arith.constant dense<0xFF800000> : vector<1xf32>
      %reduce_or3A_1588 = vector.multi_reduction <maximumf>, %reduce_or3A_1586, %reduce_or3A_1587 [1, 2] : vector<1x1x256xf32> to vector<1xf32>
      %reduce_or3A_1589 = vector.shape_cast %reduce_or3A_1588 : vector<1xf32> to vector<1x1x1xf32>
      %reduce_or3A_1590 = vector.extract %reduce_or3A_1589[0, 0, 0] : f32 from vector<1x1x1xf32>
      %reduce_or3A_1591 = arith.constant 0.000000e+00 : f32
      %reduce_or3A_1592 = arith.cmpf ogt, %reduce_or3A_1590, %reduce_or3A_1591 : f32
      scf.yield %mul3A_1581, %reduce_or3A_1592 : vector<1x256xf32>, i1
    }
    %iota3A_839 = tpu.iota {dimensions = array<i32: 0>} : vector<256x5120xi32>
    %convert_element_type3A_840 = arith.sitofp %iota3A_839 : vector<256x5120xi32> to vector<256x5120xf32>
    %add3A_841 = arith.constant 2.560000e+03 : f32
    %add3A_842 = vector.broadcast %add3A_841 : f32 to vector<256x5120xf32>
    %add3A_843 = arith.addf %add3A_842, %convert_element_type3A_840 : vector<256x5120xf32>
    %gt3A_844 = arith.cmpf ogt, %convert_element_type3A, %add3A_843 : vector<256x5120xf32>
    %convert_element_type3A_845 = arith.extui %gt3A_844 : vector<256x5120xi1> to vector<256x5120xi32>
    %convert_element_type3A_846 = arith.sitofp %convert_element_type3A_845 : vector<256x5120xi32> to vector<256x5120xf32>
    %mul3A_847 = arith.mulf %convert_element_type3A_826, %convert_element_type3A_846 : vector<256x5120xf32>
    %transpose3A_848 = tpu.transpose %while3A_838#0, [1, 0] : vector<1x256xf32> -> vector<256x1xf32>
    %mul3A_849 = vector.broadcast %transpose3A_848 : vector<256x1xf32> to vector<256x5120xf32>
    %mul3A_850 = arith.mulf %mul3A_847, %mul3A_849 : vector<256x5120xf32>
    %reduce_max3A_851 = arith.constant dense<0xFF800000> : vector<5120xf32>
    %reduce_max3A_852 = vector.multi_reduction <maximumf>, %mul3A_850, %reduce_max3A_851 [0] : vector<256x5120xf32> to vector<5120xf32>
    %broadcast_in_dim3A_853 = vector.shape_cast %reduce_max3A_852 : vector<5120xf32> to vector<1x5120xf32>
    %min3A_854 = arith.constant 1.000000e+00 : f32
    %min3A_855 = vector.broadcast %min3A_854 : f32 to vector<1x5120xf32>
    %min3A_856 = arith.minimumf %broadcast_in_dim3A_853, %min3A_855 : vector<1x5120xf32>
    %sub3A_857 = arith.constant 1.000000e+00 : f32
    %sub3A_858 = vector.broadcast %sub3A_857 : f32 to vector<1x5120xf32>
    %sub3A_859 = arith.subf %sub3A_858, %min3A_856 : vector<1x5120xf32>
    %mul3A_860 = arith.mulf %mul3A_782, %sub3A_859 : vector<1x5120xf32>
    %slice3A_861 = vector.extract_strided_slice %get3A_1 {offsets = [0, 2816], sizes = [1, 256], strides = [1, 1]} : vector<1x5120xf32> to vector<1x256xf32>
    %transpose3A_862 = tpu.transpose %slice3A_861, [1, 0] : vector<1x256xf32> -> vector<256x1xf32>
    %slice3A_863 = vector.extract_strided_slice %get3A_4 {offsets = [0, 2816], sizes = [1, 256], strides = [1, 1]} : vector<1x5120xf32> to vector<1x256xf32>
    %transpose3A_864 = tpu.transpose %slice3A_863, [1, 0] : vector<1x256xf32> -> vector<256x1xf32>
    %slice3A_865 = vector.extract_strided_slice %get3A_7 {offsets = [0, 2816], sizes = [1, 256], strides = [1, 1]} : vector<1x5120xf32> to vector<1x256xf32>
    %transpose3A_866 = tpu.transpose %slice3A_865, [1, 0] : vector<1x256xf32> -> vector<256x1xf32>
    %slice3A_867 = vector.extract_strided_slice %get3A_10 {offsets = [0, 2816], sizes = [1, 256], strides = [1, 1]} : vector<1x5120xf32> to vector<1x256xf32>
    %transpose3A_868 = tpu.transpose %slice3A_867, [1, 0] : vector<1x256xf32> -> vector<256x1xf32>
    %slice3A_869 = vector.extract_strided_slice %mul3A {offsets = [0, 2816], sizes = [1, 256], strides = [1, 1]} : vector<1x5120xf32> to vector<1x256xf32>
    %transpose3A_870 = tpu.transpose %slice3A_869, [1, 0] : vector<1x256xf32> -> vector<256x1xf32>
    %max3A_871 = vector.broadcast %transpose3A_862 : vector<256x1xf32> to vector<256x5120xf32>
    %max3A_872 = vector.broadcast %get3A_1 : vector<1x5120xf32> to vector<256x5120xf32>
    %max3A_873 = arith.maximumf %max3A_871, %max3A_872 : vector<256x5120xf32>
    %max3A_874 = vector.broadcast %transpose3A_864 : vector<256x1xf32> to vector<256x5120xf32>
    %max3A_875 = vector.broadcast %get3A_4 : vector<1x5120xf32> to vector<256x5120xf32>
    %max3A_876 = arith.maximumf %max3A_874, %max3A_875 : vector<256x5120xf32>
    %min3A_877 = vector.broadcast %transpose3A_866 : vector<256x1xf32> to vector<256x5120xf32>
    %min3A_878 = vector.broadcast %get3A_7 : vector<1x5120xf32> to vector<256x5120xf32>
    %min3A_879 = arith.minimumf %min3A_877, %min3A_878 : vector<256x5120xf32>
    %min3A_880 = vector.broadcast %transpose3A_868 : vector<256x1xf32> to vector<256x5120xf32>
    %min3A_881 = vector.broadcast %get3A_10 : vector<1x5120xf32> to vector<256x5120xf32>
    %min3A_882 = arith.minimumf %min3A_880, %min3A_881 : vector<256x5120xf32>
    %sub3A_883 = arith.subf %min3A_879, %max3A_873 : vector<256x5120xf32>
    %max3A_884 = arith.constant 0.000000e+00 : f32
    %max3A_885 = vector.broadcast %max3A_884 : f32 to vector<256x5120xf32>
    %max3A_886 = arith.maximumf %sub3A_883, %max3A_885 : vector<256x5120xf32>
    %sub3A_887 = arith.subf %min3A_882, %max3A_876 : vector<256x5120xf32>
    %max3A_888 = arith.constant 0.000000e+00 : f32
    %max3A_889 = vector.broadcast %max3A_888 : f32 to vector<256x5120xf32>
    %max3A_890 = arith.maximumf %sub3A_887, %max3A_889 : vector<256x5120xf32>
    %mul3A_891 = arith.mulf %max3A_886, %max3A_890 : vector<256x5120xf32>
    %add3A_892 = vector.broadcast %transpose3A_870 : vector<256x1xf32> to vector<256x5120xf32>
    %add3A_893 = vector.broadcast %mul3A : vector<1x5120xf32> to vector<256x5120xf32>
    %add3A_894 = arith.addf %add3A_892, %add3A_893 : vector<256x5120xf32>
    %sub3A_895 = arith.subf %add3A_894, %mul3A_891 : vector<256x5120xf32>
    %add3A_896 = arith.constant 9.99999971E-10 : f32
    %add3A_897 = vector.broadcast %add3A_896 : f32 to vector<256x5120xf32>
    %add3A_898 = arith.addf %sub3A_895, %add3A_897 : vector<256x5120xf32>
    %div3A_899 = arith.divf %mul3A_891, %add3A_898 : vector<256x5120xf32>
    %gt3A_900 = arith.constant 0.699999988 : f32
    %gt3A_901 = vector.broadcast %gt3A_900 : f32 to vector<256x5120xf32>
    %gt3A_902 = arith.cmpf ogt, %div3A_899, %gt3A_901 : vector<256x5120xf32>
    %convert_element_type3A_903 = arith.extui %gt3A_902 : vector<256x5120xi1> to vector<256x5120xi32>
    %convert_element_type3A_904 = arith.sitofp %convert_element_type3A_903 : vector<256x5120xi32> to vector<256x5120xf32>
    %slice3A_905 = vector.extract_strided_slice %convert_element_type3A_904 {offsets = [0, 2816], sizes = [256, 256], strides = [1, 1]} : vector<256x5120xf32> to vector<256x256xf32>
    %iota3A_906 = tpu.iota {dimensions = array<i32: 0>} : vector<256x256xi32>
    %convert_element_type3A_907 = arith.sitofp %iota3A_906 : vector<256x256xi32> to vector<256x256xf32>
    %iota3A_908 = tpu.iota {dimensions = array<i32: 1>} : vector<256x256xi32>
    %convert_element_type3A_909 = arith.sitofp %iota3A_908 : vector<256x256xi32> to vector<256x256xf32>
    %lt3A_910 = arith.cmpf olt, %convert_element_type3A_907, %convert_element_type3A_909 : vector<256x256xf32>
    %convert_element_type3A_911 = arith.extui %lt3A_910 : vector<256x256xi1> to vector<256x256xi32>
    %convert_element_type3A_912 = arith.sitofp %convert_element_type3A_911 : vector<256x256xi32> to vector<256x256xf32>
    %mul3A_913 = arith.mulf %slice3A_905, %convert_element_type3A_912 : vector<256x256xf32>
    %slice3A_914 = vector.extract_strided_slice %mul3A_860 {offsets = [0, 2816], sizes = [1, 256], strides = [1, 1]} : vector<1x5120xf32> to vector<1x256xf32>
    %while3A_915 = arith.constant true
    %while3A_916:2 = scf.while (%while3A_1567 = %slice3A_914, %while3A_1568 = %while3A_915) : (vector<1x256xf32>, i1) -> (vector<1x256xf32>, i1) {
      scf.condition(%while3A_1568) %while3A_1567, %while3A_1568 : vector<1x256xf32>, i1
    } do {
    ^bb0(%while3A_1567: vector<1x256xf32>, %while3A_1568: i1):
      %transpose3A_1569 = tpu.transpose %while3A_1567, [1, 0] : vector<1x256xf32> -> vector<256x1xf32>
      %mul3A_1570 = vector.broadcast %transpose3A_1569 : vector<256x1xf32> to vector<256x256xf32>
      %mul3A_1571 = arith.mulf %mul3A_913, %mul3A_1570 : vector<256x256xf32>
      %reduce_max3A_1572 = arith.constant dense<0xFF800000> : vector<256xf32>
      %reduce_max3A_1573 = vector.multi_reduction <maximumf>, %mul3A_1571, %reduce_max3A_1572 [0] : vector<256x256xf32> to vector<256xf32>
      %broadcast_in_dim3A_1574 = vector.shape_cast %reduce_max3A_1573 : vector<256xf32> to vector<1x256xf32>
      %min3A_1575 = arith.constant 1.000000e+00 : f32
      %min3A_1576 = vector.broadcast %min3A_1575 : f32 to vector<1x256xf32>
      %min3A_1577 = arith.minimumf %broadcast_in_dim3A_1574, %min3A_1576 : vector<1x256xf32>
      %sub3A_1578 = arith.constant 1.000000e+00 : f32
      %sub3A_1579 = vector.broadcast %sub3A_1578 : f32 to vector<1x256xf32>
      %sub3A_1580 = arith.subf %sub3A_1579, %min3A_1577 : vector<1x256xf32>
      %mul3A_1581 = arith.mulf %slice3A_914, %sub3A_1580 : vector<1x256xf32>
      %ne3A = arith.cmpf one, %mul3A_1581, %while3A_1567 : vector<1x256xf32>
      %reduce_or3A = arith.constant 1.000000e+00 : f32
      %reduce_or3A_1582 = arith.constant 0.000000e+00 : f32
      %reduce_or3A_1583 = vector.broadcast %reduce_or3A : f32 to vector<1x256xf32>
      %reduce_or3A_1584 = vector.broadcast %reduce_or3A_1582 : f32 to vector<1x256xf32>
      %reduce_or3A_1585 = arith.select %ne3A, %reduce_or3A_1583, %reduce_or3A_1584 : vector<1x256xi1>, vector<1x256xf32>
      %reduce_or3A_1586 = vector.shape_cast %reduce_or3A_1585 : vector<1x256xf32> to vector<1x1x256xf32>
      %reduce_or3A_1587 = arith.constant dense<0xFF800000> : vector<1xf32>
      %reduce_or3A_1588 = vector.multi_reduction <maximumf>, %reduce_or3A_1586, %reduce_or3A_1587 [1, 2] : vector<1x1x256xf32> to vector<1xf32>
      %reduce_or3A_1589 = vector.shape_cast %reduce_or3A_1588 : vector<1xf32> to vector<1x1x1xf32>
      %reduce_or3A_1590 = vector.extract %reduce_or3A_1589[0, 0, 0] : f32 from vector<1x1x1xf32>
      %reduce_or3A_1591 = arith.constant 0.000000e+00 : f32
      %reduce_or3A_1592 = arith.cmpf ogt, %reduce_or3A_1590, %reduce_or3A_1591 : f32
      scf.yield %mul3A_1581, %reduce_or3A_1592 : vector<1x256xf32>, i1
    }
    %iota3A_917 = tpu.iota {dimensions = array<i32: 0>} : vector<256x5120xi32>
    %convert_element_type3A_918 = arith.sitofp %iota3A_917 : vector<256x5120xi32> to vector<256x5120xf32>
    %add3A_919 = arith.constant 2.816000e+03 : f32
    %add3A_920 = vector.broadcast %add3A_919 : f32 to vector<256x5120xf32>
    %add3A_921 = arith.addf %add3A_920, %convert_element_type3A_918 : vector<256x5120xf32>
    %gt3A_922 = arith.cmpf ogt, %convert_element_type3A, %add3A_921 : vector<256x5120xf32>
    %convert_element_type3A_923 = arith.extui %gt3A_922 : vector<256x5120xi1> to vector<256x5120xi32>
    %convert_element_type3A_924 = arith.sitofp %convert_element_type3A_923 : vector<256x5120xi32> to vector<256x5120xf32>
    %mul3A_925 = arith.mulf %convert_element_type3A_904, %convert_element_type3A_924 : vector<256x5120xf32>
    %transpose3A_926 = tpu.transpose %while3A_916#0, [1, 0] : vector<1x256xf32> -> vector<256x1xf32>
    %mul3A_927 = vector.broadcast %transpose3A_926 : vector<256x1xf32> to vector<256x5120xf32>
    %mul3A_928 = arith.mulf %mul3A_925, %mul3A_927 : vector<256x5120xf32>
    %reduce_max3A_929 = arith.constant dense<0xFF800000> : vector<5120xf32>
    %reduce_max3A_930 = vector.multi_reduction <maximumf>, %mul3A_928, %reduce_max3A_929 [0] : vector<256x5120xf32> to vector<5120xf32>
    %broadcast_in_dim3A_931 = vector.shape_cast %reduce_max3A_930 : vector<5120xf32> to vector<1x5120xf32>
    %min3A_932 = arith.constant 1.000000e+00 : f32
    %min3A_933 = vector.broadcast %min3A_932 : f32 to vector<1x5120xf32>
    %min3A_934 = arith.minimumf %broadcast_in_dim3A_931, %min3A_933 : vector<1x5120xf32>
    %sub3A_935 = arith.constant 1.000000e+00 : f32
    %sub3A_936 = vector.broadcast %sub3A_935 : f32 to vector<1x5120xf32>
    %sub3A_937 = arith.subf %sub3A_936, %min3A_934 : vector<1x5120xf32>
    %mul3A_938 = arith.mulf %mul3A_860, %sub3A_937 : vector<1x5120xf32>
    %slice3A_939 = vector.extract_strided_slice %get3A_1 {offsets = [0, 3072], sizes = [1, 256], strides = [1, 1]} : vector<1x5120xf32> to vector<1x256xf32>
    %transpose3A_940 = tpu.transpose %slice3A_939, [1, 0] : vector<1x256xf32> -> vector<256x1xf32>
    %slice3A_941 = vector.extract_strided_slice %get3A_4 {offsets = [0, 3072], sizes = [1, 256], strides = [1, 1]} : vector<1x5120xf32> to vector<1x256xf32>
    %transpose3A_942 = tpu.transpose %slice3A_941, [1, 0] : vector<1x256xf32> -> vector<256x1xf32>
    %slice3A_943 = vector.extract_strided_slice %get3A_7 {offsets = [0, 3072], sizes = [1, 256], strides = [1, 1]} : vector<1x5120xf32> to vector<1x256xf32>
    %transpose3A_944 = tpu.transpose %slice3A_943, [1, 0] : vector<1x256xf32> -> vector<256x1xf32>
    %slice3A_945 = vector.extract_strided_slice %get3A_10 {offsets = [0, 3072], sizes = [1, 256], strides = [1, 1]} : vector<1x5120xf32> to vector<1x256xf32>
    %transpose3A_946 = tpu.transpose %slice3A_945, [1, 0] : vector<1x256xf32> -> vector<256x1xf32>
    %slice3A_947 = vector.extract_strided_slice %mul3A {offsets = [0, 3072], sizes = [1, 256], strides = [1, 1]} : vector<1x5120xf32> to vector<1x256xf32>
    %transpose3A_948 = tpu.transpose %slice3A_947, [1, 0] : vector<1x256xf32> -> vector<256x1xf32>
    %max3A_949 = vector.broadcast %transpose3A_940 : vector<256x1xf32> to vector<256x5120xf32>
    %max3A_950 = vector.broadcast %get3A_1 : vector<1x5120xf32> to vector<256x5120xf32>
    %max3A_951 = arith.maximumf %max3A_949, %max3A_950 : vector<256x5120xf32>
    %max3A_952 = vector.broadcast %transpose3A_942 : vector<256x1xf32> to vector<256x5120xf32>
    %max3A_953 = vector.broadcast %get3A_4 : vector<1x5120xf32> to vector<256x5120xf32>
    %max3A_954 = arith.maximumf %max3A_952, %max3A_953 : vector<256x5120xf32>
    %min3A_955 = vector.broadcast %transpose3A_944 : vector<256x1xf32> to vector<256x5120xf32>
    %min3A_956 = vector.broadcast %get3A_7 : vector<1x5120xf32> to vector<256x5120xf32>
    %min3A_957 = arith.minimumf %min3A_955, %min3A_956 : vector<256x5120xf32>
    %min3A_958 = vector.broadcast %transpose3A_946 : vector<256x1xf32> to vector<256x5120xf32>
    %min3A_959 = vector.broadcast %get3A_10 : vector<1x5120xf32> to vector<256x5120xf32>
    %min3A_960 = arith.minimumf %min3A_958, %min3A_959 : vector<256x5120xf32>
    %sub3A_961 = arith.subf %min3A_957, %max3A_951 : vector<256x5120xf32>
    %max3A_962 = arith.constant 0.000000e+00 : f32
    %max3A_963 = vector.broadcast %max3A_962 : f32 to vector<256x5120xf32>
    %max3A_964 = arith.maximumf %sub3A_961, %max3A_963 : vector<256x5120xf32>
    %sub3A_965 = arith.subf %min3A_960, %max3A_954 : vector<256x5120xf32>
    %max3A_966 = arith.constant 0.000000e+00 : f32
    %max3A_967 = vector.broadcast %max3A_966 : f32 to vector<256x5120xf32>
    %max3A_968 = arith.maximumf %sub3A_965, %max3A_967 : vector<256x5120xf32>
    %mul3A_969 = arith.mulf %max3A_964, %max3A_968 : vector<256x5120xf32>
    %add3A_970 = vector.broadcast %transpose3A_948 : vector<256x1xf32> to vector<256x5120xf32>
    %add3A_971 = vector.broadcast %mul3A : vector<1x5120xf32> to vector<256x5120xf32>
    %add3A_972 = arith.addf %add3A_970, %add3A_971 : vector<256x5120xf32>
    %sub3A_973 = arith.subf %add3A_972, %mul3A_969 : vector<256x5120xf32>
    %add3A_974 = arith.constant 9.99999971E-10 : f32
    %add3A_975 = vector.broadcast %add3A_974 : f32 to vector<256x5120xf32>
    %add3A_976 = arith.addf %sub3A_973, %add3A_975 : vector<256x5120xf32>
    %div3A_977 = arith.divf %mul3A_969, %add3A_976 : vector<256x5120xf32>
    %gt3A_978 = arith.constant 0.699999988 : f32
    %gt3A_979 = vector.broadcast %gt3A_978 : f32 to vector<256x5120xf32>
    %gt3A_980 = arith.cmpf ogt, %div3A_977, %gt3A_979 : vector<256x5120xf32>
    %convert_element_type3A_981 = arith.extui %gt3A_980 : vector<256x5120xi1> to vector<256x5120xi32>
    %convert_element_type3A_982 = arith.sitofp %convert_element_type3A_981 : vector<256x5120xi32> to vector<256x5120xf32>
    %slice3A_983 = vector.extract_strided_slice %convert_element_type3A_982 {offsets = [0, 3072], sizes = [256, 256], strides = [1, 1]} : vector<256x5120xf32> to vector<256x256xf32>
    %iota3A_984 = tpu.iota {dimensions = array<i32: 0>} : vector<256x256xi32>
    %convert_element_type3A_985 = arith.sitofp %iota3A_984 : vector<256x256xi32> to vector<256x256xf32>
    %iota3A_986 = tpu.iota {dimensions = array<i32: 1>} : vector<256x256xi32>
    %convert_element_type3A_987 = arith.sitofp %iota3A_986 : vector<256x256xi32> to vector<256x256xf32>
    %lt3A_988 = arith.cmpf olt, %convert_element_type3A_985, %convert_element_type3A_987 : vector<256x256xf32>
    %convert_element_type3A_989 = arith.extui %lt3A_988 : vector<256x256xi1> to vector<256x256xi32>
    %convert_element_type3A_990 = arith.sitofp %convert_element_type3A_989 : vector<256x256xi32> to vector<256x256xf32>
    %mul3A_991 = arith.mulf %slice3A_983, %convert_element_type3A_990 : vector<256x256xf32>
    %slice3A_992 = vector.extract_strided_slice %mul3A_938 {offsets = [0, 3072], sizes = [1, 256], strides = [1, 1]} : vector<1x5120xf32> to vector<1x256xf32>
    %while3A_993 = arith.constant true
    %while3A_994:2 = scf.while (%while3A_1567 = %slice3A_992, %while3A_1568 = %while3A_993) : (vector<1x256xf32>, i1) -> (vector<1x256xf32>, i1) {
      scf.condition(%while3A_1568) %while3A_1567, %while3A_1568 : vector<1x256xf32>, i1
    } do {
    ^bb0(%while3A_1567: vector<1x256xf32>, %while3A_1568: i1):
      %transpose3A_1569 = tpu.transpose %while3A_1567, [1, 0] : vector<1x256xf32> -> vector<256x1xf32>
      %mul3A_1570 = vector.broadcast %transpose3A_1569 : vector<256x1xf32> to vector<256x256xf32>
      %mul3A_1571 = arith.mulf %mul3A_991, %mul3A_1570 : vector<256x256xf32>
      %reduce_max3A_1572 = arith.constant dense<0xFF800000> : vector<256xf32>
      %reduce_max3A_1573 = vector.multi_reduction <maximumf>, %mul3A_1571, %reduce_max3A_1572 [0] : vector<256x256xf32> to vector<256xf32>
      %broadcast_in_dim3A_1574 = vector.shape_cast %reduce_max3A_1573 : vector<256xf32> to vector<1x256xf32>
      %min3A_1575 = arith.constant 1.000000e+00 : f32
      %min3A_1576 = vector.broadcast %min3A_1575 : f32 to vector<1x256xf32>
      %min3A_1577 = arith.minimumf %broadcast_in_dim3A_1574, %min3A_1576 : vector<1x256xf32>
      %sub3A_1578 = arith.constant 1.000000e+00 : f32
      %sub3A_1579 = vector.broadcast %sub3A_1578 : f32 to vector<1x256xf32>
      %sub3A_1580 = arith.subf %sub3A_1579, %min3A_1577 : vector<1x256xf32>
      %mul3A_1581 = arith.mulf %slice3A_992, %sub3A_1580 : vector<1x256xf32>
      %ne3A = arith.cmpf one, %mul3A_1581, %while3A_1567 : vector<1x256xf32>
      %reduce_or3A = arith.constant 1.000000e+00 : f32
      %reduce_or3A_1582 = arith.constant 0.000000e+00 : f32
      %reduce_or3A_1583 = vector.broadcast %reduce_or3A : f32 to vector<1x256xf32>
      %reduce_or3A_1584 = vector.broadcast %reduce_or3A_1582 : f32 to vector<1x256xf32>
      %reduce_or3A_1585 = arith.select %ne3A, %reduce_or3A_1583, %reduce_or3A_1584 : vector<1x256xi1>, vector<1x256xf32>
      %reduce_or3A_1586 = vector.shape_cast %reduce_or3A_1585 : vector<1x256xf32> to vector<1x1x256xf32>
      %reduce_or3A_1587 = arith.constant dense<0xFF800000> : vector<1xf32>
      %reduce_or3A_1588 = vector.multi_reduction <maximumf>, %reduce_or3A_1586, %reduce_or3A_1587 [1, 2] : vector<1x1x256xf32> to vector<1xf32>
      %reduce_or3A_1589 = vector.shape_cast %reduce_or3A_1588 : vector<1xf32> to vector<1x1x1xf32>
      %reduce_or3A_1590 = vector.extract %reduce_or3A_1589[0, 0, 0] : f32 from vector<1x1x1xf32>
      %reduce_or3A_1591 = arith.constant 0.000000e+00 : f32
      %reduce_or3A_1592 = arith.cmpf ogt, %reduce_or3A_1590, %reduce_or3A_1591 : f32
      scf.yield %mul3A_1581, %reduce_or3A_1592 : vector<1x256xf32>, i1
    }
    %iota3A_995 = tpu.iota {dimensions = array<i32: 0>} : vector<256x5120xi32>
    %convert_element_type3A_996 = arith.sitofp %iota3A_995 : vector<256x5120xi32> to vector<256x5120xf32>
    %add3A_997 = arith.constant 3.072000e+03 : f32
    %add3A_998 = vector.broadcast %add3A_997 : f32 to vector<256x5120xf32>
    %add3A_999 = arith.addf %add3A_998, %convert_element_type3A_996 : vector<256x5120xf32>
    %gt3A_1000 = arith.cmpf ogt, %convert_element_type3A, %add3A_999 : vector<256x5120xf32>
    %convert_element_type3A_1001 = arith.extui %gt3A_1000 : vector<256x5120xi1> to vector<256x5120xi32>
    %convert_element_type3A_1002 = arith.sitofp %convert_element_type3A_1001 : vector<256x5120xi32> to vector<256x5120xf32>
    %mul3A_1003 = arith.mulf %convert_element_type3A_982, %convert_element_type3A_1002 : vector<256x5120xf32>
    %transpose3A_1004 = tpu.transpose %while3A_994#0, [1, 0] : vector<1x256xf32> -> vector<256x1xf32>
    %mul3A_1005 = vector.broadcast %transpose3A_1004 : vector<256x1xf32> to vector<256x5120xf32>
    %mul3A_1006 = arith.mulf %mul3A_1003, %mul3A_1005 : vector<256x5120xf32>
    %reduce_max3A_1007 = arith.constant dense<0xFF800000> : vector<5120xf32>
    %reduce_max3A_1008 = vector.multi_reduction <maximumf>, %mul3A_1006, %reduce_max3A_1007 [0] : vector<256x5120xf32> to vector<5120xf32>
    %broadcast_in_dim3A_1009 = vector.shape_cast %reduce_max3A_1008 : vector<5120xf32> to vector<1x5120xf32>
    %min3A_1010 = arith.constant 1.000000e+00 : f32
    %min3A_1011 = vector.broadcast %min3A_1010 : f32 to vector<1x5120xf32>
    %min3A_1012 = arith.minimumf %broadcast_in_dim3A_1009, %min3A_1011 : vector<1x5120xf32>
    %sub3A_1013 = arith.constant 1.000000e+00 : f32
    %sub3A_1014 = vector.broadcast %sub3A_1013 : f32 to vector<1x5120xf32>
    %sub3A_1015 = arith.subf %sub3A_1014, %min3A_1012 : vector<1x5120xf32>
    %mul3A_1016 = arith.mulf %mul3A_938, %sub3A_1015 : vector<1x5120xf32>
    %slice3A_1017 = vector.extract_strided_slice %get3A_1 {offsets = [0, 3328], sizes = [1, 256], strides = [1, 1]} : vector<1x5120xf32> to vector<1x256xf32>
    %transpose3A_1018 = tpu.transpose %slice3A_1017, [1, 0] : vector<1x256xf32> -> vector<256x1xf32>
    %slice3A_1019 = vector.extract_strided_slice %get3A_4 {offsets = [0, 3328], sizes = [1, 256], strides = [1, 1]} : vector<1x5120xf32> to vector<1x256xf32>
    %transpose3A_1020 = tpu.transpose %slice3A_1019, [1, 0] : vector<1x256xf32> -> vector<256x1xf32>
    %slice3A_1021 = vector.extract_strided_slice %get3A_7 {offsets = [0, 3328], sizes = [1, 256], strides = [1, 1]} : vector<1x5120xf32> to vector<1x256xf32>
    %transpose3A_1022 = tpu.transpose %slice3A_1021, [1, 0] : vector<1x256xf32> -> vector<256x1xf32>
    %slice3A_1023 = vector.extract_strided_slice %get3A_10 {offsets = [0, 3328], sizes = [1, 256], strides = [1, 1]} : vector<1x5120xf32> to vector<1x256xf32>
    %transpose3A_1024 = tpu.transpose %slice3A_1023, [1, 0] : vector<1x256xf32> -> vector<256x1xf32>
    %slice3A_1025 = vector.extract_strided_slice %mul3A {offsets = [0, 3328], sizes = [1, 256], strides = [1, 1]} : vector<1x5120xf32> to vector<1x256xf32>
    %transpose3A_1026 = tpu.transpose %slice3A_1025, [1, 0] : vector<1x256xf32> -> vector<256x1xf32>
    %max3A_1027 = vector.broadcast %transpose3A_1018 : vector<256x1xf32> to vector<256x5120xf32>
    %max3A_1028 = vector.broadcast %get3A_1 : vector<1x5120xf32> to vector<256x5120xf32>
    %max3A_1029 = arith.maximumf %max3A_1027, %max3A_1028 : vector<256x5120xf32>
    %max3A_1030 = vector.broadcast %transpose3A_1020 : vector<256x1xf32> to vector<256x5120xf32>
    %max3A_1031 = vector.broadcast %get3A_4 : vector<1x5120xf32> to vector<256x5120xf32>
    %max3A_1032 = arith.maximumf %max3A_1030, %max3A_1031 : vector<256x5120xf32>
    %min3A_1033 = vector.broadcast %transpose3A_1022 : vector<256x1xf32> to vector<256x5120xf32>
    %min3A_1034 = vector.broadcast %get3A_7 : vector<1x5120xf32> to vector<256x5120xf32>
    %min3A_1035 = arith.minimumf %min3A_1033, %min3A_1034 : vector<256x5120xf32>
    %min3A_1036 = vector.broadcast %transpose3A_1024 : vector<256x1xf32> to vector<256x5120xf32>
    %min3A_1037 = vector.broadcast %get3A_10 : vector<1x5120xf32> to vector<256x5120xf32>
    %min3A_1038 = arith.minimumf %min3A_1036, %min3A_1037 : vector<256x5120xf32>
    %sub3A_1039 = arith.subf %min3A_1035, %max3A_1029 : vector<256x5120xf32>
    %max3A_1040 = arith.constant 0.000000e+00 : f32
    %max3A_1041 = vector.broadcast %max3A_1040 : f32 to vector<256x5120xf32>
    %max3A_1042 = arith.maximumf %sub3A_1039, %max3A_1041 : vector<256x5120xf32>
    %sub3A_1043 = arith.subf %min3A_1038, %max3A_1032 : vector<256x5120xf32>
    %max3A_1044 = arith.constant 0.000000e+00 : f32
    %max3A_1045 = vector.broadcast %max3A_1044 : f32 to vector<256x5120xf32>
    %max3A_1046 = arith.maximumf %sub3A_1043, %max3A_1045 : vector<256x5120xf32>
    %mul3A_1047 = arith.mulf %max3A_1042, %max3A_1046 : vector<256x5120xf32>
    %add3A_1048 = vector.broadcast %transpose3A_1026 : vector<256x1xf32> to vector<256x5120xf32>
    %add3A_1049 = vector.broadcast %mul3A : vector<1x5120xf32> to vector<256x5120xf32>
    %add3A_1050 = arith.addf %add3A_1048, %add3A_1049 : vector<256x5120xf32>
    %sub3A_1051 = arith.subf %add3A_1050, %mul3A_1047 : vector<256x5120xf32>
    %add3A_1052 = arith.constant 9.99999971E-10 : f32
    %add3A_1053 = vector.broadcast %add3A_1052 : f32 to vector<256x5120xf32>
    %add3A_1054 = arith.addf %sub3A_1051, %add3A_1053 : vector<256x5120xf32>
    %div3A_1055 = arith.divf %mul3A_1047, %add3A_1054 : vector<256x5120xf32>
    %gt3A_1056 = arith.constant 0.699999988 : f32
    %gt3A_1057 = vector.broadcast %gt3A_1056 : f32 to vector<256x5120xf32>
    %gt3A_1058 = arith.cmpf ogt, %div3A_1055, %gt3A_1057 : vector<256x5120xf32>
    %convert_element_type3A_1059 = arith.extui %gt3A_1058 : vector<256x5120xi1> to vector<256x5120xi32>
    %convert_element_type3A_1060 = arith.sitofp %convert_element_type3A_1059 : vector<256x5120xi32> to vector<256x5120xf32>
    %slice3A_1061 = vector.extract_strided_slice %convert_element_type3A_1060 {offsets = [0, 3328], sizes = [256, 256], strides = [1, 1]} : vector<256x5120xf32> to vector<256x256xf32>
    %iota3A_1062 = tpu.iota {dimensions = array<i32: 0>} : vector<256x256xi32>
    %convert_element_type3A_1063 = arith.sitofp %iota3A_1062 : vector<256x256xi32> to vector<256x256xf32>
    %iota3A_1064 = tpu.iota {dimensions = array<i32: 1>} : vector<256x256xi32>
    %convert_element_type3A_1065 = arith.sitofp %iota3A_1064 : vector<256x256xi32> to vector<256x256xf32>
    %lt3A_1066 = arith.cmpf olt, %convert_element_type3A_1063, %convert_element_type3A_1065 : vector<256x256xf32>
    %convert_element_type3A_1067 = arith.extui %lt3A_1066 : vector<256x256xi1> to vector<256x256xi32>
    %convert_element_type3A_1068 = arith.sitofp %convert_element_type3A_1067 : vector<256x256xi32> to vector<256x256xf32>
    %mul3A_1069 = arith.mulf %slice3A_1061, %convert_element_type3A_1068 : vector<256x256xf32>
    %slice3A_1070 = vector.extract_strided_slice %mul3A_1016 {offsets = [0, 3328], sizes = [1, 256], strides = [1, 1]} : vector<1x5120xf32> to vector<1x256xf32>
    %while3A_1071 = arith.constant true
    %while3A_1072:2 = scf.while (%while3A_1567 = %slice3A_1070, %while3A_1568 = %while3A_1071) : (vector<1x256xf32>, i1) -> (vector<1x256xf32>, i1) {
      scf.condition(%while3A_1568) %while3A_1567, %while3A_1568 : vector<1x256xf32>, i1
    } do {
    ^bb0(%while3A_1567: vector<1x256xf32>, %while3A_1568: i1):
      %transpose3A_1569 = tpu.transpose %while3A_1567, [1, 0] : vector<1x256xf32> -> vector<256x1xf32>
      %mul3A_1570 = vector.broadcast %transpose3A_1569 : vector<256x1xf32> to vector<256x256xf32>
      %mul3A_1571 = arith.mulf %mul3A_1069, %mul3A_1570 : vector<256x256xf32>
      %reduce_max3A_1572 = arith.constant dense<0xFF800000> : vector<256xf32>
      %reduce_max3A_1573 = vector.multi_reduction <maximumf>, %mul3A_1571, %reduce_max3A_1572 [0] : vector<256x256xf32> to vector<256xf32>
      %broadcast_in_dim3A_1574 = vector.shape_cast %reduce_max3A_1573 : vector<256xf32> to vector<1x256xf32>
      %min3A_1575 = arith.constant 1.000000e+00 : f32
      %min3A_1576 = vector.broadcast %min3A_1575 : f32 to vector<1x256xf32>
      %min3A_1577 = arith.minimumf %broadcast_in_dim3A_1574, %min3A_1576 : vector<1x256xf32>
      %sub3A_1578 = arith.constant 1.000000e+00 : f32
      %sub3A_1579 = vector.broadcast %sub3A_1578 : f32 to vector<1x256xf32>
      %sub3A_1580 = arith.subf %sub3A_1579, %min3A_1577 : vector<1x256xf32>
      %mul3A_1581 = arith.mulf %slice3A_1070, %sub3A_1580 : vector<1x256xf32>
      %ne3A = arith.cmpf one, %mul3A_1581, %while3A_1567 : vector<1x256xf32>
      %reduce_or3A = arith.constant 1.000000e+00 : f32
      %reduce_or3A_1582 = arith.constant 0.000000e+00 : f32
      %reduce_or3A_1583 = vector.broadcast %reduce_or3A : f32 to vector<1x256xf32>
      %reduce_or3A_1584 = vector.broadcast %reduce_or3A_1582 : f32 to vector<1x256xf32>
      %reduce_or3A_1585 = arith.select %ne3A, %reduce_or3A_1583, %reduce_or3A_1584 : vector<1x256xi1>, vector<1x256xf32>
      %reduce_or3A_1586 = vector.shape_cast %reduce_or3A_1585 : vector<1x256xf32> to vector<1x1x256xf32>
      %reduce_or3A_1587 = arith.constant dense<0xFF800000> : vector<1xf32>
      %reduce_or3A_1588 = vector.multi_reduction <maximumf>, %reduce_or3A_1586, %reduce_or3A_1587 [1, 2] : vector<1x1x256xf32> to vector<1xf32>
      %reduce_or3A_1589 = vector.shape_cast %reduce_or3A_1588 : vector<1xf32> to vector<1x1x1xf32>
      %reduce_or3A_1590 = vector.extract %reduce_or3A_1589[0, 0, 0] : f32 from vector<1x1x1xf32>
      %reduce_or3A_1591 = arith.constant 0.000000e+00 : f32
      %reduce_or3A_1592 = arith.cmpf ogt, %reduce_or3A_1590, %reduce_or3A_1591 : f32
      scf.yield %mul3A_1581, %reduce_or3A_1592 : vector<1x256xf32>, i1
    }
    %iota3A_1073 = tpu.iota {dimensions = array<i32: 0>} : vector<256x5120xi32>
    %convert_element_type3A_1074 = arith.sitofp %iota3A_1073 : vector<256x5120xi32> to vector<256x5120xf32>
    %add3A_1075 = arith.constant 3.328000e+03 : f32
    %add3A_1076 = vector.broadcast %add3A_1075 : f32 to vector<256x5120xf32>
    %add3A_1077 = arith.addf %add3A_1076, %convert_element_type3A_1074 : vector<256x5120xf32>
    %gt3A_1078 = arith.cmpf ogt, %convert_element_type3A, %add3A_1077 : vector<256x5120xf32>
    %convert_element_type3A_1079 = arith.extui %gt3A_1078 : vector<256x5120xi1> to vector<256x5120xi32>
    %convert_element_type3A_1080 = arith.sitofp %convert_element_type3A_1079 : vector<256x5120xi32> to vector<256x5120xf32>
    %mul3A_1081 = arith.mulf %convert_element_type3A_1060, %convert_element_type3A_1080 : vector<256x5120xf32>
    %transpose3A_1082 = tpu.transpose %while3A_1072#0, [1, 0] : vector<1x256xf32> -> vector<256x1xf32>
    %mul3A_1083 = vector.broadcast %transpose3A_1082 : vector<256x1xf32> to vector<256x5120xf32>
    %mul3A_1084 = arith.mulf %mul3A_1081, %mul3A_1083 : vector<256x5120xf32>
    %reduce_max3A_1085 = arith.constant dense<0xFF800000> : vector<5120xf32>
    %reduce_max3A_1086 = vector.multi_reduction <maximumf>, %mul3A_1084, %reduce_max3A_1085 [0] : vector<256x5120xf32> to vector<5120xf32>
    %broadcast_in_dim3A_1087 = vector.shape_cast %reduce_max3A_1086 : vector<5120xf32> to vector<1x5120xf32>
    %min3A_1088 = arith.constant 1.000000e+00 : f32
    %min3A_1089 = vector.broadcast %min3A_1088 : f32 to vector<1x5120xf32>
    %min3A_1090 = arith.minimumf %broadcast_in_dim3A_1087, %min3A_1089 : vector<1x5120xf32>
    %sub3A_1091 = arith.constant 1.000000e+00 : f32
    %sub3A_1092 = vector.broadcast %sub3A_1091 : f32 to vector<1x5120xf32>
    %sub3A_1093 = arith.subf %sub3A_1092, %min3A_1090 : vector<1x5120xf32>
    %mul3A_1094 = arith.mulf %mul3A_1016, %sub3A_1093 : vector<1x5120xf32>
    %slice3A_1095 = vector.extract_strided_slice %get3A_1 {offsets = [0, 3584], sizes = [1, 256], strides = [1, 1]} : vector<1x5120xf32> to vector<1x256xf32>
    %transpose3A_1096 = tpu.transpose %slice3A_1095, [1, 0] : vector<1x256xf32> -> vector<256x1xf32>
    %slice3A_1097 = vector.extract_strided_slice %get3A_4 {offsets = [0, 3584], sizes = [1, 256], strides = [1, 1]} : vector<1x5120xf32> to vector<1x256xf32>
    %transpose3A_1098 = tpu.transpose %slice3A_1097, [1, 0] : vector<1x256xf32> -> vector<256x1xf32>
    %slice3A_1099 = vector.extract_strided_slice %get3A_7 {offsets = [0, 3584], sizes = [1, 256], strides = [1, 1]} : vector<1x5120xf32> to vector<1x256xf32>
    %transpose3A_1100 = tpu.transpose %slice3A_1099, [1, 0] : vector<1x256xf32> -> vector<256x1xf32>
    %slice3A_1101 = vector.extract_strided_slice %get3A_10 {offsets = [0, 3584], sizes = [1, 256], strides = [1, 1]} : vector<1x5120xf32> to vector<1x256xf32>
    %transpose3A_1102 = tpu.transpose %slice3A_1101, [1, 0] : vector<1x256xf32> -> vector<256x1xf32>
    %slice3A_1103 = vector.extract_strided_slice %mul3A {offsets = [0, 3584], sizes = [1, 256], strides = [1, 1]} : vector<1x5120xf32> to vector<1x256xf32>
    %transpose3A_1104 = tpu.transpose %slice3A_1103, [1, 0] : vector<1x256xf32> -> vector<256x1xf32>
    %max3A_1105 = vector.broadcast %transpose3A_1096 : vector<256x1xf32> to vector<256x5120xf32>
    %max3A_1106 = vector.broadcast %get3A_1 : vector<1x5120xf32> to vector<256x5120xf32>
    %max3A_1107 = arith.maximumf %max3A_1105, %max3A_1106 : vector<256x5120xf32>
    %max3A_1108 = vector.broadcast %transpose3A_1098 : vector<256x1xf32> to vector<256x5120xf32>
    %max3A_1109 = vector.broadcast %get3A_4 : vector<1x5120xf32> to vector<256x5120xf32>
    %max3A_1110 = arith.maximumf %max3A_1108, %max3A_1109 : vector<256x5120xf32>
    %min3A_1111 = vector.broadcast %transpose3A_1100 : vector<256x1xf32> to vector<256x5120xf32>
    %min3A_1112 = vector.broadcast %get3A_7 : vector<1x5120xf32> to vector<256x5120xf32>
    %min3A_1113 = arith.minimumf %min3A_1111, %min3A_1112 : vector<256x5120xf32>
    %min3A_1114 = vector.broadcast %transpose3A_1102 : vector<256x1xf32> to vector<256x5120xf32>
    %min3A_1115 = vector.broadcast %get3A_10 : vector<1x5120xf32> to vector<256x5120xf32>
    %min3A_1116 = arith.minimumf %min3A_1114, %min3A_1115 : vector<256x5120xf32>
    %sub3A_1117 = arith.subf %min3A_1113, %max3A_1107 : vector<256x5120xf32>
    %max3A_1118 = arith.constant 0.000000e+00 : f32
    %max3A_1119 = vector.broadcast %max3A_1118 : f32 to vector<256x5120xf32>
    %max3A_1120 = arith.maximumf %sub3A_1117, %max3A_1119 : vector<256x5120xf32>
    %sub3A_1121 = arith.subf %min3A_1116, %max3A_1110 : vector<256x5120xf32>
    %max3A_1122 = arith.constant 0.000000e+00 : f32
    %max3A_1123 = vector.broadcast %max3A_1122 : f32 to vector<256x5120xf32>
    %max3A_1124 = arith.maximumf %sub3A_1121, %max3A_1123 : vector<256x5120xf32>
    %mul3A_1125 = arith.mulf %max3A_1120, %max3A_1124 : vector<256x5120xf32>
    %add3A_1126 = vector.broadcast %transpose3A_1104 : vector<256x1xf32> to vector<256x5120xf32>
    %add3A_1127 = vector.broadcast %mul3A : vector<1x5120xf32> to vector<256x5120xf32>
    %add3A_1128 = arith.addf %add3A_1126, %add3A_1127 : vector<256x5120xf32>
    %sub3A_1129 = arith.subf %add3A_1128, %mul3A_1125 : vector<256x5120xf32>
    %add3A_1130 = arith.constant 9.99999971E-10 : f32
    %add3A_1131 = vector.broadcast %add3A_1130 : f32 to vector<256x5120xf32>
    %add3A_1132 = arith.addf %sub3A_1129, %add3A_1131 : vector<256x5120xf32>
    %div3A_1133 = arith.divf %mul3A_1125, %add3A_1132 : vector<256x5120xf32>
    %gt3A_1134 = arith.constant 0.699999988 : f32
    %gt3A_1135 = vector.broadcast %gt3A_1134 : f32 to vector<256x5120xf32>
    %gt3A_1136 = arith.cmpf ogt, %div3A_1133, %gt3A_1135 : vector<256x5120xf32>
    %convert_element_type3A_1137 = arith.extui %gt3A_1136 : vector<256x5120xi1> to vector<256x5120xi32>
    %convert_element_type3A_1138 = arith.sitofp %convert_element_type3A_1137 : vector<256x5120xi32> to vector<256x5120xf32>
    %slice3A_1139 = vector.extract_strided_slice %convert_element_type3A_1138 {offsets = [0, 3584], sizes = [256, 256], strides = [1, 1]} : vector<256x5120xf32> to vector<256x256xf32>
    %iota3A_1140 = tpu.iota {dimensions = array<i32: 0>} : vector<256x256xi32>
    %convert_element_type3A_1141 = arith.sitofp %iota3A_1140 : vector<256x256xi32> to vector<256x256xf32>
    %iota3A_1142 = tpu.iota {dimensions = array<i32: 1>} : vector<256x256xi32>
    %convert_element_type3A_1143 = arith.sitofp %iota3A_1142 : vector<256x256xi32> to vector<256x256xf32>
    %lt3A_1144 = arith.cmpf olt, %convert_element_type3A_1141, %convert_element_type3A_1143 : vector<256x256xf32>
    %convert_element_type3A_1145 = arith.extui %lt3A_1144 : vector<256x256xi1> to vector<256x256xi32>
    %convert_element_type3A_1146 = arith.sitofp %convert_element_type3A_1145 : vector<256x256xi32> to vector<256x256xf32>
    %mul3A_1147 = arith.mulf %slice3A_1139, %convert_element_type3A_1146 : vector<256x256xf32>
    %slice3A_1148 = vector.extract_strided_slice %mul3A_1094 {offsets = [0, 3584], sizes = [1, 256], strides = [1, 1]} : vector<1x5120xf32> to vector<1x256xf32>
    %while3A_1149 = arith.constant true
    %while3A_1150:2 = scf.while (%while3A_1567 = %slice3A_1148, %while3A_1568 = %while3A_1149) : (vector<1x256xf32>, i1) -> (vector<1x256xf32>, i1) {
      scf.condition(%while3A_1568) %while3A_1567, %while3A_1568 : vector<1x256xf32>, i1
    } do {
    ^bb0(%while3A_1567: vector<1x256xf32>, %while3A_1568: i1):
      %transpose3A_1569 = tpu.transpose %while3A_1567, [1, 0] : vector<1x256xf32> -> vector<256x1xf32>
      %mul3A_1570 = vector.broadcast %transpose3A_1569 : vector<256x1xf32> to vector<256x256xf32>
      %mul3A_1571 = arith.mulf %mul3A_1147, %mul3A_1570 : vector<256x256xf32>
      %reduce_max3A_1572 = arith.constant dense<0xFF800000> : vector<256xf32>
      %reduce_max3A_1573 = vector.multi_reduction <maximumf>, %mul3A_1571, %reduce_max3A_1572 [0] : vector<256x256xf32> to vector<256xf32>
      %broadcast_in_dim3A_1574 = vector.shape_cast %reduce_max3A_1573 : vector<256xf32> to vector<1x256xf32>
      %min3A_1575 = arith.constant 1.000000e+00 : f32
      %min3A_1576 = vector.broadcast %min3A_1575 : f32 to vector<1x256xf32>
      %min3A_1577 = arith.minimumf %broadcast_in_dim3A_1574, %min3A_1576 : vector<1x256xf32>
      %sub3A_1578 = arith.constant 1.000000e+00 : f32
      %sub3A_1579 = vector.broadcast %sub3A_1578 : f32 to vector<1x256xf32>
      %sub3A_1580 = arith.subf %sub3A_1579, %min3A_1577 : vector<1x256xf32>
      %mul3A_1581 = arith.mulf %slice3A_1148, %sub3A_1580 : vector<1x256xf32>
      %ne3A = arith.cmpf one, %mul3A_1581, %while3A_1567 : vector<1x256xf32>
      %reduce_or3A = arith.constant 1.000000e+00 : f32
      %reduce_or3A_1582 = arith.constant 0.000000e+00 : f32
      %reduce_or3A_1583 = vector.broadcast %reduce_or3A : f32 to vector<1x256xf32>
      %reduce_or3A_1584 = vector.broadcast %reduce_or3A_1582 : f32 to vector<1x256xf32>
      %reduce_or3A_1585 = arith.select %ne3A, %reduce_or3A_1583, %reduce_or3A_1584 : vector<1x256xi1>, vector<1x256xf32>
      %reduce_or3A_1586 = vector.shape_cast %reduce_or3A_1585 : vector<1x256xf32> to vector<1x1x256xf32>
      %reduce_or3A_1587 = arith.constant dense<0xFF800000> : vector<1xf32>
      %reduce_or3A_1588 = vector.multi_reduction <maximumf>, %reduce_or3A_1586, %reduce_or3A_1587 [1, 2] : vector<1x1x256xf32> to vector<1xf32>
      %reduce_or3A_1589 = vector.shape_cast %reduce_or3A_1588 : vector<1xf32> to vector<1x1x1xf32>
      %reduce_or3A_1590 = vector.extract %reduce_or3A_1589[0, 0, 0] : f32 from vector<1x1x1xf32>
      %reduce_or3A_1591 = arith.constant 0.000000e+00 : f32
      %reduce_or3A_1592 = arith.cmpf ogt, %reduce_or3A_1590, %reduce_or3A_1591 : f32
      scf.yield %mul3A_1581, %reduce_or3A_1592 : vector<1x256xf32>, i1
    }
    %iota3A_1151 = tpu.iota {dimensions = array<i32: 0>} : vector<256x5120xi32>
    %convert_element_type3A_1152 = arith.sitofp %iota3A_1151 : vector<256x5120xi32> to vector<256x5120xf32>
    %add3A_1153 = arith.constant 3.584000e+03 : f32
    %add3A_1154 = vector.broadcast %add3A_1153 : f32 to vector<256x5120xf32>
    %add3A_1155 = arith.addf %add3A_1154, %convert_element_type3A_1152 : vector<256x5120xf32>
    %gt3A_1156 = arith.cmpf ogt, %convert_element_type3A, %add3A_1155 : vector<256x5120xf32>
    %convert_element_type3A_1157 = arith.extui %gt3A_1156 : vector<256x5120xi1> to vector<256x5120xi32>
    %convert_element_type3A_1158 = arith.sitofp %convert_element_type3A_1157 : vector<256x5120xi32> to vector<256x5120xf32>
    %mul3A_1159 = arith.mulf %convert_element_type3A_1138, %convert_element_type3A_1158 : vector<256x5120xf32>
    %transpose3A_1160 = tpu.transpose %while3A_1150#0, [1, 0] : vector<1x256xf32> -> vector<256x1xf32>
    %mul3A_1161 = vector.broadcast %transpose3A_1160 : vector<256x1xf32> to vector<256x5120xf32>
    %mul3A_1162 = arith.mulf %mul3A_1159, %mul3A_1161 : vector<256x5120xf32>
    %reduce_max3A_1163 = arith.constant dense<0xFF800000> : vector<5120xf32>
    %reduce_max3A_1164 = vector.multi_reduction <maximumf>, %mul3A_1162, %reduce_max3A_1163 [0] : vector<256x5120xf32> to vector<5120xf32>
    %broadcast_in_dim3A_1165 = vector.shape_cast %reduce_max3A_1164 : vector<5120xf32> to vector<1x5120xf32>
    %min3A_1166 = arith.constant 1.000000e+00 : f32
    %min3A_1167 = vector.broadcast %min3A_1166 : f32 to vector<1x5120xf32>
    %min3A_1168 = arith.minimumf %broadcast_in_dim3A_1165, %min3A_1167 : vector<1x5120xf32>
    %sub3A_1169 = arith.constant 1.000000e+00 : f32
    %sub3A_1170 = vector.broadcast %sub3A_1169 : f32 to vector<1x5120xf32>
    %sub3A_1171 = arith.subf %sub3A_1170, %min3A_1168 : vector<1x5120xf32>
    %mul3A_1172 = arith.mulf %mul3A_1094, %sub3A_1171 : vector<1x5120xf32>
    %slice3A_1173 = vector.extract_strided_slice %get3A_1 {offsets = [0, 3840], sizes = [1, 256], strides = [1, 1]} : vector<1x5120xf32> to vector<1x256xf32>
    %transpose3A_1174 = tpu.transpose %slice3A_1173, [1, 0] : vector<1x256xf32> -> vector<256x1xf32>
    %slice3A_1175 = vector.extract_strided_slice %get3A_4 {offsets = [0, 3840], sizes = [1, 256], strides = [1, 1]} : vector<1x5120xf32> to vector<1x256xf32>
    %transpose3A_1176 = tpu.transpose %slice3A_1175, [1, 0] : vector<1x256xf32> -> vector<256x1xf32>
    %slice3A_1177 = vector.extract_strided_slice %get3A_7 {offsets = [0, 3840], sizes = [1, 256], strides = [1, 1]} : vector<1x5120xf32> to vector<1x256xf32>
    %transpose3A_1178 = tpu.transpose %slice3A_1177, [1, 0] : vector<1x256xf32> -> vector<256x1xf32>
    %slice3A_1179 = vector.extract_strided_slice %get3A_10 {offsets = [0, 3840], sizes = [1, 256], strides = [1, 1]} : vector<1x5120xf32> to vector<1x256xf32>
    %transpose3A_1180 = tpu.transpose %slice3A_1179, [1, 0] : vector<1x256xf32> -> vector<256x1xf32>
    %slice3A_1181 = vector.extract_strided_slice %mul3A {offsets = [0, 3840], sizes = [1, 256], strides = [1, 1]} : vector<1x5120xf32> to vector<1x256xf32>
    %transpose3A_1182 = tpu.transpose %slice3A_1181, [1, 0] : vector<1x256xf32> -> vector<256x1xf32>
    %max3A_1183 = vector.broadcast %transpose3A_1174 : vector<256x1xf32> to vector<256x5120xf32>
    %max3A_1184 = vector.broadcast %get3A_1 : vector<1x5120xf32> to vector<256x5120xf32>
    %max3A_1185 = arith.maximumf %max3A_1183, %max3A_1184 : vector<256x5120xf32>
    %max3A_1186 = vector.broadcast %transpose3A_1176 : vector<256x1xf32> to vector<256x5120xf32>
    %max3A_1187 = vector.broadcast %get3A_4 : vector<1x5120xf32> to vector<256x5120xf32>
    %max3A_1188 = arith.maximumf %max3A_1186, %max3A_1187 : vector<256x5120xf32>
    %min3A_1189 = vector.broadcast %transpose3A_1178 : vector<256x1xf32> to vector<256x5120xf32>
    %min3A_1190 = vector.broadcast %get3A_7 : vector<1x5120xf32> to vector<256x5120xf32>
    %min3A_1191 = arith.minimumf %min3A_1189, %min3A_1190 : vector<256x5120xf32>
    %min3A_1192 = vector.broadcast %transpose3A_1180 : vector<256x1xf32> to vector<256x5120xf32>
    %min3A_1193 = vector.broadcast %get3A_10 : vector<1x5120xf32> to vector<256x5120xf32>
    %min3A_1194 = arith.minimumf %min3A_1192, %min3A_1193 : vector<256x5120xf32>
    %sub3A_1195 = arith.subf %min3A_1191, %max3A_1185 : vector<256x5120xf32>
    %max3A_1196 = arith.constant 0.000000e+00 : f32
    %max3A_1197 = vector.broadcast %max3A_1196 : f32 to vector<256x5120xf32>
    %max3A_1198 = arith.maximumf %sub3A_1195, %max3A_1197 : vector<256x5120xf32>
    %sub3A_1199 = arith.subf %min3A_1194, %max3A_1188 : vector<256x5120xf32>
    %max3A_1200 = arith.constant 0.000000e+00 : f32
    %max3A_1201 = vector.broadcast %max3A_1200 : f32 to vector<256x5120xf32>
    %max3A_1202 = arith.maximumf %sub3A_1199, %max3A_1201 : vector<256x5120xf32>
    %mul3A_1203 = arith.mulf %max3A_1198, %max3A_1202 : vector<256x5120xf32>
    %add3A_1204 = vector.broadcast %transpose3A_1182 : vector<256x1xf32> to vector<256x5120xf32>
    %add3A_1205 = vector.broadcast %mul3A : vector<1x5120xf32> to vector<256x5120xf32>
    %add3A_1206 = arith.addf %add3A_1204, %add3A_1205 : vector<256x5120xf32>
    %sub3A_1207 = arith.subf %add3A_1206, %mul3A_1203 : vector<256x5120xf32>
    %add3A_1208 = arith.constant 9.99999971E-10 : f32
    %add3A_1209 = vector.broadcast %add3A_1208 : f32 to vector<256x5120xf32>
    %add3A_1210 = arith.addf %sub3A_1207, %add3A_1209 : vector<256x5120xf32>
    %div3A_1211 = arith.divf %mul3A_1203, %add3A_1210 : vector<256x5120xf32>
    %gt3A_1212 = arith.constant 0.699999988 : f32
    %gt3A_1213 = vector.broadcast %gt3A_1212 : f32 to vector<256x5120xf32>
    %gt3A_1214 = arith.cmpf ogt, %div3A_1211, %gt3A_1213 : vector<256x5120xf32>
    %convert_element_type3A_1215 = arith.extui %gt3A_1214 : vector<256x5120xi1> to vector<256x5120xi32>
    %convert_element_type3A_1216 = arith.sitofp %convert_element_type3A_1215 : vector<256x5120xi32> to vector<256x5120xf32>
    %slice3A_1217 = vector.extract_strided_slice %convert_element_type3A_1216 {offsets = [0, 3840], sizes = [256, 256], strides = [1, 1]} : vector<256x5120xf32> to vector<256x256xf32>
    %iota3A_1218 = tpu.iota {dimensions = array<i32: 0>} : vector<256x256xi32>
    %convert_element_type3A_1219 = arith.sitofp %iota3A_1218 : vector<256x256xi32> to vector<256x256xf32>
    %iota3A_1220 = tpu.iota {dimensions = array<i32: 1>} : vector<256x256xi32>
    %convert_element_type3A_1221 = arith.sitofp %iota3A_1220 : vector<256x256xi32> to vector<256x256xf32>
    %lt3A_1222 = arith.cmpf olt, %convert_element_type3A_1219, %convert_element_type3A_1221 : vector<256x256xf32>
    %convert_element_type3A_1223 = arith.extui %lt3A_1222 : vector<256x256xi1> to vector<256x256xi32>
    %convert_element_type3A_1224 = arith.sitofp %convert_element_type3A_1223 : vector<256x256xi32> to vector<256x256xf32>
    %mul3A_1225 = arith.mulf %slice3A_1217, %convert_element_type3A_1224 : vector<256x256xf32>
    %slice3A_1226 = vector.extract_strided_slice %mul3A_1172 {offsets = [0, 3840], sizes = [1, 256], strides = [1, 1]} : vector<1x5120xf32> to vector<1x256xf32>
    %while3A_1227 = arith.constant true
    %while3A_1228:2 = scf.while (%while3A_1567 = %slice3A_1226, %while3A_1568 = %while3A_1227) : (vector<1x256xf32>, i1) -> (vector<1x256xf32>, i1) {
      scf.condition(%while3A_1568) %while3A_1567, %while3A_1568 : vector<1x256xf32>, i1
    } do {
    ^bb0(%while3A_1567: vector<1x256xf32>, %while3A_1568: i1):
      %transpose3A_1569 = tpu.transpose %while3A_1567, [1, 0] : vector<1x256xf32> -> vector<256x1xf32>
      %mul3A_1570 = vector.broadcast %transpose3A_1569 : vector<256x1xf32> to vector<256x256xf32>
      %mul3A_1571 = arith.mulf %mul3A_1225, %mul3A_1570 : vector<256x256xf32>
      %reduce_max3A_1572 = arith.constant dense<0xFF800000> : vector<256xf32>
      %reduce_max3A_1573 = vector.multi_reduction <maximumf>, %mul3A_1571, %reduce_max3A_1572 [0] : vector<256x256xf32> to vector<256xf32>
      %broadcast_in_dim3A_1574 = vector.shape_cast %reduce_max3A_1573 : vector<256xf32> to vector<1x256xf32>
      %min3A_1575 = arith.constant 1.000000e+00 : f32
      %min3A_1576 = vector.broadcast %min3A_1575 : f32 to vector<1x256xf32>
      %min3A_1577 = arith.minimumf %broadcast_in_dim3A_1574, %min3A_1576 : vector<1x256xf32>
      %sub3A_1578 = arith.constant 1.000000e+00 : f32
      %sub3A_1579 = vector.broadcast %sub3A_1578 : f32 to vector<1x256xf32>
      %sub3A_1580 = arith.subf %sub3A_1579, %min3A_1577 : vector<1x256xf32>
      %mul3A_1581 = arith.mulf %slice3A_1226, %sub3A_1580 : vector<1x256xf32>
      %ne3A = arith.cmpf one, %mul3A_1581, %while3A_1567 : vector<1x256xf32>
      %reduce_or3A = arith.constant 1.000000e+00 : f32
      %reduce_or3A_1582 = arith.constant 0.000000e+00 : f32
      %reduce_or3A_1583 = vector.broadcast %reduce_or3A : f32 to vector<1x256xf32>
      %reduce_or3A_1584 = vector.broadcast %reduce_or3A_1582 : f32 to vector<1x256xf32>
      %reduce_or3A_1585 = arith.select %ne3A, %reduce_or3A_1583, %reduce_or3A_1584 : vector<1x256xi1>, vector<1x256xf32>
      %reduce_or3A_1586 = vector.shape_cast %reduce_or3A_1585 : vector<1x256xf32> to vector<1x1x256xf32>
      %reduce_or3A_1587 = arith.constant dense<0xFF800000> : vector<1xf32>
      %reduce_or3A_1588 = vector.multi_reduction <maximumf>, %reduce_or3A_1586, %reduce_or3A_1587 [1, 2] : vector<1x1x256xf32> to vector<1xf32>
      %reduce_or3A_1589 = vector.shape_cast %reduce_or3A_1588 : vector<1xf32> to vector<1x1x1xf32>
      %reduce_or3A_1590 = vector.extract %reduce_or3A_1589[0, 0, 0] : f32 from vector<1x1x1xf32>
      %reduce_or3A_1591 = arith.constant 0.000000e+00 : f32
      %reduce_or3A_1592 = arith.cmpf ogt, %reduce_or3A_1590, %reduce_or3A_1591 : f32
      scf.yield %mul3A_1581, %reduce_or3A_1592 : vector<1x256xf32>, i1
    }
    %iota3A_1229 = tpu.iota {dimensions = array<i32: 0>} : vector<256x5120xi32>
    %convert_element_type3A_1230 = arith.sitofp %iota3A_1229 : vector<256x5120xi32> to vector<256x5120xf32>
    %add3A_1231 = arith.constant 3.840000e+03 : f32
    %add3A_1232 = vector.broadcast %add3A_1231 : f32 to vector<256x5120xf32>
    %add3A_1233 = arith.addf %add3A_1232, %convert_element_type3A_1230 : vector<256x5120xf32>
    %gt3A_1234 = arith.cmpf ogt, %convert_element_type3A, %add3A_1233 : vector<256x5120xf32>
    %convert_element_type3A_1235 = arith.extui %gt3A_1234 : vector<256x5120xi1> to vector<256x5120xi32>
    %convert_element_type3A_1236 = arith.sitofp %convert_element_type3A_1235 : vector<256x5120xi32> to vector<256x5120xf32>
    %mul3A_1237 = arith.mulf %convert_element_type3A_1216, %convert_element_type3A_1236 : vector<256x5120xf32>
    %transpose3A_1238 = tpu.transpose %while3A_1228#0, [1, 0] : vector<1x256xf32> -> vector<256x1xf32>
    %mul3A_1239 = vector.broadcast %transpose3A_1238 : vector<256x1xf32> to vector<256x5120xf32>
    %mul3A_1240 = arith.mulf %mul3A_1237, %mul3A_1239 : vector<256x5120xf32>
    %reduce_max3A_1241 = arith.constant dense<0xFF800000> : vector<5120xf32>
    %reduce_max3A_1242 = vector.multi_reduction <maximumf>, %mul3A_1240, %reduce_max3A_1241 [0] : vector<256x5120xf32> to vector<5120xf32>
    %broadcast_in_dim3A_1243 = vector.shape_cast %reduce_max3A_1242 : vector<5120xf32> to vector<1x5120xf32>
    %min3A_1244 = arith.constant 1.000000e+00 : f32
    %min3A_1245 = vector.broadcast %min3A_1244 : f32 to vector<1x5120xf32>
    %min3A_1246 = arith.minimumf %broadcast_in_dim3A_1243, %min3A_1245 : vector<1x5120xf32>
    %sub3A_1247 = arith.constant 1.000000e+00 : f32
    %sub3A_1248 = vector.broadcast %sub3A_1247 : f32 to vector<1x5120xf32>
    %sub3A_1249 = arith.subf %sub3A_1248, %min3A_1246 : vector<1x5120xf32>
    %mul3A_1250 = arith.mulf %mul3A_1172, %sub3A_1249 : vector<1x5120xf32>
    %slice3A_1251 = vector.extract_strided_slice %get3A_1 {offsets = [0, 4096], sizes = [1, 256], strides = [1, 1]} : vector<1x5120xf32> to vector<1x256xf32>
    %transpose3A_1252 = tpu.transpose %slice3A_1251, [1, 0] : vector<1x256xf32> -> vector<256x1xf32>
    %slice3A_1253 = vector.extract_strided_slice %get3A_4 {offsets = [0, 4096], sizes = [1, 256], strides = [1, 1]} : vector<1x5120xf32> to vector<1x256xf32>
    %transpose3A_1254 = tpu.transpose %slice3A_1253, [1, 0] : vector<1x256xf32> -> vector<256x1xf32>
    %slice3A_1255 = vector.extract_strided_slice %get3A_7 {offsets = [0, 4096], sizes = [1, 256], strides = [1, 1]} : vector<1x5120xf32> to vector<1x256xf32>
    %transpose3A_1256 = tpu.transpose %slice3A_1255, [1, 0] : vector<1x256xf32> -> vector<256x1xf32>
    %slice3A_1257 = vector.extract_strided_slice %get3A_10 {offsets = [0, 4096], sizes = [1, 256], strides = [1, 1]} : vector<1x5120xf32> to vector<1x256xf32>
    %transpose3A_1258 = tpu.transpose %slice3A_1257, [1, 0] : vector<1x256xf32> -> vector<256x1xf32>
    %slice3A_1259 = vector.extract_strided_slice %mul3A {offsets = [0, 4096], sizes = [1, 256], strides = [1, 1]} : vector<1x5120xf32> to vector<1x256xf32>
    %transpose3A_1260 = tpu.transpose %slice3A_1259, [1, 0] : vector<1x256xf32> -> vector<256x1xf32>
    %max3A_1261 = vector.broadcast %transpose3A_1252 : vector<256x1xf32> to vector<256x5120xf32>
    %max3A_1262 = vector.broadcast %get3A_1 : vector<1x5120xf32> to vector<256x5120xf32>
    %max3A_1263 = arith.maximumf %max3A_1261, %max3A_1262 : vector<256x5120xf32>
    %max3A_1264 = vector.broadcast %transpose3A_1254 : vector<256x1xf32> to vector<256x5120xf32>
    %max3A_1265 = vector.broadcast %get3A_4 : vector<1x5120xf32> to vector<256x5120xf32>
    %max3A_1266 = arith.maximumf %max3A_1264, %max3A_1265 : vector<256x5120xf32>
    %min3A_1267 = vector.broadcast %transpose3A_1256 : vector<256x1xf32> to vector<256x5120xf32>
    %min3A_1268 = vector.broadcast %get3A_7 : vector<1x5120xf32> to vector<256x5120xf32>
    %min3A_1269 = arith.minimumf %min3A_1267, %min3A_1268 : vector<256x5120xf32>
    %min3A_1270 = vector.broadcast %transpose3A_1258 : vector<256x1xf32> to vector<256x5120xf32>
    %min3A_1271 = vector.broadcast %get3A_10 : vector<1x5120xf32> to vector<256x5120xf32>
    %min3A_1272 = arith.minimumf %min3A_1270, %min3A_1271 : vector<256x5120xf32>
    %sub3A_1273 = arith.subf %min3A_1269, %max3A_1263 : vector<256x5120xf32>
    %max3A_1274 = arith.constant 0.000000e+00 : f32
    %max3A_1275 = vector.broadcast %max3A_1274 : f32 to vector<256x5120xf32>
    %max3A_1276 = arith.maximumf %sub3A_1273, %max3A_1275 : vector<256x5120xf32>
    %sub3A_1277 = arith.subf %min3A_1272, %max3A_1266 : vector<256x5120xf32>
    %max3A_1278 = arith.constant 0.000000e+00 : f32
    %max3A_1279 = vector.broadcast %max3A_1278 : f32 to vector<256x5120xf32>
    %max3A_1280 = arith.maximumf %sub3A_1277, %max3A_1279 : vector<256x5120xf32>
    %mul3A_1281 = arith.mulf %max3A_1276, %max3A_1280 : vector<256x5120xf32>
    %add3A_1282 = vector.broadcast %transpose3A_1260 : vector<256x1xf32> to vector<256x5120xf32>
    %add3A_1283 = vector.broadcast %mul3A : vector<1x5120xf32> to vector<256x5120xf32>
    %add3A_1284 = arith.addf %add3A_1282, %add3A_1283 : vector<256x5120xf32>
    %sub3A_1285 = arith.subf %add3A_1284, %mul3A_1281 : vector<256x5120xf32>
    %add3A_1286 = arith.constant 9.99999971E-10 : f32
    %add3A_1287 = vector.broadcast %add3A_1286 : f32 to vector<256x5120xf32>
    %add3A_1288 = arith.addf %sub3A_1285, %add3A_1287 : vector<256x5120xf32>
    %div3A_1289 = arith.divf %mul3A_1281, %add3A_1288 : vector<256x5120xf32>
    %gt3A_1290 = arith.constant 0.699999988 : f32
    %gt3A_1291 = vector.broadcast %gt3A_1290 : f32 to vector<256x5120xf32>
    %gt3A_1292 = arith.cmpf ogt, %div3A_1289, %gt3A_1291 : vector<256x5120xf32>
    %convert_element_type3A_1293 = arith.extui %gt3A_1292 : vector<256x5120xi1> to vector<256x5120xi32>
    %convert_element_type3A_1294 = arith.sitofp %convert_element_type3A_1293 : vector<256x5120xi32> to vector<256x5120xf32>
    %slice3A_1295 = vector.extract_strided_slice %convert_element_type3A_1294 {offsets = [0, 4096], sizes = [256, 256], strides = [1, 1]} : vector<256x5120xf32> to vector<256x256xf32>
    %iota3A_1296 = tpu.iota {dimensions = array<i32: 0>} : vector<256x256xi32>
    %convert_element_type3A_1297 = arith.sitofp %iota3A_1296 : vector<256x256xi32> to vector<256x256xf32>
    %iota3A_1298 = tpu.iota {dimensions = array<i32: 1>} : vector<256x256xi32>
    %convert_element_type3A_1299 = arith.sitofp %iota3A_1298 : vector<256x256xi32> to vector<256x256xf32>
    %lt3A_1300 = arith.cmpf olt, %convert_element_type3A_1297, %convert_element_type3A_1299 : vector<256x256xf32>
    %convert_element_type3A_1301 = arith.extui %lt3A_1300 : vector<256x256xi1> to vector<256x256xi32>
    %convert_element_type3A_1302 = arith.sitofp %convert_element_type3A_1301 : vector<256x256xi32> to vector<256x256xf32>
    %mul3A_1303 = arith.mulf %slice3A_1295, %convert_element_type3A_1302 : vector<256x256xf32>
    %slice3A_1304 = vector.extract_strided_slice %mul3A_1250 {offsets = [0, 4096], sizes = [1, 256], strides = [1, 1]} : vector<1x5120xf32> to vector<1x256xf32>
    %while3A_1305 = arith.constant true
    %while3A_1306:2 = scf.while (%while3A_1567 = %slice3A_1304, %while3A_1568 = %while3A_1305) : (vector<1x256xf32>, i1) -> (vector<1x256xf32>, i1) {
      scf.condition(%while3A_1568) %while3A_1567, %while3A_1568 : vector<1x256xf32>, i1
    } do {
    ^bb0(%while3A_1567: vector<1x256xf32>, %while3A_1568: i1):
      %transpose3A_1569 = tpu.transpose %while3A_1567, [1, 0] : vector<1x256xf32> -> vector<256x1xf32>
      %mul3A_1570 = vector.broadcast %transpose3A_1569 : vector<256x1xf32> to vector<256x256xf32>
      %mul3A_1571 = arith.mulf %mul3A_1303, %mul3A_1570 : vector<256x256xf32>
      %reduce_max3A_1572 = arith.constant dense<0xFF800000> : vector<256xf32>
      %reduce_max3A_1573 = vector.multi_reduction <maximumf>, %mul3A_1571, %reduce_max3A_1572 [0] : vector<256x256xf32> to vector<256xf32>
      %broadcast_in_dim3A_1574 = vector.shape_cast %reduce_max3A_1573 : vector<256xf32> to vector<1x256xf32>
      %min3A_1575 = arith.constant 1.000000e+00 : f32
      %min3A_1576 = vector.broadcast %min3A_1575 : f32 to vector<1x256xf32>
      %min3A_1577 = arith.minimumf %broadcast_in_dim3A_1574, %min3A_1576 : vector<1x256xf32>
      %sub3A_1578 = arith.constant 1.000000e+00 : f32
      %sub3A_1579 = vector.broadcast %sub3A_1578 : f32 to vector<1x256xf32>
      %sub3A_1580 = arith.subf %sub3A_1579, %min3A_1577 : vector<1x256xf32>
      %mul3A_1581 = arith.mulf %slice3A_1304, %sub3A_1580 : vector<1x256xf32>
      %ne3A = arith.cmpf one, %mul3A_1581, %while3A_1567 : vector<1x256xf32>
      %reduce_or3A = arith.constant 1.000000e+00 : f32
      %reduce_or3A_1582 = arith.constant 0.000000e+00 : f32
      %reduce_or3A_1583 = vector.broadcast %reduce_or3A : f32 to vector<1x256xf32>
      %reduce_or3A_1584 = vector.broadcast %reduce_or3A_1582 : f32 to vector<1x256xf32>
      %reduce_or3A_1585 = arith.select %ne3A, %reduce_or3A_1583, %reduce_or3A_1584 : vector<1x256xi1>, vector<1x256xf32>
      %reduce_or3A_1586 = vector.shape_cast %reduce_or3A_1585 : vector<1x256xf32> to vector<1x1x256xf32>
      %reduce_or3A_1587 = arith.constant dense<0xFF800000> : vector<1xf32>
      %reduce_or3A_1588 = vector.multi_reduction <maximumf>, %reduce_or3A_1586, %reduce_or3A_1587 [1, 2] : vector<1x1x256xf32> to vector<1xf32>
      %reduce_or3A_1589 = vector.shape_cast %reduce_or3A_1588 : vector<1xf32> to vector<1x1x1xf32>
      %reduce_or3A_1590 = vector.extract %reduce_or3A_1589[0, 0, 0] : f32 from vector<1x1x1xf32>
      %reduce_or3A_1591 = arith.constant 0.000000e+00 : f32
      %reduce_or3A_1592 = arith.cmpf ogt, %reduce_or3A_1590, %reduce_or3A_1591 : f32
      scf.yield %mul3A_1581, %reduce_or3A_1592 : vector<1x256xf32>, i1
    }
    %iota3A_1307 = tpu.iota {dimensions = array<i32: 0>} : vector<256x5120xi32>
    %convert_element_type3A_1308 = arith.sitofp %iota3A_1307 : vector<256x5120xi32> to vector<256x5120xf32>
    %add3A_1309 = arith.constant 4.096000e+03 : f32
    %add3A_1310 = vector.broadcast %add3A_1309 : f32 to vector<256x5120xf32>
    %add3A_1311 = arith.addf %add3A_1310, %convert_element_type3A_1308 : vector<256x5120xf32>
    %gt3A_1312 = arith.cmpf ogt, %convert_element_type3A, %add3A_1311 : vector<256x5120xf32>
    %convert_element_type3A_1313 = arith.extui %gt3A_1312 : vector<256x5120xi1> to vector<256x5120xi32>
    %convert_element_type3A_1314 = arith.sitofp %convert_element_type3A_1313 : vector<256x5120xi32> to vector<256x5120xf32>
    %mul3A_1315 = arith.mulf %convert_element_type3A_1294, %convert_element_type3A_1314 : vector<256x5120xf32>
    %transpose3A_1316 = tpu.transpose %while3A_1306#0, [1, 0] : vector<1x256xf32> -> vector<256x1xf32>
    %mul3A_1317 = vector.broadcast %transpose3A_1316 : vector<256x1xf32> to vector<256x5120xf32>
    %mul3A_1318 = arith.mulf %mul3A_1315, %mul3A_1317 : vector<256x5120xf32>
    %reduce_max3A_1319 = arith.constant dense<0xFF800000> : vector<5120xf32>
    %reduce_max3A_1320 = vector.multi_reduction <maximumf>, %mul3A_1318, %reduce_max3A_1319 [0] : vector<256x5120xf32> to vector<5120xf32>
    %broadcast_in_dim3A_1321 = vector.shape_cast %reduce_max3A_1320 : vector<5120xf32> to vector<1x5120xf32>
    %min3A_1322 = arith.constant 1.000000e+00 : f32
    %min3A_1323 = vector.broadcast %min3A_1322 : f32 to vector<1x5120xf32>
    %min3A_1324 = arith.minimumf %broadcast_in_dim3A_1321, %min3A_1323 : vector<1x5120xf32>
    %sub3A_1325 = arith.constant 1.000000e+00 : f32
    %sub3A_1326 = vector.broadcast %sub3A_1325 : f32 to vector<1x5120xf32>
    %sub3A_1327 = arith.subf %sub3A_1326, %min3A_1324 : vector<1x5120xf32>
    %mul3A_1328 = arith.mulf %mul3A_1250, %sub3A_1327 : vector<1x5120xf32>
    %slice3A_1329 = vector.extract_strided_slice %get3A_1 {offsets = [0, 4352], sizes = [1, 256], strides = [1, 1]} : vector<1x5120xf32> to vector<1x256xf32>
    %transpose3A_1330 = tpu.transpose %slice3A_1329, [1, 0] : vector<1x256xf32> -> vector<256x1xf32>
    %slice3A_1331 = vector.extract_strided_slice %get3A_4 {offsets = [0, 4352], sizes = [1, 256], strides = [1, 1]} : vector<1x5120xf32> to vector<1x256xf32>
    %transpose3A_1332 = tpu.transpose %slice3A_1331, [1, 0] : vector<1x256xf32> -> vector<256x1xf32>
    %slice3A_1333 = vector.extract_strided_slice %get3A_7 {offsets = [0, 4352], sizes = [1, 256], strides = [1, 1]} : vector<1x5120xf32> to vector<1x256xf32>
    %transpose3A_1334 = tpu.transpose %slice3A_1333, [1, 0] : vector<1x256xf32> -> vector<256x1xf32>
    %slice3A_1335 = vector.extract_strided_slice %get3A_10 {offsets = [0, 4352], sizes = [1, 256], strides = [1, 1]} : vector<1x5120xf32> to vector<1x256xf32>
    %transpose3A_1336 = tpu.transpose %slice3A_1335, [1, 0] : vector<1x256xf32> -> vector<256x1xf32>
    %slice3A_1337 = vector.extract_strided_slice %mul3A {offsets = [0, 4352], sizes = [1, 256], strides = [1, 1]} : vector<1x5120xf32> to vector<1x256xf32>
    %transpose3A_1338 = tpu.transpose %slice3A_1337, [1, 0] : vector<1x256xf32> -> vector<256x1xf32>
    %max3A_1339 = vector.broadcast %transpose3A_1330 : vector<256x1xf32> to vector<256x5120xf32>
    %max3A_1340 = vector.broadcast %get3A_1 : vector<1x5120xf32> to vector<256x5120xf32>
    %max3A_1341 = arith.maximumf %max3A_1339, %max3A_1340 : vector<256x5120xf32>
    %max3A_1342 = vector.broadcast %transpose3A_1332 : vector<256x1xf32> to vector<256x5120xf32>
    %max3A_1343 = vector.broadcast %get3A_4 : vector<1x5120xf32> to vector<256x5120xf32>
    %max3A_1344 = arith.maximumf %max3A_1342, %max3A_1343 : vector<256x5120xf32>
    %min3A_1345 = vector.broadcast %transpose3A_1334 : vector<256x1xf32> to vector<256x5120xf32>
    %min3A_1346 = vector.broadcast %get3A_7 : vector<1x5120xf32> to vector<256x5120xf32>
    %min3A_1347 = arith.minimumf %min3A_1345, %min3A_1346 : vector<256x5120xf32>
    %min3A_1348 = vector.broadcast %transpose3A_1336 : vector<256x1xf32> to vector<256x5120xf32>
    %min3A_1349 = vector.broadcast %get3A_10 : vector<1x5120xf32> to vector<256x5120xf32>
    %min3A_1350 = arith.minimumf %min3A_1348, %min3A_1349 : vector<256x5120xf32>
    %sub3A_1351 = arith.subf %min3A_1347, %max3A_1341 : vector<256x5120xf32>
    %max3A_1352 = arith.constant 0.000000e+00 : f32
    %max3A_1353 = vector.broadcast %max3A_1352 : f32 to vector<256x5120xf32>
    %max3A_1354 = arith.maximumf %sub3A_1351, %max3A_1353 : vector<256x5120xf32>
    %sub3A_1355 = arith.subf %min3A_1350, %max3A_1344 : vector<256x5120xf32>
    %max3A_1356 = arith.constant 0.000000e+00 : f32
    %max3A_1357 = vector.broadcast %max3A_1356 : f32 to vector<256x5120xf32>
    %max3A_1358 = arith.maximumf %sub3A_1355, %max3A_1357 : vector<256x5120xf32>
    %mul3A_1359 = arith.mulf %max3A_1354, %max3A_1358 : vector<256x5120xf32>
    %add3A_1360 = vector.broadcast %transpose3A_1338 : vector<256x1xf32> to vector<256x5120xf32>
    %add3A_1361 = vector.broadcast %mul3A : vector<1x5120xf32> to vector<256x5120xf32>
    %add3A_1362 = arith.addf %add3A_1360, %add3A_1361 : vector<256x5120xf32>
    %sub3A_1363 = arith.subf %add3A_1362, %mul3A_1359 : vector<256x5120xf32>
    %add3A_1364 = arith.constant 9.99999971E-10 : f32
    %add3A_1365 = vector.broadcast %add3A_1364 : f32 to vector<256x5120xf32>
    %add3A_1366 = arith.addf %sub3A_1363, %add3A_1365 : vector<256x5120xf32>
    %div3A_1367 = arith.divf %mul3A_1359, %add3A_1366 : vector<256x5120xf32>
    %gt3A_1368 = arith.constant 0.699999988 : f32
    %gt3A_1369 = vector.broadcast %gt3A_1368 : f32 to vector<256x5120xf32>
    %gt3A_1370 = arith.cmpf ogt, %div3A_1367, %gt3A_1369 : vector<256x5120xf32>
    %convert_element_type3A_1371 = arith.extui %gt3A_1370 : vector<256x5120xi1> to vector<256x5120xi32>
    %convert_element_type3A_1372 = arith.sitofp %convert_element_type3A_1371 : vector<256x5120xi32> to vector<256x5120xf32>
    %slice3A_1373 = vector.extract_strided_slice %convert_element_type3A_1372 {offsets = [0, 4352], sizes = [256, 256], strides = [1, 1]} : vector<256x5120xf32> to vector<256x256xf32>
    %iota3A_1374 = tpu.iota {dimensions = array<i32: 0>} : vector<256x256xi32>
    %convert_element_type3A_1375 = arith.sitofp %iota3A_1374 : vector<256x256xi32> to vector<256x256xf32>
    %iota3A_1376 = tpu.iota {dimensions = array<i32: 1>} : vector<256x256xi32>
    %convert_element_type3A_1377 = arith.sitofp %iota3A_1376 : vector<256x256xi32> to vector<256x256xf32>
    %lt3A_1378 = arith.cmpf olt, %convert_element_type3A_1375, %convert_element_type3A_1377 : vector<256x256xf32>
    %convert_element_type3A_1379 = arith.extui %lt3A_1378 : vector<256x256xi1> to vector<256x256xi32>
    %convert_element_type3A_1380 = arith.sitofp %convert_element_type3A_1379 : vector<256x256xi32> to vector<256x256xf32>
    %mul3A_1381 = arith.mulf %slice3A_1373, %convert_element_type3A_1380 : vector<256x256xf32>
    %slice3A_1382 = vector.extract_strided_slice %mul3A_1328 {offsets = [0, 4352], sizes = [1, 256], strides = [1, 1]} : vector<1x5120xf32> to vector<1x256xf32>
    %while3A_1383 = arith.constant true
    %while3A_1384:2 = scf.while (%while3A_1567 = %slice3A_1382, %while3A_1568 = %while3A_1383) : (vector<1x256xf32>, i1) -> (vector<1x256xf32>, i1) {
      scf.condition(%while3A_1568) %while3A_1567, %while3A_1568 : vector<1x256xf32>, i1
    } do {
    ^bb0(%while3A_1567: vector<1x256xf32>, %while3A_1568: i1):
      %transpose3A_1569 = tpu.transpose %while3A_1567, [1, 0] : vector<1x256xf32> -> vector<256x1xf32>
      %mul3A_1570 = vector.broadcast %transpose3A_1569 : vector<256x1xf32> to vector<256x256xf32>
      %mul3A_1571 = arith.mulf %mul3A_1381, %mul3A_1570 : vector<256x256xf32>
      %reduce_max3A_1572 = arith.constant dense<0xFF800000> : vector<256xf32>
      %reduce_max3A_1573 = vector.multi_reduction <maximumf>, %mul3A_1571, %reduce_max3A_1572 [0] : vector<256x256xf32> to vector<256xf32>
      %broadcast_in_dim3A_1574 = vector.shape_cast %reduce_max3A_1573 : vector<256xf32> to vector<1x256xf32>
      %min3A_1575 = arith.constant 1.000000e+00 : f32
      %min3A_1576 = vector.broadcast %min3A_1575 : f32 to vector<1x256xf32>
      %min3A_1577 = arith.minimumf %broadcast_in_dim3A_1574, %min3A_1576 : vector<1x256xf32>
      %sub3A_1578 = arith.constant 1.000000e+00 : f32
      %sub3A_1579 = vector.broadcast %sub3A_1578 : f32 to vector<1x256xf32>
      %sub3A_1580 = arith.subf %sub3A_1579, %min3A_1577 : vector<1x256xf32>
      %mul3A_1581 = arith.mulf %slice3A_1382, %sub3A_1580 : vector<1x256xf32>
      %ne3A = arith.cmpf one, %mul3A_1581, %while3A_1567 : vector<1x256xf32>
      %reduce_or3A = arith.constant 1.000000e+00 : f32
      %reduce_or3A_1582 = arith.constant 0.000000e+00 : f32
      %reduce_or3A_1583 = vector.broadcast %reduce_or3A : f32 to vector<1x256xf32>
      %reduce_or3A_1584 = vector.broadcast %reduce_or3A_1582 : f32 to vector<1x256xf32>
      %reduce_or3A_1585 = arith.select %ne3A, %reduce_or3A_1583, %reduce_or3A_1584 : vector<1x256xi1>, vector<1x256xf32>
      %reduce_or3A_1586 = vector.shape_cast %reduce_or3A_1585 : vector<1x256xf32> to vector<1x1x256xf32>
      %reduce_or3A_1587 = arith.constant dense<0xFF800000> : vector<1xf32>
      %reduce_or3A_1588 = vector.multi_reduction <maximumf>, %reduce_or3A_1586, %reduce_or3A_1587 [1, 2] : vector<1x1x256xf32> to vector<1xf32>
      %reduce_or3A_1589 = vector.shape_cast %reduce_or3A_1588 : vector<1xf32> to vector<1x1x1xf32>
      %reduce_or3A_1590 = vector.extract %reduce_or3A_1589[0, 0, 0] : f32 from vector<1x1x1xf32>
      %reduce_or3A_1591 = arith.constant 0.000000e+00 : f32
      %reduce_or3A_1592 = arith.cmpf ogt, %reduce_or3A_1590, %reduce_or3A_1591 : f32
      scf.yield %mul3A_1581, %reduce_or3A_1592 : vector<1x256xf32>, i1
    }
    %iota3A_1385 = tpu.iota {dimensions = array<i32: 0>} : vector<256x5120xi32>
    %convert_element_type3A_1386 = arith.sitofp %iota3A_1385 : vector<256x5120xi32> to vector<256x5120xf32>
    %add3A_1387 = arith.constant 4.352000e+03 : f32
    %add3A_1388 = vector.broadcast %add3A_1387 : f32 to vector<256x5120xf32>
    %add3A_1389 = arith.addf %add3A_1388, %convert_element_type3A_1386 : vector<256x5120xf32>
    %gt3A_1390 = arith.cmpf ogt, %convert_element_type3A, %add3A_1389 : vector<256x5120xf32>
    %convert_element_type3A_1391 = arith.extui %gt3A_1390 : vector<256x5120xi1> to vector<256x5120xi32>
    %convert_element_type3A_1392 = arith.sitofp %convert_element_type3A_1391 : vector<256x5120xi32> to vector<256x5120xf32>
    %mul3A_1393 = arith.mulf %convert_element_type3A_1372, %convert_element_type3A_1392 : vector<256x5120xf32>
    %transpose3A_1394 = tpu.transpose %while3A_1384#0, [1, 0] : vector<1x256xf32> -> vector<256x1xf32>
    %mul3A_1395 = vector.broadcast %transpose3A_1394 : vector<256x1xf32> to vector<256x5120xf32>
    %mul3A_1396 = arith.mulf %mul3A_1393, %mul3A_1395 : vector<256x5120xf32>
    %reduce_max3A_1397 = arith.constant dense<0xFF800000> : vector<5120xf32>
    %reduce_max3A_1398 = vector.multi_reduction <maximumf>, %mul3A_1396, %reduce_max3A_1397 [0] : vector<256x5120xf32> to vector<5120xf32>
    %broadcast_in_dim3A_1399 = vector.shape_cast %reduce_max3A_1398 : vector<5120xf32> to vector<1x5120xf32>
    %min3A_1400 = arith.constant 1.000000e+00 : f32
    %min3A_1401 = vector.broadcast %min3A_1400 : f32 to vector<1x5120xf32>
    %min3A_1402 = arith.minimumf %broadcast_in_dim3A_1399, %min3A_1401 : vector<1x5120xf32>
    %sub3A_1403 = arith.constant 1.000000e+00 : f32
    %sub3A_1404 = vector.broadcast %sub3A_1403 : f32 to vector<1x5120xf32>
    %sub3A_1405 = arith.subf %sub3A_1404, %min3A_1402 : vector<1x5120xf32>
    %mul3A_1406 = arith.mulf %mul3A_1328, %sub3A_1405 : vector<1x5120xf32>
    %slice3A_1407 = vector.extract_strided_slice %get3A_1 {offsets = [0, 4608], sizes = [1, 256], strides = [1, 1]} : vector<1x5120xf32> to vector<1x256xf32>
    %transpose3A_1408 = tpu.transpose %slice3A_1407, [1, 0] : vector<1x256xf32> -> vector<256x1xf32>
    %slice3A_1409 = vector.extract_strided_slice %get3A_4 {offsets = [0, 4608], sizes = [1, 256], strides = [1, 1]} : vector<1x5120xf32> to vector<1x256xf32>
    %transpose3A_1410 = tpu.transpose %slice3A_1409, [1, 0] : vector<1x256xf32> -> vector<256x1xf32>
    %slice3A_1411 = vector.extract_strided_slice %get3A_7 {offsets = [0, 4608], sizes = [1, 256], strides = [1, 1]} : vector<1x5120xf32> to vector<1x256xf32>
    %transpose3A_1412 = tpu.transpose %slice3A_1411, [1, 0] : vector<1x256xf32> -> vector<256x1xf32>
    %slice3A_1413 = vector.extract_strided_slice %get3A_10 {offsets = [0, 4608], sizes = [1, 256], strides = [1, 1]} : vector<1x5120xf32> to vector<1x256xf32>
    %transpose3A_1414 = tpu.transpose %slice3A_1413, [1, 0] : vector<1x256xf32> -> vector<256x1xf32>
    %slice3A_1415 = vector.extract_strided_slice %mul3A {offsets = [0, 4608], sizes = [1, 256], strides = [1, 1]} : vector<1x5120xf32> to vector<1x256xf32>
    %transpose3A_1416 = tpu.transpose %slice3A_1415, [1, 0] : vector<1x256xf32> -> vector<256x1xf32>
    %max3A_1417 = vector.broadcast %transpose3A_1408 : vector<256x1xf32> to vector<256x5120xf32>
    %max3A_1418 = vector.broadcast %get3A_1 : vector<1x5120xf32> to vector<256x5120xf32>
    %max3A_1419 = arith.maximumf %max3A_1417, %max3A_1418 : vector<256x5120xf32>
    %max3A_1420 = vector.broadcast %transpose3A_1410 : vector<256x1xf32> to vector<256x5120xf32>
    %max3A_1421 = vector.broadcast %get3A_4 : vector<1x5120xf32> to vector<256x5120xf32>
    %max3A_1422 = arith.maximumf %max3A_1420, %max3A_1421 : vector<256x5120xf32>
    %min3A_1423 = vector.broadcast %transpose3A_1412 : vector<256x1xf32> to vector<256x5120xf32>
    %min3A_1424 = vector.broadcast %get3A_7 : vector<1x5120xf32> to vector<256x5120xf32>
    %min3A_1425 = arith.minimumf %min3A_1423, %min3A_1424 : vector<256x5120xf32>
    %min3A_1426 = vector.broadcast %transpose3A_1414 : vector<256x1xf32> to vector<256x5120xf32>
    %min3A_1427 = vector.broadcast %get3A_10 : vector<1x5120xf32> to vector<256x5120xf32>
    %min3A_1428 = arith.minimumf %min3A_1426, %min3A_1427 : vector<256x5120xf32>
    %sub3A_1429 = arith.subf %min3A_1425, %max3A_1419 : vector<256x5120xf32>
    %max3A_1430 = arith.constant 0.000000e+00 : f32
    %max3A_1431 = vector.broadcast %max3A_1430 : f32 to vector<256x5120xf32>
    %max3A_1432 = arith.maximumf %sub3A_1429, %max3A_1431 : vector<256x5120xf32>
    %sub3A_1433 = arith.subf %min3A_1428, %max3A_1422 : vector<256x5120xf32>
    %max3A_1434 = arith.constant 0.000000e+00 : f32
    %max3A_1435 = vector.broadcast %max3A_1434 : f32 to vector<256x5120xf32>
    %max3A_1436 = arith.maximumf %sub3A_1433, %max3A_1435 : vector<256x5120xf32>
    %mul3A_1437 = arith.mulf %max3A_1432, %max3A_1436 : vector<256x5120xf32>
    %add3A_1438 = vector.broadcast %transpose3A_1416 : vector<256x1xf32> to vector<256x5120xf32>
    %add3A_1439 = vector.broadcast %mul3A : vector<1x5120xf32> to vector<256x5120xf32>
    %add3A_1440 = arith.addf %add3A_1438, %add3A_1439 : vector<256x5120xf32>
    %sub3A_1441 = arith.subf %add3A_1440, %mul3A_1437 : vector<256x5120xf32>
    %add3A_1442 = arith.constant 9.99999971E-10 : f32
    %add3A_1443 = vector.broadcast %add3A_1442 : f32 to vector<256x5120xf32>
    %add3A_1444 = arith.addf %sub3A_1441, %add3A_1443 : vector<256x5120xf32>
    %div3A_1445 = arith.divf %mul3A_1437, %add3A_1444 : vector<256x5120xf32>
    %gt3A_1446 = arith.constant 0.699999988 : f32
    %gt3A_1447 = vector.broadcast %gt3A_1446 : f32 to vector<256x5120xf32>
    %gt3A_1448 = arith.cmpf ogt, %div3A_1445, %gt3A_1447 : vector<256x5120xf32>
    %convert_element_type3A_1449 = arith.extui %gt3A_1448 : vector<256x5120xi1> to vector<256x5120xi32>
    %convert_element_type3A_1450 = arith.sitofp %convert_element_type3A_1449 : vector<256x5120xi32> to vector<256x5120xf32>
    %slice3A_1451 = vector.extract_strided_slice %convert_element_type3A_1450 {offsets = [0, 4608], sizes = [256, 256], strides = [1, 1]} : vector<256x5120xf32> to vector<256x256xf32>
    %iota3A_1452 = tpu.iota {dimensions = array<i32: 0>} : vector<256x256xi32>
    %convert_element_type3A_1453 = arith.sitofp %iota3A_1452 : vector<256x256xi32> to vector<256x256xf32>
    %iota3A_1454 = tpu.iota {dimensions = array<i32: 1>} : vector<256x256xi32>
    %convert_element_type3A_1455 = arith.sitofp %iota3A_1454 : vector<256x256xi32> to vector<256x256xf32>
    %lt3A_1456 = arith.cmpf olt, %convert_element_type3A_1453, %convert_element_type3A_1455 : vector<256x256xf32>
    %convert_element_type3A_1457 = arith.extui %lt3A_1456 : vector<256x256xi1> to vector<256x256xi32>
    %convert_element_type3A_1458 = arith.sitofp %convert_element_type3A_1457 : vector<256x256xi32> to vector<256x256xf32>
    %mul3A_1459 = arith.mulf %slice3A_1451, %convert_element_type3A_1458 : vector<256x256xf32>
    %slice3A_1460 = vector.extract_strided_slice %mul3A_1406 {offsets = [0, 4608], sizes = [1, 256], strides = [1, 1]} : vector<1x5120xf32> to vector<1x256xf32>
    %while3A_1461 = arith.constant true
    %while3A_1462:2 = scf.while (%while3A_1567 = %slice3A_1460, %while3A_1568 = %while3A_1461) : (vector<1x256xf32>, i1) -> (vector<1x256xf32>, i1) {
      scf.condition(%while3A_1568) %while3A_1567, %while3A_1568 : vector<1x256xf32>, i1
    } do {
    ^bb0(%while3A_1567: vector<1x256xf32>, %while3A_1568: i1):
      %transpose3A_1569 = tpu.transpose %while3A_1567, [1, 0] : vector<1x256xf32> -> vector<256x1xf32>
      %mul3A_1570 = vector.broadcast %transpose3A_1569 : vector<256x1xf32> to vector<256x256xf32>
      %mul3A_1571 = arith.mulf %mul3A_1459, %mul3A_1570 : vector<256x256xf32>
      %reduce_max3A_1572 = arith.constant dense<0xFF800000> : vector<256xf32>
      %reduce_max3A_1573 = vector.multi_reduction <maximumf>, %mul3A_1571, %reduce_max3A_1572 [0] : vector<256x256xf32> to vector<256xf32>
      %broadcast_in_dim3A_1574 = vector.shape_cast %reduce_max3A_1573 : vector<256xf32> to vector<1x256xf32>
      %min3A_1575 = arith.constant 1.000000e+00 : f32
      %min3A_1576 = vector.broadcast %min3A_1575 : f32 to vector<1x256xf32>
      %min3A_1577 = arith.minimumf %broadcast_in_dim3A_1574, %min3A_1576 : vector<1x256xf32>
      %sub3A_1578 = arith.constant 1.000000e+00 : f32
      %sub3A_1579 = vector.broadcast %sub3A_1578 : f32 to vector<1x256xf32>
      %sub3A_1580 = arith.subf %sub3A_1579, %min3A_1577 : vector<1x256xf32>
      %mul3A_1581 = arith.mulf %slice3A_1460, %sub3A_1580 : vector<1x256xf32>
      %ne3A = arith.cmpf one, %mul3A_1581, %while3A_1567 : vector<1x256xf32>
      %reduce_or3A = arith.constant 1.000000e+00 : f32
      %reduce_or3A_1582 = arith.constant 0.000000e+00 : f32
      %reduce_or3A_1583 = vector.broadcast %reduce_or3A : f32 to vector<1x256xf32>
      %reduce_or3A_1584 = vector.broadcast %reduce_or3A_1582 : f32 to vector<1x256xf32>
      %reduce_or3A_1585 = arith.select %ne3A, %reduce_or3A_1583, %reduce_or3A_1584 : vector<1x256xi1>, vector<1x256xf32>
      %reduce_or3A_1586 = vector.shape_cast %reduce_or3A_1585 : vector<1x256xf32> to vector<1x1x256xf32>
      %reduce_or3A_1587 = arith.constant dense<0xFF800000> : vector<1xf32>
      %reduce_or3A_1588 = vector.multi_reduction <maximumf>, %reduce_or3A_1586, %reduce_or3A_1587 [1, 2] : vector<1x1x256xf32> to vector<1xf32>
      %reduce_or3A_1589 = vector.shape_cast %reduce_or3A_1588 : vector<1xf32> to vector<1x1x1xf32>
      %reduce_or3A_1590 = vector.extract %reduce_or3A_1589[0, 0, 0] : f32 from vector<1x1x1xf32>
      %reduce_or3A_1591 = arith.constant 0.000000e+00 : f32
      %reduce_or3A_1592 = arith.cmpf ogt, %reduce_or3A_1590, %reduce_or3A_1591 : f32
      scf.yield %mul3A_1581, %reduce_or3A_1592 : vector<1x256xf32>, i1
    }
    %iota3A_1463 = tpu.iota {dimensions = array<i32: 0>} : vector<256x5120xi32>
    %convert_element_type3A_1464 = arith.sitofp %iota3A_1463 : vector<256x5120xi32> to vector<256x5120xf32>
    %add3A_1465 = arith.constant 4.608000e+03 : f32
    %add3A_1466 = vector.broadcast %add3A_1465 : f32 to vector<256x5120xf32>
    %add3A_1467 = arith.addf %add3A_1466, %convert_element_type3A_1464 : vector<256x5120xf32>
    %gt3A_1468 = arith.cmpf ogt, %convert_element_type3A, %add3A_1467 : vector<256x5120xf32>
    %convert_element_type3A_1469 = arith.extui %gt3A_1468 : vector<256x5120xi1> to vector<256x5120xi32>
    %convert_element_type3A_1470 = arith.sitofp %convert_element_type3A_1469 : vector<256x5120xi32> to vector<256x5120xf32>
    %mul3A_1471 = arith.mulf %convert_element_type3A_1450, %convert_element_type3A_1470 : vector<256x5120xf32>
    %transpose3A_1472 = tpu.transpose %while3A_1462#0, [1, 0] : vector<1x256xf32> -> vector<256x1xf32>
    %mul3A_1473 = vector.broadcast %transpose3A_1472 : vector<256x1xf32> to vector<256x5120xf32>
    %mul3A_1474 = arith.mulf %mul3A_1471, %mul3A_1473 : vector<256x5120xf32>
    %reduce_max3A_1475 = arith.constant dense<0xFF800000> : vector<5120xf32>
    %reduce_max3A_1476 = vector.multi_reduction <maximumf>, %mul3A_1474, %reduce_max3A_1475 [0] : vector<256x5120xf32> to vector<5120xf32>
    %broadcast_in_dim3A_1477 = vector.shape_cast %reduce_max3A_1476 : vector<5120xf32> to vector<1x5120xf32>
    %min3A_1478 = arith.constant 1.000000e+00 : f32
    %min3A_1479 = vector.broadcast %min3A_1478 : f32 to vector<1x5120xf32>
    %min3A_1480 = arith.minimumf %broadcast_in_dim3A_1477, %min3A_1479 : vector<1x5120xf32>
    %sub3A_1481 = arith.constant 1.000000e+00 : f32
    %sub3A_1482 = vector.broadcast %sub3A_1481 : f32 to vector<1x5120xf32>
    %sub3A_1483 = arith.subf %sub3A_1482, %min3A_1480 : vector<1x5120xf32>
    %mul3A_1484 = arith.mulf %mul3A_1406, %sub3A_1483 : vector<1x5120xf32>
    %slice3A_1485 = vector.extract_strided_slice %get3A_1 {offsets = [0, 4864], sizes = [1, 256], strides = [1, 1]} : vector<1x5120xf32> to vector<1x256xf32>
    %transpose3A_1486 = tpu.transpose %slice3A_1485, [1, 0] : vector<1x256xf32> -> vector<256x1xf32>
    %slice3A_1487 = vector.extract_strided_slice %get3A_4 {offsets = [0, 4864], sizes = [1, 256], strides = [1, 1]} : vector<1x5120xf32> to vector<1x256xf32>
    %transpose3A_1488 = tpu.transpose %slice3A_1487, [1, 0] : vector<1x256xf32> -> vector<256x1xf32>
    %slice3A_1489 = vector.extract_strided_slice %get3A_7 {offsets = [0, 4864], sizes = [1, 256], strides = [1, 1]} : vector<1x5120xf32> to vector<1x256xf32>
    %transpose3A_1490 = tpu.transpose %slice3A_1489, [1, 0] : vector<1x256xf32> -> vector<256x1xf32>
    %slice3A_1491 = vector.extract_strided_slice %get3A_10 {offsets = [0, 4864], sizes = [1, 256], strides = [1, 1]} : vector<1x5120xf32> to vector<1x256xf32>
    %transpose3A_1492 = tpu.transpose %slice3A_1491, [1, 0] : vector<1x256xf32> -> vector<256x1xf32>
    %slice3A_1493 = vector.extract_strided_slice %mul3A {offsets = [0, 4864], sizes = [1, 256], strides = [1, 1]} : vector<1x5120xf32> to vector<1x256xf32>
    %transpose3A_1494 = tpu.transpose %slice3A_1493, [1, 0] : vector<1x256xf32> -> vector<256x1xf32>
    %max3A_1495 = vector.broadcast %transpose3A_1486 : vector<256x1xf32> to vector<256x5120xf32>
    %max3A_1496 = vector.broadcast %get3A_1 : vector<1x5120xf32> to vector<256x5120xf32>
    %max3A_1497 = arith.maximumf %max3A_1495, %max3A_1496 : vector<256x5120xf32>
    %max3A_1498 = vector.broadcast %transpose3A_1488 : vector<256x1xf32> to vector<256x5120xf32>
    %max3A_1499 = vector.broadcast %get3A_4 : vector<1x5120xf32> to vector<256x5120xf32>
    %max3A_1500 = arith.maximumf %max3A_1498, %max3A_1499 : vector<256x5120xf32>
    %min3A_1501 = vector.broadcast %transpose3A_1490 : vector<256x1xf32> to vector<256x5120xf32>
    %min3A_1502 = vector.broadcast %get3A_7 : vector<1x5120xf32> to vector<256x5120xf32>
    %min3A_1503 = arith.minimumf %min3A_1501, %min3A_1502 : vector<256x5120xf32>
    %min3A_1504 = vector.broadcast %transpose3A_1492 : vector<256x1xf32> to vector<256x5120xf32>
    %min3A_1505 = vector.broadcast %get3A_10 : vector<1x5120xf32> to vector<256x5120xf32>
    %min3A_1506 = arith.minimumf %min3A_1504, %min3A_1505 : vector<256x5120xf32>
    %sub3A_1507 = arith.subf %min3A_1503, %max3A_1497 : vector<256x5120xf32>
    %max3A_1508 = arith.constant 0.000000e+00 : f32
    %max3A_1509 = vector.broadcast %max3A_1508 : f32 to vector<256x5120xf32>
    %max3A_1510 = arith.maximumf %sub3A_1507, %max3A_1509 : vector<256x5120xf32>
    %sub3A_1511 = arith.subf %min3A_1506, %max3A_1500 : vector<256x5120xf32>
    %max3A_1512 = arith.constant 0.000000e+00 : f32
    %max3A_1513 = vector.broadcast %max3A_1512 : f32 to vector<256x5120xf32>
    %max3A_1514 = arith.maximumf %sub3A_1511, %max3A_1513 : vector<256x5120xf32>
    %mul3A_1515 = arith.mulf %max3A_1510, %max3A_1514 : vector<256x5120xf32>
    %add3A_1516 = vector.broadcast %transpose3A_1494 : vector<256x1xf32> to vector<256x5120xf32>
    %add3A_1517 = vector.broadcast %mul3A : vector<1x5120xf32> to vector<256x5120xf32>
    %add3A_1518 = arith.addf %add3A_1516, %add3A_1517 : vector<256x5120xf32>
    %sub3A_1519 = arith.subf %add3A_1518, %mul3A_1515 : vector<256x5120xf32>
    %add3A_1520 = arith.constant 9.99999971E-10 : f32
    %add3A_1521 = vector.broadcast %add3A_1520 : f32 to vector<256x5120xf32>
    %add3A_1522 = arith.addf %sub3A_1519, %add3A_1521 : vector<256x5120xf32>
    %div3A_1523 = arith.divf %mul3A_1515, %add3A_1522 : vector<256x5120xf32>
    %gt3A_1524 = arith.constant 0.699999988 : f32
    %gt3A_1525 = vector.broadcast %gt3A_1524 : f32 to vector<256x5120xf32>
    %gt3A_1526 = arith.cmpf ogt, %div3A_1523, %gt3A_1525 : vector<256x5120xf32>
    %convert_element_type3A_1527 = arith.extui %gt3A_1526 : vector<256x5120xi1> to vector<256x5120xi32>
    %convert_element_type3A_1528 = arith.sitofp %convert_element_type3A_1527 : vector<256x5120xi32> to vector<256x5120xf32>
    %slice3A_1529 = vector.extract_strided_slice %convert_element_type3A_1528 {offsets = [0, 4864], sizes = [256, 256], strides = [1, 1]} : vector<256x5120xf32> to vector<256x256xf32>
    %iota3A_1530 = tpu.iota {dimensions = array<i32: 0>} : vector<256x256xi32>
    %convert_element_type3A_1531 = arith.sitofp %iota3A_1530 : vector<256x256xi32> to vector<256x256xf32>
    %iota3A_1532 = tpu.iota {dimensions = array<i32: 1>} : vector<256x256xi32>
    %convert_element_type3A_1533 = arith.sitofp %iota3A_1532 : vector<256x256xi32> to vector<256x256xf32>
    %lt3A_1534 = arith.cmpf olt, %convert_element_type3A_1531, %convert_element_type3A_1533 : vector<256x256xf32>
    %convert_element_type3A_1535 = arith.extui %lt3A_1534 : vector<256x256xi1> to vector<256x256xi32>
    %convert_element_type3A_1536 = arith.sitofp %convert_element_type3A_1535 : vector<256x256xi32> to vector<256x256xf32>
    %mul3A_1537 = arith.mulf %slice3A_1529, %convert_element_type3A_1536 : vector<256x256xf32>
    %slice3A_1538 = vector.extract_strided_slice %mul3A_1484 {offsets = [0, 4864], sizes = [1, 256], strides = [1, 1]} : vector<1x5120xf32> to vector<1x256xf32>
    %while3A_1539 = arith.constant true
    %while3A_1540:2 = scf.while (%while3A_1567 = %slice3A_1538, %while3A_1568 = %while3A_1539) : (vector<1x256xf32>, i1) -> (vector<1x256xf32>, i1) {
      scf.condition(%while3A_1568) %while3A_1567, %while3A_1568 : vector<1x256xf32>, i1
    } do {
    ^bb0(%while3A_1567: vector<1x256xf32>, %while3A_1568: i1):
      %transpose3A_1569 = tpu.transpose %while3A_1567, [1, 0] : vector<1x256xf32> -> vector<256x1xf32>
      %mul3A_1570 = vector.broadcast %transpose3A_1569 : vector<256x1xf32> to vector<256x256xf32>
      %mul3A_1571 = arith.mulf %mul3A_1537, %mul3A_1570 : vector<256x256xf32>
      %reduce_max3A_1572 = arith.constant dense<0xFF800000> : vector<256xf32>
      %reduce_max3A_1573 = vector.multi_reduction <maximumf>, %mul3A_1571, %reduce_max3A_1572 [0] : vector<256x256xf32> to vector<256xf32>
      %broadcast_in_dim3A_1574 = vector.shape_cast %reduce_max3A_1573 : vector<256xf32> to vector<1x256xf32>
      %min3A_1575 = arith.constant 1.000000e+00 : f32
      %min3A_1576 = vector.broadcast %min3A_1575 : f32 to vector<1x256xf32>
      %min3A_1577 = arith.minimumf %broadcast_in_dim3A_1574, %min3A_1576 : vector<1x256xf32>
      %sub3A_1578 = arith.constant 1.000000e+00 : f32
      %sub3A_1579 = vector.broadcast %sub3A_1578 : f32 to vector<1x256xf32>
      %sub3A_1580 = arith.subf %sub3A_1579, %min3A_1577 : vector<1x256xf32>
      %mul3A_1581 = arith.mulf %slice3A_1538, %sub3A_1580 : vector<1x256xf32>
      %ne3A = arith.cmpf one, %mul3A_1581, %while3A_1567 : vector<1x256xf32>
      %reduce_or3A = arith.constant 1.000000e+00 : f32
      %reduce_or3A_1582 = arith.constant 0.000000e+00 : f32
      %reduce_or3A_1583 = vector.broadcast %reduce_or3A : f32 to vector<1x256xf32>
      %reduce_or3A_1584 = vector.broadcast %reduce_or3A_1582 : f32 to vector<1x256xf32>
      %reduce_or3A_1585 = arith.select %ne3A, %reduce_or3A_1583, %reduce_or3A_1584 : vector<1x256xi1>, vector<1x256xf32>
      %reduce_or3A_1586 = vector.shape_cast %reduce_or3A_1585 : vector<1x256xf32> to vector<1x1x256xf32>
      %reduce_or3A_1587 = arith.constant dense<0xFF800000> : vector<1xf32>
      %reduce_or3A_1588 = vector.multi_reduction <maximumf>, %reduce_or3A_1586, %reduce_or3A_1587 [1, 2] : vector<1x1x256xf32> to vector<1xf32>
      %reduce_or3A_1589 = vector.shape_cast %reduce_or3A_1588 : vector<1xf32> to vector<1x1x1xf32>
      %reduce_or3A_1590 = vector.extract %reduce_or3A_1589[0, 0, 0] : f32 from vector<1x1x1xf32>
      %reduce_or3A_1591 = arith.constant 0.000000e+00 : f32
      %reduce_or3A_1592 = arith.cmpf ogt, %reduce_or3A_1590, %reduce_or3A_1591 : f32
      scf.yield %mul3A_1581, %reduce_or3A_1592 : vector<1x256xf32>, i1
    }
    %iota3A_1541 = tpu.iota {dimensions = array<i32: 0>} : vector<256x5120xi32>
    %convert_element_type3A_1542 = arith.sitofp %iota3A_1541 : vector<256x5120xi32> to vector<256x5120xf32>
    %add3A_1543 = arith.constant 4.864000e+03 : f32
    %add3A_1544 = vector.broadcast %add3A_1543 : f32 to vector<256x5120xf32>
    %add3A_1545 = arith.addf %add3A_1544, %convert_element_type3A_1542 : vector<256x5120xf32>
    %gt3A_1546 = arith.cmpf ogt, %convert_element_type3A, %add3A_1545 : vector<256x5120xf32>
    %convert_element_type3A_1547 = arith.extui %gt3A_1546 : vector<256x5120xi1> to vector<256x5120xi32>
    %convert_element_type3A_1548 = arith.sitofp %convert_element_type3A_1547 : vector<256x5120xi32> to vector<256x5120xf32>
    %mul3A_1549 = arith.mulf %convert_element_type3A_1528, %convert_element_type3A_1548 : vector<256x5120xf32>
    %transpose3A_1550 = tpu.transpose %while3A_1540#0, [1, 0] : vector<1x256xf32> -> vector<256x1xf32>
    %mul3A_1551 = vector.broadcast %transpose3A_1550 : vector<256x1xf32> to vector<256x5120xf32>
    %mul3A_1552 = arith.mulf %mul3A_1549, %mul3A_1551 : vector<256x5120xf32>
    %reduce_max3A_1553 = arith.constant dense<0xFF800000> : vector<5120xf32>
    %reduce_max3A_1554 = vector.multi_reduction <maximumf>, %mul3A_1552, %reduce_max3A_1553 [0] : vector<256x5120xf32> to vector<5120xf32>
    %broadcast_in_dim3A_1555 = vector.shape_cast %reduce_max3A_1554 : vector<5120xf32> to vector<1x5120xf32>
    %min3A_1556 = arith.constant 1.000000e+00 : f32
    %min3A_1557 = vector.broadcast %min3A_1556 : f32 to vector<1x5120xf32>
    %min3A_1558 = arith.minimumf %broadcast_in_dim3A_1555, %min3A_1557 : vector<1x5120xf32>
    %sub3A_1559 = arith.constant 1.000000e+00 : f32
    %sub3A_1560 = vector.broadcast %sub3A_1559 : f32 to vector<1x5120xf32>
    %sub3A_1561 = arith.subf %sub3A_1560, %min3A_1558 : vector<1x5120xf32>
    %mul3A_1562 = arith.mulf %mul3A_1484, %sub3A_1561 : vector<1x5120xf32>
    %broadcast_in_dim3A_1563 = vector.shape_cast %mul3A_1562 : vector<1x5120xf32> to vector<1x5120xf32>
    %broadcast_in_dim3A_1564 = vector.broadcast %broadcast_in_dim3A_1563 : vector<1x5120xf32> to vector<8x5120xf32>
    %swap3A = arith.constant 0 : index
    %swap3A_1565 = arith.constant 0 : index
    %swap3A_1566 = vector.load %arg1[%swap3A, %swap3A_1565] : memref<8x5120xf32, #tpu.memory_space<vmem>>, vector<8x5120xf32>
    tpu.vector_store %arg1[%swap3A, %swap3A_1565], %broadcast_in_dim3A_1564 {strides = array<i32>} : memref<8x5120xf32, #tpu.memory_space<vmem>>, vector<8x5120xf32>,
    return
  }
}

module attributes {stable_mosaic.version = 14 : i64} {
  func.func @_pool_kernel(%arg0: i32, %arg1: i32, %arg2: memref<8x512xf32, #tpu.memory_space<vmem>>, %arg3: memref<640x512xf32, #tpu.memory_space<vmem>>, %arg4: memref<896x512xf32, #tpu.memory_space<vmem>>) attributes {dimension_semantics = [#tpu.dimension_semantics<arbitrary>, #tpu.dimension_semantics<arbitrary>], iteration_bounds = array<i64: 4, 7>, scalar_prefetch = 0 : i64, scratch_operands = 0 : i64, tpu.core_type = #tpu.core_type<tc>, window_params = [{pipeline_mode = #tpu.pipeline_mode<synchronous>, transform_indices = @transform_0, window_bounds = array<i64: 8, 512>}, {pipeline_mode = #tpu.pipeline_mode<synchronous>, transform_indices = @transform_1, window_bounds = array<i64: 640, 512>}, {transform_indices = @transform_2, window_bounds = array<i64: 896, 512>}]} {
    %mul3A = arith.constant 128 : i32
    %mul3A_0 = arith.muli %arg0, %mul3A : i32
    %get3A = arith.constant 0 : index
    %get3A_1 = arith.index_cast %mul3A_0 : i32 to index
    %get3A_2 = vector.load %arg2[%get3A, %get3A_1] : memref<8x512xf32, #tpu.memory_space<vmem>>, vector<8x128xf32>
    %slice3A = vector.extract_strided_slice %get3A_2 {offsets = [0, 0], sizes = [1, 128], strides = [1, 1]} : vector<8x128xf32> to vector<1x128xf32>
    %transpose3A = tpu.transpose %slice3A, [1, 0] : vector<1x128xf32> -> vector<128x1xf32>
    %slice3A_3 = vector.extract_strided_slice %get3A_2 {offsets = [1, 0], sizes = [1, 128], strides = [1, 1]} : vector<8x128xf32> to vector<1x128xf32>
    %transpose3A_4 = tpu.transpose %slice3A_3, [1, 0] : vector<1x128xf32> -> vector<128x1xf32>
    %slice3A_5 = vector.extract_strided_slice %get3A_2 {offsets = [2, 0], sizes = [1, 128], strides = [1, 1]} : vector<8x128xf32> to vector<1x128xf32>
    %transpose3A_6 = tpu.transpose %slice3A_5, [1, 0] : vector<1x128xf32> -> vector<128x1xf32>
    %slice3A_7 = vector.extract_strided_slice %get3A_2 {offsets = [3, 0], sizes = [1, 128], strides = [1, 1]} : vector<8x128xf32> to vector<1x128xf32>
    %transpose3A_8 = tpu.transpose %slice3A_7, [1, 0] : vector<1x128xf32> -> vector<128x1xf32>
    %div3A = arith.constant 3.200000e+01 : f32
    %div3A_9 = vector.broadcast %div3A : f32 to vector<128x1xf32>
    %div3A_10 = arith.divf %transpose3A, %div3A_9 : vector<128x1xf32>
    %floor3A = math.floor %div3A_10 : vector<128x1xf32>
    %jit3A = arith.constant 0.000000e+00 : f32
    %jit3A_11 = arith.constant 2.400000e+01 : f32
    %max3A = vector.broadcast %jit3A : f32 to vector<128x1xf32>
    %max3A_12 = arith.maximumf %max3A, %floor3A : vector<128x1xf32>
    %min3A = vector.broadcast %jit3A_11 : f32 to vector<128x1xf32>
    %min3A_13 = arith.minimumf %min3A, %max3A_12 : vector<128x1xf32>
    %div3A_14 = arith.constant 3.200000e+01 : f32
    %div3A_15 = vector.broadcast %div3A_14 : f32 to vector<128x1xf32>
    %div3A_16 = arith.divf %transpose3A_6, %div3A_15 : vector<128x1xf32>
    %floor3A_17 = math.floor %div3A_16 : vector<128x1xf32>
    %jit3A_18 = arith.constant 0.000000e+00 : f32
    %jit3A_19 = arith.constant 2.500000e+01 : f32
    %max3A_20 = vector.broadcast %jit3A_18 : f32 to vector<128x1xf32>
    %max3A_21 = arith.maximumf %max3A_20, %floor3A_17 : vector<128x1xf32>
    %min3A_22 = vector.broadcast %jit3A_19 : f32 to vector<128x1xf32>
    %min3A_23 = arith.minimumf %min3A_22, %max3A_21 : vector<128x1xf32>
    %add3A = arith.constant 1.000000e+00 : f32
    %add3A_24 = vector.broadcast %add3A : f32 to vector<128x1xf32>
    %add3A_25 = arith.addf %min3A_13, %add3A_24 : vector<128x1xf32>
    %max3A_26 = arith.maximumf %min3A_23, %add3A_25 : vector<128x1xf32>
    %concatenate3A = tpu.concatenate %min3A_13, %min3A_13, %min3A_13, %min3A_13, %min3A_13, %min3A_13, %min3A_13 in 0 : vector<128x1xf32>, vector<128x1xf32>, vector<128x1xf32>, vector<128x1xf32>, vector<128x1xf32>, vector<128x1xf32>, vector<128x1xf32> -> vector<896x1xf32>
    %sub3A = arith.subf %max3A_26, %min3A_13 : vector<128x1xf32>
    %concatenate3A_27 = tpu.concatenate %sub3A, %sub3A, %sub3A, %sub3A, %sub3A, %sub3A, %sub3A in 0 : vector<128x1xf32>, vector<128x1xf32>, vector<128x1xf32>, vector<128x1xf32>, vector<128x1xf32>, vector<128x1xf32>, vector<128x1xf32> -> vector<896x1xf32>
    %div3A_28 = arith.constant 3.200000e+01 : f32
    %div3A_29 = vector.broadcast %div3A_28 : f32 to vector<128x1xf32>
    %div3A_30 = arith.divf %transpose3A_4, %div3A_29 : vector<128x1xf32>
    %floor3A_31 = math.floor %div3A_30 : vector<128x1xf32>
    %jit3A_32 = arith.constant 0.000000e+00 : f32
    %jit3A_33 = arith.constant 2.400000e+01 : f32
    %max3A_34 = vector.broadcast %jit3A_32 : f32 to vector<128x1xf32>
    %max3A_35 = arith.maximumf %max3A_34, %floor3A_31 : vector<128x1xf32>
    %min3A_36 = vector.broadcast %jit3A_33 : f32 to vector<128x1xf32>
    %min3A_37 = arith.minimumf %min3A_36, %max3A_35 : vector<128x1xf32>
    %div3A_38 = arith.constant 3.200000e+01 : f32
    %div3A_39 = vector.broadcast %div3A_38 : f32 to vector<128x1xf32>
    %div3A_40 = arith.divf %transpose3A_8, %div3A_39 : vector<128x1xf32>
    %floor3A_41 = math.floor %div3A_40 : vector<128x1xf32>
    %jit3A_42 = arith.constant 0.000000e+00 : f32
    %jit3A_43 = arith.constant 2.500000e+01 : f32
    %max3A_44 = vector.broadcast %jit3A_42 : f32 to vector<128x1xf32>
    %max3A_45 = arith.maximumf %max3A_44, %floor3A_41 : vector<128x1xf32>
    %min3A_46 = vector.broadcast %jit3A_43 : f32 to vector<128x1xf32>
    %min3A_47 = arith.minimumf %min3A_46, %max3A_45 : vector<128x1xf32>
    %add3A_48 = arith.constant 1.000000e+00 : f32
    %add3A_49 = vector.broadcast %add3A_48 : f32 to vector<128x1xf32>
    %add3A_50 = arith.addf %min3A_37, %add3A_49 : vector<128x1xf32>
    %max3A_51 = arith.maximumf %min3A_47, %add3A_50 : vector<128x1xf32>
    %concatenate3A_52 = tpu.concatenate %min3A_37, %min3A_37, %min3A_37, %min3A_37, %min3A_37, %min3A_37, %min3A_37 in 0 : vector<128x1xf32>, vector<128x1xf32>, vector<128x1xf32>, vector<128x1xf32>, vector<128x1xf32>, vector<128x1xf32>, vector<128x1xf32> -> vector<896x1xf32>
    %sub3A_53 = arith.subf %max3A_51, %min3A_37 : vector<128x1xf32>
    %concatenate3A_54 = tpu.concatenate %sub3A_53, %sub3A_53, %sub3A_53, %sub3A_53, %sub3A_53, %sub3A_53, %sub3A_53 in 0 : vector<128x1xf32>, vector<128x1xf32>, vector<128x1xf32>, vector<128x1xf32>, vector<128x1xf32>, vector<128x1xf32>, vector<128x1xf32> -> vector<896x1xf32>
    %iota3A = tpu.iota {dimensions = array<i32: 0>} : vector<896x1xi32>
    %convert_element_type3A = arith.sitofp %iota3A : vector<896x1xi32> to vector<896x1xf32>
    %add3A_55 = arith.constant 5.000000e-01 : f32
    %add3A_56 = vector.broadcast %add3A_55 : f32 to vector<896x1xf32>
    %add3A_57 = arith.addf %convert_element_type3A, %add3A_56 : vector<896x1xf32>
    %div3A_58 = arith.constant 1.280000e+02 : f32
    %div3A_59 = vector.broadcast %div3A_58 : f32 to vector<896x1xf32>
    %div3A_60 = arith.divf %add3A_57, %div3A_59 : vector<896x1xf32>
    %floor3A_61 = math.floor %div3A_60 : vector<896x1xf32>
    %convert_element_type3A_62 = arith.sitofp %arg1 : i32 to f32
    %mul3A_63 = arith.constant 7.000000e+00 : f32
    %mul3A_64 = arith.mulf %mul3A_63, %convert_element_type3A_62 : f32
    %add3A_65 = vector.broadcast %mul3A_64 : f32 to vector<896x1xf32>
    %add3A_66 = arith.addf %floor3A_61, %add3A_65 : vector<896x1xf32>
    %add3A_67 = arith.constant 5.000000e-01 : f32
    %add3A_68 = vector.broadcast %add3A_67 : f32 to vector<896x1xf32>
    %add3A_69 = arith.addf %add3A_66, %add3A_68 : vector<896x1xf32>
    %div3A_70 = arith.constant 7.000000e+00 : f32
    %div3A_71 = vector.broadcast %div3A_70 : f32 to vector<896x1xf32>
    %div3A_72 = arith.divf %add3A_69, %div3A_71 : vector<896x1xf32>
    %floor3A_73 = math.floor %div3A_72 : vector<896x1xf32>
    %mul3A_74 = arith.constant 7.000000e+00 : f32
    %mul3A_75 = vector.broadcast %mul3A_74 : f32 to vector<896x1xf32>
    %mul3A_76 = arith.mulf %floor3A_73, %mul3A_75 : vector<896x1xf32>
    %sub3A_77 = arith.subf %add3A_66, %mul3A_76 : vector<896x1xf32>
    %mul3A_78 = arith.mulf %floor3A_73, %concatenate3A_27 : vector<896x1xf32>
    %add3A_79 = arith.constant 5.000000e-01 : f32
    %add3A_80 = vector.broadcast %add3A_79 : f32 to vector<896x1xf32>
    %add3A_81 = arith.addf %mul3A_78, %add3A_80 : vector<896x1xf32>
    %div3A_82 = arith.constant 7.000000e+00 : f32
    %div3A_83 = vector.broadcast %div3A_82 : f32 to vector<896x1xf32>
    %div3A_84 = arith.divf %add3A_81, %div3A_83 : vector<896x1xf32>
    %floor3A_85 = math.floor %div3A_84 : vector<896x1xf32>
    %add3A_86 = arith.addf %concatenate3A, %floor3A_85 : vector<896x1xf32>
    %add3A_87 = arith.constant 1.000000e+00 : f32
    %add3A_88 = vector.broadcast %add3A_87 : f32 to vector<896x1xf32>
    %add3A_89 = arith.addf %floor3A_73, %add3A_88 : vector<896x1xf32>
    %mul3A_90 = arith.mulf %add3A_89, %concatenate3A_27 : vector<896x1xf32>
    %add3A_91 = arith.constant 6.500000e+00 : f32
    %add3A_92 = vector.broadcast %add3A_91 : f32 to vector<896x1xf32>
    %add3A_93 = arith.addf %mul3A_90, %add3A_92 : vector<896x1xf32>
    %div3A_94 = arith.constant 7.000000e+00 : f32
    %div3A_95 = vector.broadcast %div3A_94 : f32 to vector<896x1xf32>
    %div3A_96 = arith.divf %add3A_93, %div3A_95 : vector<896x1xf32>
    %floor3A_97 = math.floor %div3A_96 : vector<896x1xf32>
    %add3A_98 = arith.addf %concatenate3A, %floor3A_97 : vector<896x1xf32>
    %mul3A_99 = arith.mulf %sub3A_77, %concatenate3A_54 : vector<896x1xf32>
    %add3A_100 = arith.constant 5.000000e-01 : f32
    %add3A_101 = vector.broadcast %add3A_100 : f32 to vector<896x1xf32>
    %add3A_102 = arith.addf %mul3A_99, %add3A_101 : vector<896x1xf32>
    %div3A_103 = arith.constant 7.000000e+00 : f32
    %div3A_104 = vector.broadcast %div3A_103 : f32 to vector<896x1xf32>
    %div3A_105 = arith.divf %add3A_102, %div3A_104 : vector<896x1xf32>
    %floor3A_106 = math.floor %div3A_105 : vector<896x1xf32>
    %add3A_107 = arith.addf %concatenate3A_52, %floor3A_106 : vector<896x1xf32>
    %add3A_108 = arith.constant 1.000000e+00 : f32
    %add3A_109 = vector.broadcast %add3A_108 : f32 to vector<896x1xf32>
    %add3A_110 = arith.addf %sub3A_77, %add3A_109 : vector<896x1xf32>
    %mul3A_111 = arith.mulf %add3A_110, %concatenate3A_54 : vector<896x1xf32>
    %add3A_112 = arith.constant 6.500000e+00 : f32
    %add3A_113 = vector.broadcast %add3A_112 : f32 to vector<896x1xf32>
    %add3A_114 = arith.addf %mul3A_111, %add3A_113 : vector<896x1xf32>
    %div3A_115 = arith.constant 7.000000e+00 : f32
    %div3A_116 = vector.broadcast %div3A_115 : f32 to vector<896x1xf32>
    %div3A_117 = arith.divf %add3A_114, %div3A_116 : vector<896x1xf32>
    %floor3A_118 = math.floor %div3A_117 : vector<896x1xf32>
    %add3A_119 = arith.addf %concatenate3A_52, %floor3A_118 : vector<896x1xf32>
    %iota3A_120 = tpu.iota {dimensions = array<i32: 1>} : vector<1x640xi32>
    %convert_element_type3A_121 = arith.sitofp %iota3A_120 : vector<1x640xi32> to vector<1x640xf32>
    %add3A_122 = arith.constant 5.000000e-01 : f32
    %add3A_123 = vector.broadcast %add3A_122 : f32 to vector<1x640xf32>
    %add3A_124 = arith.addf %convert_element_type3A_121, %add3A_123 : vector<1x640xf32>
    %div3A_125 = arith.constant 2.500000e+01 : f32
    %div3A_126 = vector.broadcast %div3A_125 : f32 to vector<1x640xf32>
    %div3A_127 = arith.divf %add3A_124, %div3A_126 : vector<1x640xf32>
    %floor3A_128 = math.floor %div3A_127 : vector<1x640xf32>
    %mul3A_129 = arith.constant 2.500000e+01 : f32
    %mul3A_130 = vector.broadcast %mul3A_129 : f32 to vector<1x640xf32>
    %mul3A_131 = arith.mulf %floor3A_128, %mul3A_130 : vector<1x640xf32>
    %sub3A_132 = arith.subf %convert_element_type3A_121, %mul3A_131 : vector<1x640xf32>
    %ge3A = vector.broadcast %floor3A_128 : vector<1x640xf32> to vector<896x640xf32>
    %ge3A_133 = vector.broadcast %add3A_86 : vector<896x1xf32> to vector<896x640xf32>
    %ge3A_134 = arith.cmpf oge, %ge3A, %ge3A_133 : vector<896x640xf32>
    %lt3A = vector.broadcast %floor3A_128 : vector<1x640xf32> to vector<896x640xf32>
    %lt3A_135 = vector.broadcast %add3A_98 : vector<896x1xf32> to vector<896x640xf32>
    %lt3A_136 = arith.cmpf olt, %lt3A, %lt3A_135 : vector<896x640xf32>
    %and3A = arith.andi %ge3A_134, %lt3A_136 : vector<896x640xi1>
    %ge3A_137 = vector.broadcast %sub3A_132 : vector<1x640xf32> to vector<896x640xf32>
    %ge3A_138 = vector.broadcast %add3A_107 : vector<896x1xf32> to vector<896x640xf32>
    %ge3A_139 = arith.cmpf oge, %ge3A_137, %ge3A_138 : vector<896x640xf32>
    %and3A_140 = arith.andi %and3A, %ge3A_139 : vector<896x640xi1>
    %lt3A_141 = vector.broadcast %sub3A_132 : vector<1x640xf32> to vector<896x640xf32>
    %lt3A_142 = vector.broadcast %add3A_119 : vector<896x1xf32> to vector<896x640xf32>
    %lt3A_143 = arith.cmpf olt, %lt3A_141, %lt3A_142 : vector<896x640xf32>
    %and3A_144 = arith.andi %and3A_140, %lt3A_143 : vector<896x640xi1>
    %convert_element_type3A_145 = arith.extui %and3A_144 : vector<896x640xi1> to vector<896x640xi32>
    %convert_element_type3A_146 = arith.sitofp %convert_element_type3A_145 : vector<896x640xi32> to vector<896x640xf32>
    %sub3A_147 = arith.subf %add3A_98, %add3A_86 : vector<896x1xf32>
    %sub3A_148 = arith.subf %add3A_119, %add3A_107 : vector<896x1xf32>
    %mul3A_149 = arith.mulf %sub3A_147, %sub3A_148 : vector<896x1xf32>
    %div3A_150 = vector.broadcast %mul3A_149 : vector<896x1xf32> to vector<896x640xf32>
    %div3A_151 = arith.divf %convert_element_type3A_146, %div3A_150 : vector<896x640xf32>
    %get3A_152 = arith.constant 0 : index
    %get3A_153 = arith.constant 0 : index
    %get3A_154 = vector.load %arg3[%get3A_152, %get3A_153] : memref<640x512xf32, #tpu.memory_space<vmem>>, vector<640x512xf32>
    %dot_general3A = arith.constant dense<0.000000e+00> : vector<896x512xf32>
    %dot_general3A_155 = tpu.matmul %div3A_151, %get3A_154, %dot_general3A {dimension_numbers = #tpu.dot_dimension_numbers<[1], [0], [0], [1], [0, 0, 1, 1], [], []>, precision = #tpu.contract_precision<fp32>, transpose_lhs_hint = false} : vector<896x640xf32>, vector<640x512xf32>, vector<896x512xf32> -> vector<896x512xf32>
    %swap3A = arith.constant 0 : index
    %swap3A_156 = arith.constant 0 : index
    %swap3A_157 = vector.load %arg4[%swap3A, %swap3A_156] : memref<896x512xf32, #tpu.memory_space<vmem>>, vector<896x512xf32>
    tpu.vector_store %arg4[%swap3A, %swap3A_156], %dot_general3A_155 {strides = array<i32>} : memref<896x512xf32, #tpu.memory_space<vmem>>, vector<896x512xf32>,
    return
  }
  func.func @transform_0(%arg0: i32, %arg1: i32) -> (i32, i32) {
    %c0_i32 = arith.constant 0 : i32
    %c0_i32_0 = arith.constant 0 : i32
    %c0_i32_1 = arith.constant 0 : i32
    return %c0_i32, %c0_i32_0 : i32, i32
  }
  func.func @transform_1(%arg0: i32, %arg1: i32) -> (i32, i32) {
    %c0_i32 = arith.constant 0 : i32
    %c0_i32_0 = arith.constant 0 : i32
    %c0_i32_1 = arith.constant 0 : i32
    return %c0_i32, %c0_i32_0 : i32, i32
  }
  func.func @transform_2(%arg0: i32, %arg1: i32) -> (i32, i32) {
    %mul3A = arith.constant 7 : i32
    %mul3A_0 = arith.muli %arg0, %mul3A : i32
    %add3A = arith.addi %mul3A_0, %arg1 : i32
    %c0_i32 = arith.constant 0 : i32
    %c0_i32_1 = arith.constant 0 : i32
    return %add3A, %c0_i32 : i32, i32
  }
}

module attributes {stable_mosaic.version = 14 : i64} {
  func.func @_fc_kernel(%arg0: i32, %arg1: i32, %arg2: memref<512x25088xf32, #tpu.memory_space<vmem>>, %arg3: memref<896x512xf32, #tpu.memory_space<vmem>>, %arg4: memref<8x512xf32, #tpu.memory_space<vmem>>, %arg5: memref<512x512xf32, #tpu.memory_space<vmem>>, %arg6: memref<512x512xf32, #tpu.memory_space<vmem>>) attributes {dimension_semantics = [#tpu.dimension_semantics<arbitrary>, #tpu.dimension_semantics<arbitrary>], iteration_bounds = array<i64: 8, 28>, scalar_prefetch = 0 : i64, scratch_operands = 1 : i64, tpu.core_type = #tpu.core_type<tc>, window_params = [{pipeline_mode = #tpu.pipeline_mode<synchronous>, transform_indices = @transform_0, window_bounds = array<i64: 512, 25088>}, {transform_indices = @transform_1, window_bounds = array<i64: 896, 512>}, {transform_indices = @transform_2, window_bounds = array<i64: 8, 512>}, {transform_indices = @transform_3, window_bounds = array<i64: 512, 512>}]} {
    %mul3A = arith.constant 896 : i32
    %mul3A_0 = arith.muli %arg1, %mul3A : i32
    %get3A = arith.constant 0 : index
    %get3A_1 = arith.index_cast %mul3A_0 : i32 to index
    %get3A_2 = vector.load %arg2[%get3A, %get3A_1] : memref<512x25088xf32, #tpu.memory_space<vmem>>, vector<512x896xf32>
    %get3A_3 = arith.constant 0 : index
    %get3A_4 = arith.constant 0 : index
    %get3A_5 = vector.load %arg3[%get3A_3, %get3A_4] : memref<896x512xf32, #tpu.memory_space<vmem>>, vector<896x512xf32>
    %dot_general3A = arith.constant dense<0.000000e+00> : vector<512x512xf32>
    %dot_general3A_6 = tpu.matmul %get3A_2, %get3A_5, %dot_general3A {dimension_numbers = #tpu.dot_dimension_numbers<[1], [0], [0], [1], [0, 0, 1, 1], [], []>, transpose_lhs_hint = false} : vector<512x896xf32>, vector<896x512xf32>, vector<512x512xf32> -> vector<512x512xf32>
    %eq3A = arith.constant 0 : i32
    %eq3A_7 = arith.cmpi eq, %arg1, %eq3A : i32
    %convert_element_type3A = arith.extui %eq3A_7 : i1 to i32
    %cond3A = arith.constant 0 : i32
    %cond3A_8 = arith.cmpi ne, %convert_element_type3A, %cond3A : i32
    scf.if %cond3A_8 {
      %swap3A = arith.constant 0 : index
      %swap3A_18 = arith.constant 0 : index
      %swap3A_19 = vector.load %arg6[%swap3A, %swap3A_18] : memref<512x512xf32, #tpu.memory_space<vmem>>, vector<512x512xf32>
      tpu.vector_store %arg6[%swap3A, %swap3A_18], %dot_general3A_6 {strides = array<i32>} : memref<512x512xf32, #tpu.memory_space<vmem>>, vector<512x512xf32>,
    } else {
    }
    %gt3A = arith.constant 0 : i32
    %gt3A_9 = arith.cmpi sgt, %arg1, %gt3A : i32
    %convert_element_type3A_10 = arith.extui %gt3A_9 : i1 to i32
    %cond3A_11 = arith.constant 0 : i32
    %cond3A_12 = arith.cmpi ne, %convert_element_type3A_10, %cond3A_11 : i32
    scf.if %cond3A_12 {
      %get3A_18 = arith.constant 0 : index
      %get3A_19 = arith.constant 0 : index
      %get3A_20 = vector.load %arg6[%get3A_18, %get3A_19] : memref<512x512xf32, #tpu.memory_space<vmem>>, vector<512x512xf32>
      %add3A = arith.addf %get3A_20, %dot_general3A_6 : vector<512x512xf32>
      %swap3A = arith.constant 0 : index
      %swap3A_21 = arith.constant 0 : index
      %swap3A_22 = vector.load %arg6[%swap3A, %swap3A_21] : memref<512x512xf32, #tpu.memory_space<vmem>>, vector<512x512xf32>
      tpu.vector_store %arg6[%swap3A, %swap3A_21], %add3A {strides = array<i32>} : memref<512x512xf32, #tpu.memory_space<vmem>>, vector<512x512xf32>,
    } else {
    }
    %eq3A_13 = arith.constant 27 : i32
    %eq3A_14 = arith.cmpi eq, %arg1, %eq3A_13 : i32
    %convert_element_type3A_15 = arith.extui %eq3A_14 : i1 to i32
    %cond3A_16 = arith.constant 0 : i32
    %cond3A_17 = arith.cmpi ne, %convert_element_type3A_15, %cond3A_16 : i32
    scf.if %cond3A_17 {
      %get3A_18 = arith.constant 0 : index
      %get3A_19 = arith.constant 0 : index
      %get3A_20 = vector.load %arg6[%get3A_18, %get3A_19] : memref<512x512xf32, #tpu.memory_space<vmem>>, vector<512x512xf32>
      %get3A_21 = arith.constant 0 : index
      %get3A_22 = arith.constant 0 : index
      %get3A_23 = vector.load %arg4[%get3A_21, %get3A_22] : memref<8x512xf32, #tpu.memory_space<vmem>>, vector<1x512xf32>
      %add3A = vector.broadcast %get3A_23 : vector<1x512xf32> to vector<512x512xf32>
      %add3A_24 = arith.addf %get3A_20, %add3A : vector<512x512xf32>
      %swap3A = arith.constant 0 : index
      %swap3A_25 = arith.constant 0 : index
      %swap3A_26 = vector.load %arg5[%swap3A, %swap3A_25] : memref<512x512xf32, #tpu.memory_space<vmem>>, vector<512x512xf32>
      tpu.vector_store %arg5[%swap3A, %swap3A_25], %add3A_24 {strides = array<i32>} : memref<512x512xf32, #tpu.memory_space<vmem>>, vector<512x512xf32>,
    } else {
    }
    return
  }
  func.func @transform_0(%arg0: i32, %arg1: i32) -> (i32, i32) {
    %c0_i32 = arith.constant 0 : i32
    %c0_i32_0 = arith.constant 0 : i32
    %c0_i32_1 = arith.constant 0 : i32
    return %c0_i32, %c0_i32_0 : i32, i32
  }
  func.func @transform_1(%arg0: i32, %arg1: i32) -> (i32, i32) {
    %c0_i32 = arith.constant 0 : i32
    return %arg1, %arg0 : i32, i32
  }
  func.func @transform_2(%arg0: i32, %arg1: i32) -> (i32, i32) {
    %c0_i32 = arith.constant 0 : i32
    %c0_i32_0 = arith.constant 0 : i32
    return %c0_i32, %arg0 : i32, i32
  }
  func.func @transform_3(%arg0: i32, %arg1: i32) -> (i32, i32) {
    %c0_i32 = arith.constant 0 : i32
    %c0_i32_0 = arith.constant 0 : i32
    return %c0_i32, %arg0 : i32, i32
  }
}

module attributes {stable_mosaic.version = 14 : i64} {
  func.func @_head_kernel(%arg0: memref<512x4096xf32, #tpu.memory_space<vmem>>, %arg1: memref<4096x128xf32, #tpu.memory_space<vmem>>, %arg2: memref<8x128xf32, #tpu.memory_space<vmem>>, %arg3: memref<512x128xf32, #tpu.memory_space<vmem>>) attributes {dimension_semantics = [], scalar_prefetch = 0 : i64, scratch_operands = 0 : i64, tpu.core_type = #tpu.core_type<tc>} {
    %get3A = arith.constant 0 : index
    %get3A_0 = arith.constant 0 : index
    %get3A_1 = vector.load %arg0[%get3A, %get3A_0] : memref<512x4096xf32, #tpu.memory_space<vmem>>, vector<512x4096xf32>
    %get3A_2 = arith.constant 0 : index
    %get3A_3 = arith.constant 0 : index
    %get3A_4 = vector.load %arg1[%get3A_2, %get3A_3] : memref<4096x128xf32, #tpu.memory_space<vmem>>, vector<4096x128xf32>
    %dot_general3A = arith.constant dense<0.000000e+00> : vector<512x128xf32>
    %dot_general3A_5 = tpu.matmul %get3A_1, %get3A_4, %dot_general3A {dimension_numbers = #tpu.dot_dimension_numbers<[1], [0], [0], [1], [0, 0, 1, 1], [], []>, transpose_lhs_hint = false} : vector<512x4096xf32>, vector<4096x128xf32>, vector<512x128xf32> -> vector<512x128xf32>
    %get3A_6 = arith.constant 0 : index
    %get3A_7 = arith.constant 0 : index
    %get3A_8 = vector.load %arg2[%get3A_6, %get3A_7] : memref<8x128xf32, #tpu.memory_space<vmem>>, vector<1x128xf32>
    %add3A = vector.broadcast %get3A_8 : vector<1x128xf32> to vector<512x128xf32>
    %add3A_9 = arith.addf %dot_general3A_5, %add3A : vector<512x128xf32>
    %slice3A = vector.extract_strided_slice %add3A_9 {offsets = [0, 0], sizes = [512, 80], strides = [1, 1]} : vector<512x128xf32> to vector<512x80xf32>
    %slice3A_10 = vector.extract_strided_slice %add3A_9 {offsets = [0, 80], sizes = [512, 21], strides = [1, 1]} : vector<512x128xf32> to vector<512x21xf32>
    %reduce_max3A = arith.constant dense<0xFF800000> : vector<512xf32>
    %reduce_max3A_11 = vector.multi_reduction <maximumf>, %slice3A_10, %reduce_max3A [1] : vector<512x21xf32> to vector<512xf32>
    %broadcast_in_dim3A = vector.shape_cast %reduce_max3A_11 : vector<512xf32> to vector<512x1xf32>
    %iota3A = tpu.iota {dimensions = array<i32: 1>} : vector<512x21xi32>
    %convert_element_type3A = arith.sitofp %iota3A : vector<512x21xi32> to vector<512x21xf32>
    %eq3A = vector.broadcast %broadcast_in_dim3A : vector<512x1xf32> to vector<512x21xf32>
    %eq3A_12 = arith.cmpf oeq, %slice3A_10, %eq3A : vector<512x21xf32>
    %jit3A = arith.constant 1.000000e+09 : f32
    %broadcast_in_dim3A_13 = vector.broadcast %jit3A : f32 to vector<512x21xf32>
    %select_n3A = arith.select %eq3A_12, %convert_element_type3A, %broadcast_in_dim3A_13 : vector<512x21xi1>, vector<512x21xf32>
    %reduce_min3A = arith.constant dense<0x7F800000> : vector<512xf32>
    %reduce_min3A_14 = vector.multi_reduction <minimumf>, %select_n3A, %reduce_min3A [1] : vector<512x21xf32> to vector<512xf32>
    %broadcast_in_dim3A_15 = vector.shape_cast %reduce_min3A_14 : vector<512xf32> to vector<512x1xf32>
    %iota3A_16 = tpu.iota {dimensions = array<i32: 1>} : vector<512x80xi32>
    %convert_element_type3A_17 = arith.sitofp %iota3A_16 : vector<512x80xi32> to vector<512x80xf32>
    %iota3A_18 = tpu.iota {dimensions = array<i32: 1>} : vector<512x128xi32>
    %convert_element_type3A_19 = arith.sitofp %iota3A_18 : vector<512x128xi32> to vector<512x128xf32>
    %add3A_20 = arith.constant 0.000000e+00 : f32
    %add3A_21 = vector.broadcast %add3A_20 : f32 to vector<512x1xf32>
    %add3A_22 = arith.addf %broadcast_in_dim3A_15, %add3A_21 : vector<512x1xf32>
    %eq3A_23 = vector.broadcast %add3A_22 : vector<512x1xf32> to vector<512x80xf32>
    %eq3A_24 = arith.cmpf oeq, %convert_element_type3A_17, %eq3A_23 : vector<512x80xf32>
    %convert_element_type3A_25 = arith.extui %eq3A_24 : vector<512x80xi1> to vector<512x80xi32>
    %convert_element_type3A_26 = arith.sitofp %convert_element_type3A_25 : vector<512x80xi32> to vector<512x80xf32>
    %mul3A = arith.mulf %convert_element_type3A_26, %slice3A : vector<512x80xf32>
    %reduce_sum3A = arith.constant dense<0.000000e+00> : vector<512xf32>
    %reduce_sum3A_27 = vector.multi_reduction <add>, %mul3A, %reduce_sum3A [1] : vector<512x80xf32> to vector<512xf32>
    %broadcast_in_dim3A_28 = vector.shape_cast %reduce_sum3A_27 : vector<512xf32> to vector<512x1xf32>
    %eq3A_29 = arith.constant 1.010000e+02 : f32
    %eq3A_30 = vector.broadcast %eq3A_29 : f32 to vector<512x128xf32>
    %eq3A_31 = arith.cmpf oeq, %convert_element_type3A_19, %eq3A_30 : vector<512x128xf32>
    %convert_element_type3A_32 = arith.extui %eq3A_31 : vector<512x128xi1> to vector<512x128xi32>
    %convert_element_type3A_33 = arith.sitofp %convert_element_type3A_32 : vector<512x128xi32> to vector<512x128xf32>
    %sub3A = arith.constant 1.000000e+00 : f32
    %sub3A_34 = vector.broadcast %sub3A : f32 to vector<512x128xf32>
    %sub3A_35 = arith.subf %sub3A_34, %convert_element_type3A_33 : vector<512x128xf32>
    %mul3A_36 = arith.mulf %add3A_9, %sub3A_35 : vector<512x128xf32>
    %mul3A_37 = vector.broadcast %broadcast_in_dim3A_28 : vector<512x1xf32> to vector<512x128xf32>
    %mul3A_38 = arith.mulf %convert_element_type3A_33, %mul3A_37 : vector<512x128xf32>
    %add3A_39 = arith.addf %mul3A_36, %mul3A_38 : vector<512x128xf32>
    %add3A_40 = arith.constant 1.000000e+00 : f32
    %add3A_41 = vector.broadcast %add3A_40 : f32 to vector<512x1xf32>
    %add3A_42 = arith.addf %broadcast_in_dim3A_15, %add3A_41 : vector<512x1xf32>
    %eq3A_43 = vector.broadcast %add3A_42 : vector<512x1xf32> to vector<512x80xf32>
    %eq3A_44 = arith.cmpf oeq, %convert_element_type3A_17, %eq3A_43 : vector<512x80xf32>
    %convert_element_type3A_45 = arith.extui %eq3A_44 : vector<512x80xi1> to vector<512x80xi32>
    %convert_element_type3A_46 = arith.sitofp %convert_element_type3A_45 : vector<512x80xi32> to vector<512x80xf32>
    %mul3A_47 = arith.mulf %convert_element_type3A_46, %slice3A : vector<512x80xf32>
    %reduce_sum3A_48 = arith.constant dense<0.000000e+00> : vector<512xf32>
    %reduce_sum3A_49 = vector.multi_reduction <add>, %mul3A_47, %reduce_sum3A_48 [1] : vector<512x80xf32> to vector<512xf32>
    %broadcast_in_dim3A_50 = vector.shape_cast %reduce_sum3A_49 : vector<512xf32> to vector<512x1xf32>
    %eq3A_51 = arith.constant 1.020000e+02 : f32
    %eq3A_52 = vector.broadcast %eq3A_51 : f32 to vector<512x128xf32>
    %eq3A_53 = arith.cmpf oeq, %convert_element_type3A_19, %eq3A_52 : vector<512x128xf32>
    %convert_element_type3A_54 = arith.extui %eq3A_53 : vector<512x128xi1> to vector<512x128xi32>
    %convert_element_type3A_55 = arith.sitofp %convert_element_type3A_54 : vector<512x128xi32> to vector<512x128xf32>
    %sub3A_56 = arith.constant 1.000000e+00 : f32
    %sub3A_57 = vector.broadcast %sub3A_56 : f32 to vector<512x128xf32>
    %sub3A_58 = arith.subf %sub3A_57, %convert_element_type3A_55 : vector<512x128xf32>
    %mul3A_59 = arith.mulf %add3A_39, %sub3A_58 : vector<512x128xf32>
    %mul3A_60 = vector.broadcast %broadcast_in_dim3A_50 : vector<512x1xf32> to vector<512x128xf32>
    %mul3A_61 = arith.mulf %convert_element_type3A_55, %mul3A_60 : vector<512x128xf32>
    %add3A_62 = arith.addf %mul3A_59, %mul3A_61 : vector<512x128xf32>
    %add3A_63 = arith.constant 2.000000e+00 : f32
    %add3A_64 = vector.broadcast %add3A_63 : f32 to vector<512x1xf32>
    %add3A_65 = arith.addf %broadcast_in_dim3A_15, %add3A_64 : vector<512x1xf32>
    %eq3A_66 = vector.broadcast %add3A_65 : vector<512x1xf32> to vector<512x80xf32>
    %eq3A_67 = arith.cmpf oeq, %convert_element_type3A_17, %eq3A_66 : vector<512x80xf32>
    %convert_element_type3A_68 = arith.extui %eq3A_67 : vector<512x80xi1> to vector<512x80xi32>
    %convert_element_type3A_69 = arith.sitofp %convert_element_type3A_68 : vector<512x80xi32> to vector<512x80xf32>
    %mul3A_70 = arith.mulf %convert_element_type3A_69, %slice3A : vector<512x80xf32>
    %reduce_sum3A_71 = arith.constant dense<0.000000e+00> : vector<512xf32>
    %reduce_sum3A_72 = vector.multi_reduction <add>, %mul3A_70, %reduce_sum3A_71 [1] : vector<512x80xf32> to vector<512xf32>
    %broadcast_in_dim3A_73 = vector.shape_cast %reduce_sum3A_72 : vector<512xf32> to vector<512x1xf32>
    %eq3A_74 = arith.constant 1.030000e+02 : f32
    %eq3A_75 = vector.broadcast %eq3A_74 : f32 to vector<512x128xf32>
    %eq3A_76 = arith.cmpf oeq, %convert_element_type3A_19, %eq3A_75 : vector<512x128xf32>
    %convert_element_type3A_77 = arith.extui %eq3A_76 : vector<512x128xi1> to vector<512x128xi32>
    %convert_element_type3A_78 = arith.sitofp %convert_element_type3A_77 : vector<512x128xi32> to vector<512x128xf32>
    %sub3A_79 = arith.constant 1.000000e+00 : f32
    %sub3A_80 = vector.broadcast %sub3A_79 : f32 to vector<512x128xf32>
    %sub3A_81 = arith.subf %sub3A_80, %convert_element_type3A_78 : vector<512x128xf32>
    %mul3A_82 = arith.mulf %add3A_62, %sub3A_81 : vector<512x128xf32>
    %mul3A_83 = vector.broadcast %broadcast_in_dim3A_73 : vector<512x1xf32> to vector<512x128xf32>
    %mul3A_84 = arith.mulf %convert_element_type3A_78, %mul3A_83 : vector<512x128xf32>
    %add3A_85 = arith.addf %mul3A_82, %mul3A_84 : vector<512x128xf32>
    %add3A_86 = arith.constant 3.000000e+00 : f32
    %add3A_87 = vector.broadcast %add3A_86 : f32 to vector<512x1xf32>
    %add3A_88 = arith.addf %broadcast_in_dim3A_15, %add3A_87 : vector<512x1xf32>
    %eq3A_89 = vector.broadcast %add3A_88 : vector<512x1xf32> to vector<512x80xf32>
    %eq3A_90 = arith.cmpf oeq, %convert_element_type3A_17, %eq3A_89 : vector<512x80xf32>
    %convert_element_type3A_91 = arith.extui %eq3A_90 : vector<512x80xi1> to vector<512x80xi32>
    %convert_element_type3A_92 = arith.sitofp %convert_element_type3A_91 : vector<512x80xi32> to vector<512x80xf32>
    %mul3A_93 = arith.mulf %convert_element_type3A_92, %slice3A : vector<512x80xf32>
    %reduce_sum3A_94 = arith.constant dense<0.000000e+00> : vector<512xf32>
    %reduce_sum3A_95 = vector.multi_reduction <add>, %mul3A_93, %reduce_sum3A_94 [1] : vector<512x80xf32> to vector<512xf32>
    %broadcast_in_dim3A_96 = vector.shape_cast %reduce_sum3A_95 : vector<512xf32> to vector<512x1xf32>
    %eq3A_97 = arith.constant 1.040000e+02 : f32
    %eq3A_98 = vector.broadcast %eq3A_97 : f32 to vector<512x128xf32>
    %eq3A_99 = arith.cmpf oeq, %convert_element_type3A_19, %eq3A_98 : vector<512x128xf32>
    %convert_element_type3A_100 = arith.extui %eq3A_99 : vector<512x128xi1> to vector<512x128xi32>
    %convert_element_type3A_101 = arith.sitofp %convert_element_type3A_100 : vector<512x128xi32> to vector<512x128xf32>
    %sub3A_102 = arith.constant 1.000000e+00 : f32
    %sub3A_103 = vector.broadcast %sub3A_102 : f32 to vector<512x128xf32>
    %sub3A_104 = arith.subf %sub3A_103, %convert_element_type3A_101 : vector<512x128xf32>
    %mul3A_105 = arith.mulf %add3A_85, %sub3A_104 : vector<512x128xf32>
    %mul3A_106 = vector.broadcast %broadcast_in_dim3A_96 : vector<512x1xf32> to vector<512x128xf32>
    %mul3A_107 = arith.mulf %convert_element_type3A_101, %mul3A_106 : vector<512x128xf32>
    %add3A_108 = arith.addf %mul3A_105, %mul3A_107 : vector<512x128xf32>
    %swap3A = arith.constant 0 : index
    %swap3A_109 = arith.constant 0 : index
    %swap3A_110 = vector.load %arg3[%swap3A, %swap3A_109] : memref<512x128xf32, #tpu.memory_space<vmem>>, vector<512x128xf32>
    tpu.vector_store %arg3[%swap3A, %swap3A_109], %add3A_108 {strides = array<i32>} : memref<512x128xf32, #tpu.memory_space<vmem>>, vector<512x128xf32>,
    return
  }
}

</mosaic_0001>

<sc_bundles>
// kernel: gather_offload_async_start
scs
__scs_entry_jumppad:
0x0: {  	(pc) =	sbr.rel $0x88, $3  }
0x1: {  	(tag) =	ssettag $0x0;
	lr =	simm.s32 $0x1  }
0x2: {  	[smem:$0x3F98] =	sst lr;
	_ =	strace $0xD0000000  }
0x3: {  	_ = 	snop  }
0x4: {  	_ = 	snop  }
0x5: {  	_ = 	snop  }
0x6: {  	_ = 	snop  }
0x7: {  	_ = 	snop  }
__scs_overlays_trampoline_lowered:
0x8: {  	[smem:$0x3FA7] =	sst s0  }
0x9: {  	[smem:$0x3FA8] =	sst s1  }
0xa: {  	[smem:$0x3FA9] =	sst s2  }
0xb: {  	[smem:$0x3FAA] =	sst s3  }
0xc: {  	[smem:$0x3FAB] =	sst s4  }
0xd: {  	[smem:$0x3FAC] =	sst s5  }
0xe: {  	[smem:$0x3FAD] =	sst s6  }
0xf: {  	[smem:$0x3FAE] =	sst s7  }
0x10: {  	[smem:$0x3FAF] =	sst s8  }
0x11: {  	[smem:$0x3FB0] =	sst s9;
	s0 =	simm.s32 @!p0 $0x0  }
0x12: {  	s1 =	sld [smem:$0x3F96];
	s0 =	simm.s32 @p0 $0x1  }
0x13: {  	[smem:$0x3FB1] =	sst s0;
	s0 =	simm.s32 @!p1 $0x0  }
0x14: {  	s2 =	sld [smem:$0x3F95];
	s0 =	simm.s32 @p1 $0x1  }
0x15: {  	[smem:$0x3FB2] =	sst s0;
	s0 =	simm.s32 @!p2 $0x0  }
0x16: {  	s3 =	sld [smem:$0x3FDB];
	s0 =	simm.s32 @p2 $0x1  }
0x17: {  	s4 =	simm.s32 $0x1BF5;
	[smem:$0x3FB4] =	sst s0  }
0x18: {  	s0 =	sld [smem:$0x3F97];
	_ =	swait.ge [sflag:s4], $0x0  }
0x19: {  	s7 =	sld [smem:$0x3F98]  }
0x1a: {  	s8 =	sadd.s32 $0xFFFFE003, lr  }
0x1b: {  	s9 =	sadd.s32 $0xFFFFFEF7, lr;
	s5 =	simm.s32 $0xFFFFFFFF;
	p2 =	slt.u32 s8, $0xFFFFF086  }
0x1c: {  	p1 =	slt.u32 s9, $0xF7A;
	s5 =	simm.s32 @!p2 $0x0  }
0x1d: {  	s5 =	simm.s32 @p1 $0x1;
	p0 =	seq.s32 s7, s2  }
0x1e: {  	s7 =	smul.u32 @!p0 $0xF7A, s2;
	p2 =	seq.s32 @!p0 s5, $0x0  }
0x1f: {  	s9 =	smul.u32 $0xF7A, s1;
	s8 =	simm.s32 @!p0 $0x1BF5;
	p2 =	por !p2, p0  }
0x20: {  	[sflag:s8] =	ssyncset.s32 @!p0 $0xFFFFF086;
	s6 =	sadd.s32 @!p0 s3, s7;
	s7 =	simm.s32 @!p0 $0x108  }
0x21: {  	s3 =	sadd.s32 s3, s9;
	s6 =	sadd.s32 @!p0 $0x88, s6;
	s7 =	simm.s32 @p2 $0x1082  }
0x22: {  	[simem:s7], [sflag:s8] =	dma.local @!p0 [hbm:s6], $0xF7A  }
0x23: {  	s9 =	sor.u32 $0xD0000000, s2;
	s6 =	simm.s32 $0x108;
	_ =	swait.ge @!p0 [sflag:s8], $0x0  }
0x24: {  	s3 =	sadd.s32 $0x88, s3;
	s6 =	simm.s32 @!p1 $0x1082;
	[sflag:s4] =	ssyncset.s32 $0xFFFFF086  }
0x25: {  	[simem:s6], [sflag:s4] =	dma.local [hbm:s3], $0xF7A  }
0x26: {  	[smem:$0x3F98] =	sst s1;
	(tag) =	ssettag s2;
	_ =	strace s9  }
0x27: {  	s1 =	sld [smem:$0x3FA8]  }
0x28: {  	s2 =	sld [smem:$0x3FA9]  }
0x29: {  	s4 =	sld [smem:$0x3FAB]  }
0x2a: {  	p0 =	seq.s32 s5, $0x0;
	s5 =	sld [smem:$0x3FAC]  }
0x2b: {  	s6 =	sld [smem:$0x3FAD]  }
0x2c: {  	s7 =	sld [smem:$0x3FAE]  }
0x2d: {  	s3 =	simm.s32 $0x108;
	s8 =	sld [smem:$0x3FAF]  }
0x2e: {  	s3 =	simm.s32 @!p0 $0x1082;
	s9 =	sld [smem:$0x3FB0]  }
0x2f: {  	lr =	sadd.s32 s0, s3;
	s0 =	sld [smem:$0x3FA7]  }
0x30: {  	s3 =	sld [smem:$0x3FAA]  }
0x31: {  	[smem:$0x3FB3] =	sst s10  }
0x32: {  	s10 =	sld [smem:$0x3FB1];
	_ =	sdelay $0x3  }
0x33: {  	p0 =	seq.s32 s10, $0x1;
	s10 =	sld [smem:$0x3FB3];
	_ =	sdelay $0x3  }
0x34: {  	[smem:$0x3FB3] =	sst s10  }
0x35: {  	s10 =	sld [smem:$0x3FB2];
	_ =	sdelay $0x3  }
0x36: {  	p1 =	seq.s32 s10, $0x1;
	s10 =	sld [smem:$0x3FB3];
	_ =	sdelay $0x3  }
0x37: {  	[smem:$0x3FB3] =	sst s10  }
0x38: {  	s10 =	sld [smem:$0x3FB4]  }
0x39: {  	_ = 	snop;
	(pc) =	sbr.ind lr, $3  }
0x3a: {  	_ = 	snop  }
0x3b: {  	_ = 	snop  }
0x3c: {  	p2 =	seq.s32 s10, $0x1;
	s10 =	sld [smem:$0x3FB3]  }
0x3d: {  	_ =	shalt  }
0x3e: {  	_ =	shalt  }
0x3f: {  	_ =	shalt  }
0x40: {  	_ =	shalt  }
0x41: {  	_ =	shalt  }
0x42: {  	_ =	shalt  }
0x43: {  	_ =	shalt  }
0x44: {  	_ =	shalt  }
0x45: {  	_ =	shalt  }
0x46: {  	_ =	shalt  }
0x47: {  	_ =	shalt  }
0x48: {  	_ =	shalt  }
0x49: {  	_ =	shalt  }
0x4a: {  	_ =	shalt  }
0x4b: {  	_ =	shalt  }
0x4c: {  	_ =	shalt  }
0x4d: {  	_ =	shalt  }
0x4e: {  	_ =	shalt  }
0x4f: {  	_ =	shalt  }
0x50: {  	_ =	shalt  }
0x51: {  	_ =	shalt  }
0x52: {  	_ =	shalt  }
0x53: {  	_ =	shalt  }
0x54: {  	_ =	shalt  }
0x55: {  	_ =	shalt  }
0x56: {  	_ =	shalt  }
0x57: {  	_ =	shalt  }
0x58: {  	_ =	shalt  }
0x59: {  	_ =	shalt  }
0x5a: {  	_ =	shalt  }
0x5b: {  	_ =	shalt  }
0x5c: {  	_ =	shalt  }
0x5d: {  	_ =	shalt  }
0x5e: {  	_ =	shalt  }
0x5f: {  	_ =	shalt  }
0x60: {  	_ =	shalt  }
0x61: {  	_ =	shalt  }
0x62: {  	_ =	shalt  }
0x63: {  	_ =	shalt  }
0x64: {  	_ =	shalt  }
0x65: {  	_ =	shalt  }
0x66: {  	_ =	shalt  }
0x67: {  	_ =	shalt  }
0x68: {  	_ =	shalt  }
0x69: {  	_ =	shalt  }
0x6a: {  	_ =	shalt  }
0x6b: {  	_ =	shalt  }
0x6c: {  	_ =	shalt  }
0x6d: {  	_ =	shalt  }
0x6e: {  	_ =	shalt  }
0x6f: {  	_ =	shalt  }
0x70: {  	_ =	shalt  }
0x71: {  	_ =	shalt  }
0x72: {  	_ =	shalt  }
0x73: {  	_ =	shalt  }
0x74: {  	_ =	shalt  }
0x75: {  	_ =	shalt  }
0x76: {  	_ =	shalt  }
0x77: {  	_ =	shalt  }
0x78: {  	_ =	shalt  }
0x79: {  	_ =	shalt  }
0x7a: {  	_ =	shalt  }
0x7b: {  	_ =	shalt  }
0x7c: {  	_ =	shalt  }
0x7d: {  	_ =	shalt  }
0x7e: {  	_ =	shalt  }
0x7f: {  	_ =	shalt  }
0x80: {  	_ =	shalt  }
0x81: {  	_ =	shalt  }
0x82: {  	_ =	shalt  }
0x83: {  	_ =	shalt  }
0x84: {  	_ =	shalt  }
0x85: {  	_ =	shalt  }
0x86: {  	_ =	shalt  }
0x87: {  	_ =	shalt  }
.Lfunc_end0:
.L_simem_size_0:
called_computation.2_lowered:
.L_overlay_start_0:
0x88: {  	s0 =	sld [smem:$0x3FD9]  }
0x89: {  	s1 =	sld [smem:$0x3FFE];
	_ =	sdelay $0x3  }
0x8a: {  	s0 =	sadd.s32 s1, s0  }
0x8b: {  	[smem:$0x3FBF] =	sst s0  }
0x8c: {  	_ = 	snop  }
0x8d: {  	s0 =	sld [smem:$0x3FD0];
	_ =	sdelay $0x2  }
0x8e: {  	s13 =	simm.s32 $0xA;
	s2 =	simm.s32 $0x10  }
0x8f: {  	[smem:s2], [sflag:s13] =	dma.local [hbm:s0], $0x1  }
0x90: {  	_ =	swait.eq [sflag:s13], $0x1  }
0x91: {  	[sflag:s13] =	ssyncset.done $0x0  }
0x92: {  	[sflag:s13] =	ssyncadd.s32 $0xFFFFFFFF  }
0x93: {  	s14 =	sld [smem:$0x11];
	(tm) =	ssettm $0x1  }
0x94: {  	s15 =	sld [smem:$0x3FFB];
	_ =	sdelay $0x3  }
0x95: {  	_ =	strace s15  }
0x96: {  	s1 =	sld [smem:$0x3FFC];
	_ =	sdelay $0x3  }
0x97: {  	_ =	strace s1  }
0x98: {  	s1 =	sld [smem:$0x3FFD];
	_ =	sdelay $0x3  }
0x99: {  	_ =	strace s1  }
0x9a: {  	_ =	strace $0x8FFFFFFF  }
0x9b: {  	s16 =	sld [smem:$0x3FDB];
	_ =	sdelay $0x1  }
0x9c: {  	s17 =	simm.s32 $_scs_section_size  }
0x9d: {  	s3 =	simm.s32 $_size__tile_overlayer_lowered;
	s4 =	simm.s32 $_tile_overlayer_lowered  }
0x9e: {  	s20 =	simm.s32 $0x1BFF;
	s19 =	sshll.u32 s4, $0x1;
	s1 =	sadd.s32 s17, s16  }
0x9f: {  	s5 =	simm.s32 $0x0;
	s18 =	sshll.u32 s3, $0x1;
	s3 =	sadd.s32 s19, s1  }
0xa0: {  	[timem:s5], [sflag:s20] =	dma.local [hbm:s3], s18  }
0xa1: {  	_ =	swait.ge [sflag:s20], s18  }
0xa2: {  	s2 =	ssub.s32 $0x0, s18;
	[sflag:s20] =	ssyncset.done $0x0  }
0xa3: {  	[sflag:s20] =	ssyncadd.s32 s2;
	_ =	sdelay $0x1  }
0xa4: {  	s21 =	simm.s32 $0x1B8B  }
0xa5: {  	_ =	swait.ge [sflag:s21], $0x1  }
0xa6: {  	[sflag:s21] =	ssyncset.done $0x0  }
0xa7: {  	s23 =	simm.s32 $0x1B8E;
	s22 =	sld [smem:$0x3FFE];
	[sflag:s21] =	ssyncadd.s32 $0xFFFFFFFF  }
0xa8: {  	s24 =	simm.s32 $execute0_lowered;
	[smem:$0x3FD2] =	sst s23  }
0xa9: {  	s3 =	sshll.u32 s24, $0x1;
	_ =	strace $0x80000046;
	[dreg:$0x1] =	wrdreg $0xFFFFFFFF  }
0xaa: {  	s25 =	simm.s32 $_size_execute0_lowered;
	s1 =	sadd.s32 s1, s3;
	[dreg:$0x0] =	wrdreg $0x0  }
0xab: {  	s3 =	sshll.u32 s25, $0x1;
	[dreg:$0x2] =	wrdreg s1  }
0xac: {  	[dreg:$0x3] =	wrdreg s3  }
0xad: {  	[dreg:$0x4] =	wrdreg $0xC0  }
0xae: {  	_ =	task [dreg:s5], $0x5FFFF  }
0xaf: {  	[dreg:$0x1] =	wrdreg $0xFFFFFFFF  }
0xb0: {  	[dreg:$0x0] =	wrdreg $0x60  }
0xb1: {  	[dreg:$0x2] =	wrdreg s22  }
0xb2: {  	[dreg:$0x3] =	wrdreg s14  }
0xb3: {  	[dreg:$0x4] =	wrdreg $0x9  }
0xb4: {  	_ =	task.clear_ibuf [dreg:s5], $0x5FFFF;
	_ =	strace $0x90000046  }
0xb5: {  	s26 =	simm.s32 $0x9;
	_ =	strace $0x80000048  }
0xb6: {  	_ =	swait.ge [sflag:s26], $0x1  }
0xb7: {  	[sflag:s26] =	ssyncadd.s32 $0xFFFFFFFF  }
0xb8: {  	_ =	strace $0x90000048  }
0xb9: {  	_ =	sfence  }
0xba: {  	s28 =	sld [smem:$0x0];
	_ =	sdelay $0x1  }
0xbb: {  	s29 =	srdreg.scid  }
0xbc: {  	s30 =	sshll.u32 s29, $0xD;
	s31 =	sshrl.u32 s29, $0x2  }
0xbd: {  	s2 =	sand.u32 $0x4000, s30;
	s1 =	sand.u32 $0x1, s29;
	s0 =	sadd.s32 s31, s28  }
0xbe: {  	s1 =	sor.u32 s2, s1;
	s0 =	sshll.u32 s0, $0x11  }
0xbf: {  	s0 =	sor.u32 s0, s1  }
0xc0: {  	s0 =	sadd.s32 $0x8F2B, s0  }
0xc1: {  	[sflag:s0] =	ssyncadd.remote.s32 $0x1  }
0xc2: {  	_ =	sfence.sel $0xFFFF  }
0xc3: {  	[dreg:$0x0] =	wrdreg $0xFFFFFFFF;
	(pc) =	sbr.abs _section_cstart, $3  }
0xc4: {  	[dreg:$0x1] =	wrdreg $0xFFFFFFFF  }
0xc5: {  	_ =	task.clear_ibuf [dreg:s5], $0x2FFFF;
	_ =	strace $0x9FFFFFFF  }
0xc6: {  	(tm) =	ssettm $0x7FFFFFFF  }
0xc7: {  	_ =	shalt  }
tec
execute0_lowered:
.L_overlay_start_1:
0x0: {  	(tag) =	ssettag $0x1  }
0x1: {  	s0 =	stileid.u32  }
0x2: {  	s1 =	smin.u32 s0, $0x9  }
0x3: {  	s1 =	sadd.s32 s0, s1  }
0x4: {  	s2 =	simm.s32 $0x190;
	p0 =	slt.u32 s0, $0x9;
	s1 =	smul.u32 $0xC8, s1  }
0x5: {  	s2 =	simm.s32 @!p0 $0xC8  }
0x6: {  	s2 =	sadd.s32 s2, s1  }
0x7: {  	s3 =	smin.u32 s2, $0x1388  }
0x8: {  	s7 =	ssub.s32 s3, s1  }
0x9: {  	p0 =	sgt.s32 s7, $0x0  }
0xa: {  	s7 =	simm.s32 @!p0 $0x0  }
0xb: {  	s31 =	sand.u32 $0xFFF8, s7  }
0xc: {  	s2 =	sshrl.u32 s31, $0x3  }
0xd: {  	s4 =	rddreg [dreg:$0x0];
	s2 =	smul.u32 $0x147B, s2  }
0xe: {  	s5 =	rddreg [dreg:$0x1]  }
0xf: {  	s6 =	simm.s32 $0x1;
	s10 =	simm.s32 $0x3;
	s8 =	sshrl.u32 s2, $0x11  }
0x10: {  	s13 =	simm.s32 $0x0;
	s12 =	simm.s32 $0x0;
	s9 =	smul.u32 $0xC8, s8  }
.Ltmp0:
0x11: {  	s11 =	smov.u32 s1;
	s2 =	rddreg [dreg:$0x2];
	(pc) =	sbr.rel .LBB2_1-.Ltmp0, $4  }
0x12: {  	_ =	strace $0x80000047;
	p0 =	sne.s32 s7, s9;
	s9 =	simm.s32 $0x1  }
0x13: {  	[sflag:s6] =	ssyncpa.u1 $0x0;
	s7 =	simm.s32 $0x2;
	s9 =	simm.s32 @!p0 $0x0  }
0x14: {  	[sflag:s7] =	ssyncpa.u1 $0x0;
	p0 =	por $0x0, $0x0;
	s8 =	sadd.s32 s8, s9  }
0x15: {  	vm0 =	vmmov $0xff;
	vm1 =	vcmask $0x3F20;
	s9 =	sadd.s32 $0x13A00, s4;
	[sflag:s10] =	ssyncpa.u1 $0x0;
	s10 =	sadd.s32 $0x1, s8  }
.LBB2_6:
0x16: {  	[hbm:s17] =	stream.linear.scatter [tilespmem:s14], [sflag:$0x3], $0x400, $0x38;
	[tilespmem:$0xC990] =	vst v63  }
.LBB2_7:
0x17: {  	s13 =	sadd.s32 $0xC8, s11  }
0x18: {  	s15 =	smov.u32 s1;
	p2 =	slt.s32 s13, s3  }
0x19: {  	s15 =	smov.u32 @p2 s13;
	p2 =	sne.s32 s12, s10  }
.Ltmp1:
0x1a: {  	p1 =	slt.u32 s12, $0x2;
	(pc) =	sbr.rel @!p2 .LBB2_8-.Ltmp1, $4  }
0x1b: {  	s14 =	simm.s32 @!p1 $0x3  }
0x1c: {  	s16 =	sadd.s32 $0x1, s12;
	_ =	swait.ge @!p1 [sflag:s14], $0x6400  }
0x1d: {  	p0 =	por !p0, !p0;
	s13 =	smov.u32 s11;
	[sflag:s14] =	ssyncset.done @!p1 $0x0  }
0x1e: {  	s12 =	smov.u32 s16;
	s11 =	smov.u32 s15;
	[sflag:s14] =	ssyncadd.s32 @!p1 $0xFFFF9C00  }
.LBB2_1:
0x1f: {  	p1 =	sge.u32 s12, s8  }
0x20: {  	s14 =	sxor.u32 @!p1 $0xFFFFFFFF, s12  }
0x21: {  	s14 =	sand.u32 @!p1 $0x1, s14  }
0x22: {  	s14 =	smul.u32 @!p1 $0x320, s14  }
0x23: {  	s31 =	sadd.s32 $0xFFFFFFFF, s12;
	s15 =	sshrl.u32 @!p1 s11, $0x3  }
0x24: {  	s16 =	sand.u32 @!p1 $0x7, s11;
	s15 =	sadd.s32 @!p1 s5, s15;
	s14 =	sshrl.u32 @!p1 s14, $0x2  }
0x25: {  	[tilespmem:s14], [sflag:$0x2] =	stream.linear.gather @!p1 [hbm4b:s15+s16], $0xC8, $0x38;
	[tilespmem:$0xC990] =	vst v63  }
0x26: {  	p1 =	sge.u32 s31, s8  }
.Ltmp2:
0x27: {  	_ = 	snop;
	(pc) =	sbr.rel @p1 .LBB2_7-.Ltmp2, $1  }
0x28: {  	_ =	sdelay $0x3  }
0x29: {  	s14 =	simm.s32 $0x1  }
0x2a: {  	s14 =	simm.s32 @!p0 $0x0  }
0x2b: {  	s15 =	smul.u32 $0x320, s14  }
0x2c: {  	_ =	swait.ge [sflag:s7], $0xC8  }
0x2d: {  	[sflag:s7] =	ssyncset.done $0x0;
	s16 =	sshrl.u32 s15, $0x2  }
0x2e: {  	[sflag:s7] =	ssyncadd.s32 $0xFFFFFF38;
	s15 =	sadd.s32 $0x0, s16  }
0x2f: {  	v0 =	vld.msk [tilespmem:s15+$0x0 ss:$0x1], $0xffff;
	_ =	sdelay $0x4  }
0x30: {  	vm2 =	vgt.s32 v0, $0x0  }
0x31: {  	v0 =	vnsel vm2, $0x0, v0  }
0x32: {  	v0 =	vmin.u32 v0, $0x1387  }
0x33: {  	v0 =	vshll.u32 v0, $0x4  }
0x34: {  	s14 =	smul.u32 $0x19000, s14  }
0x35: {  	s31 =	sand.u32 $0x1, s12  }
0x36: {  	s17 =	smul.u32 $0x320, s31;
	s14 =	sshrl.u32 s14, $0x2  }
0x37: {  	s19 =	smul.u32 $0x19000, s31;
	s14 =	sor.u32 $0x190, s14  }
0x38: {  	[tilespmem:s14], [sflag:$0x1] =	stream.indirect_vreg.gather [hbm:s4], $0x80, v0, vm0, $0x38;
	[tilespmem:$0xC990] =	vst v63  }
0x39: {  	s18 =	sshrl.u32 s17, $0x2;
	s20 =	sadd.s32 $0x10, s16;
	s15 =	sadd.s32 $0x400, s14  }
0x3a: {  	[tilespmem:s15], [sflag:$0x1] =	stream.indirect_vreg.gather [hbm:s4], $0x80, v0, vm1, $0x38;
	[tilespmem:$0xC990] =	vst v63  }
0x3b: {  	s17 =	sshrl.u32 s19, $0x2;
	s19 =	smov.u32 s14;
	v0 =	vld.msk [tilespmem:s20+$0x0 ss:$0x1], $0xffff;
	s20 =	simm.s32 $0x80  }
.LBB2_3:
0x3c: {  	p1 =	sne.s32 s20, $0x2C0;
	_ =	sdelay $0x4  }
0x3d: {  	vm2 =	vgt.s32 v0, $0x0  }
0x3e: {  	v0 =	vnsel vm2, $0x0, v0  }
0x3f: {  	v0 =	vmin.u32 v0, $0x1387  }
0x40: {  	v0 =	vshll.u32 v0, $0x4;
	_ =	sdelay $0x3  }
.Ltmp3:
0x41: {  	s21 =	sshra.s32 s20, $0x2;
	s19 =	sadd.s32 $0x800, s19;
	(pc) =	sbr.rel @p1 .LBB2_3-.Ltmp3, $4  }
0x42: {  	[tilespmem:s19], [sflag:$0x1] =	stream.indirect_vreg.gather [hbm:s4], $0x80, v0, vm0, $0x38;
	[tilespmem:$0xC990] =	vst v63  }
0x43: {  	s21 =	sadd.s32 s21, s16;
	s22 =	sadd.s32 $0x400, s19  }
0x44: {  	[tilespmem:s22], [sflag:$0x1] =	stream.indirect_vreg.gather [hbm:s4], $0x80, v0, vm1, $0x38;
	[tilespmem:$0xC990] =	vst v63  }
0x45: {  	s20 =	sadd.s32 $0x40, s20;
	v0 =	vld.msk [tilespmem:s21+$0x0 ss:$0x1], $0xffff  }
0x46: {  	_ =	sdelay $0x3  }
0x47: {  	vm2 =	vgt.s32 v0, $0x0  }
0x48: {  	v0 =	vnsel vm2, $0x0, v0  }
0x49: {  	v0 =	vmin.u32 v0, $0x1387  }
0x4a: {  	v0 =	vshll.u32 v0, $0x4;
	_ =	sdelay $0x3  }
0x4b: {  	s16 =	sadd.s32 $0x800, s19  }
0x4c: {  	[tilespmem:s16], [sflag:$0x1] =	stream.indirect_vreg.gather [hbm:s4], $0x80, v0, vm0, $0x38;
	[tilespmem:$0xC990] =	vst v63  }
0x4d: {  	s16 =	sadd.s32 $0x400, s16  }
0x4e: {  	[tilespmem:s16], [sflag:$0x1] =	stream.indirect_vreg.gather [hbm:s4], $0x80, v0, vm1, $0x38;
	[tilespmem:$0xC990] =	vst v63  }
0x4f: {  	v0 =	vld.msk [tilespmem:s18+$0xC0 ss:$0x1], $0xff;
	_ =	sdelay $0x4  }
0x50: {  	vm2 =	vgt.s32 v0, $0x0  }
0x51: {  	v0 =	vnsel vm2, $0x0, v0  }
0x52: {  	v0 =	vmin.u32 v0, $0x1387  }
0x53: {  	v0 =	vshll.u32 v0, $0x4;
	_ =	sdelay $0x3  }
0x54: {  	s31 =	sadd.s32 $0x6190, s17  }
0x55: {  	[tilespmem:s31], [sflag:$0x1] =	stream.indirect_vreg.gather [hbm:s4], $0x80, v0, vm0, $0x38;
	[tilespmem:$0xC990] =	vst v63  }
0x56: {  	s13 =	sshll.u32 s13, $0x4;
	_ =	swait.ge [sflag:s6], $0x6400  }
0x57: {  	s13 =	sadd.s32 s13, s9;
	[sflag:s6] =	ssyncset.done $0x0  }
0x58: {  	s17 =	sadd.s32 $0x0, s13;
	s16 =	simm.s32 $0x80;
	[sflag:s6] =	ssyncadd.s32 $0xFFFF9C00  }
.LBB2_5:
0x59: {  	[hbm:s17] =	stream.linear.scatter [tilespmem:s14], [sflag:$0x3], $0x400, $0x38;
	[tilespmem:$0xC990] =	vst v63  }
0x5a: {  	s17 =	smov.u32 s16;
	s14 =	smov.u32 s15;
	p1 =	sne.s32 s16, $0xC00  }
.Ltmp4:
0x5b: {  	s16 =	sadd.s32 $0x80, s16;
	(pc) =	sbr.rel @p1 .LBB2_5-.Ltmp4, $2  }
0x5c: {  	_ =	sdelay $0x2  }
0x5d: {  	s15 =	sadd.s32 $0x400, s15;
	s17 =	sadd.s32 s17, s13  }
.Ltmp5:
0x5e: {  	_ = 	snop;
	(pc) =	sbr.rel .LBB2_6-.Ltmp5, $1  }
0x5f: {  	_ =	sdelay $0x3  }
.LBB2_8:
0x60: {  	_ =	sfence.sel $0x180000  }
0x61: {  	s1 =	simm.s32 $0x2;
	[bflag:$0x0] =	sbarrier.arrive $0xFFFF  }
0x62: {  	s30 =	simm.s32 $0x3;
	[sflag:s1] =	ssyncpa.u1 $0x1  }
0x63: {  	s31 =	simm.s32 $0x1;
	[sflag:s30] =	ssyncpa.u1 $0x1  }
0x64: {  	[sflag:s31] =	ssyncpa.u1 $0x1  }
0x65: {  	p0 =	sne.s32 s0, $0x0;
	_ =	strace $0x90000047  }
0x66: {  	s0 =	sadd.s32 @!p0 $0x100000, s2;
	[bflag:$0x2] =	sbarrier.arrive $0xFFFF  }
0x67: {  	[sflag:s0] =	ssyncadd.tile.s32 @!p0 $0x1;
	_ =	shalt  }
.Lfunc_end2:
_tile_overlayer_lowered:
.L_overlay_start_2:
0x68: {  	(tag) =	ssettag $0x2  }
0x69: {  	s0 =	rddreg [dreg:$0x0];
	s2 =	stileid.u32  }
0x6a: {  	s1 =	rddreg [dreg:$0x1];
	p0 =	sne.s32 s2, $0x0  }
0x6b: {  	s3 =	rddreg [dreg:$0x2];
	[bflag:$0x3] =	sbarrier.arrive $0xFFFF;
	s2 =	simm.s32 @!p0 $0x1C01  }
0x6c: {  	[timem:s3], [sflag:s2] =	dma.local @!p0 [hbm:s0], s1  }
0x6d: {  	s0 =	simm.s32 @!p0 $0x1  }
0x6e: {  	_ =	swait.ge @!p0 [sflag:s0], s1  }
0x6f: {  	s1 =	ssub.s32 @!p0 $0x0, s1;
	[sflag:s0] =	ssyncset.done @!p0 $0x0  }
0x70: {  	[sflag:s0] =	ssyncadd.s32 @!p0 s1  }
0x71: {  	[bflag:$0x3] =	sbarrier.arrive $0xFFFF  }
0x72: {  	_ =	shalt  }

// kernel: sparse-core-data-format-call.1.cloned.1.call-start
scs
called_computation.1_lowered:
.L_overlay_start_0:
0x0: {  	s1 =	sld [smem:$0x3FD9]  }
0x1: {  	s2 =	sld [smem:$0x3FFE];
	_ =	sdelay $0x1  }
0x2: {  	s3 =	srdreg.scid  }
0x3: {  	s0 =	sand.u32 $0x1, s3  }
0x4: {  	s17 =	sshll.u32 s0, $0xA;
	s1 =	sadd.s32 s2, s1  }
0x5: {  	s1 =	sadd.s32 s1, s17  }
0x6: {  	[smem:$0x3FBF] =	sst s1  }
0x7: {  	_ = 	snop  }
0x8: {  	(tm) =	ssettm $0x1  }
0x9: {  	s18 =	sld [smem:$0x3FFB];
	_ =	sdelay $0x3  }
0xa: {  	_ =	strace s18  }
0xb: {  	s1 =	sld [smem:$0x3FFC];
	_ =	sdelay $0x3  }
0xc: {  	_ =	strace s1  }
0xd: {  	s1 =	sld [smem:$0x3FFD];
	_ =	sdelay $0x3  }
0xe: {  	_ =	strace s1  }
0xf: {  	_ =	strace $0x8FFFFFFF  }
0x10: {  	s19 =	sld [smem:$0x3FDB];
	_ =	sdelay $0x1  }
0x11: {  	s20 =	simm.s32 $_scs_section_size  }
0x12: {  	s4 =	simm.s32 $_size__tile_overlayer_lowered;
	s5 =	simm.s32 $_tile_overlayer_lowered  }
0x13: {  	s23 =	simm.s32 $0x1BFF;
	s22 =	sshll.u32 s5, $0x1;
	s1 =	sadd.s32 s20, s19  }
0x14: {  	s6 =	simm.s32 $0x0;
	s21 =	sshll.u32 s4, $0x1;
	s4 =	sadd.s32 s22, s1  }
0x15: {  	[timem:s6], [sflag:s23] =	dma.local [hbm:s4], s21  }
0x16: {  	_ =	swait.ge [sflag:s23], s21  }
0x17: {  	s2 =	ssub.s32 $0x0, s21;
	[sflag:s23] =	ssyncset.done $0x0  }
0x18: {  	[sflag:s23] =	ssyncadd.s32 s2;
	_ =	sdelay $0x1  }
0x19: {  	s24 =	simm.s32 $0x1B8B  }
0x1a: {  	_ =	swait.ge [sflag:s24], $0x1  }
0x1b: {  	[sflag:s24] =	ssyncset.done $0x0  }
0x1c: {  	s26 =	simm.s32 $0x1B8E;
	s25 =	sld [smem:$0x3FFE];
	[sflag:s24] =	ssyncadd.s32 $0xFFFFFFFF  }
0x1d: {  	s27 =	simm.s32 $execute0_lowered;
	[smem:$0x3FD2] =	sst s26  }
0x1e: {  	s4 =	sshll.u32 s27, $0x1;
	_ =	strace $0x80000049;
	[dreg:$0x1] =	wrdreg $0xFFFFFFFF  }
0x1f: {  	s28 =	simm.s32 $_size_execute0_lowered;
	s1 =	sadd.s32 s1, s4;
	[dreg:$0x0] =	wrdreg $0x0  }
0x20: {  	s4 =	sshll.u32 s28, $0x1;
	[dreg:$0x2] =	wrdreg s1  }
0x21: {  	[dreg:$0x3] =	wrdreg s4  }
0x22: {  	[dreg:$0x4] =	wrdreg $0xC0  }
0x23: {  	_ =	task [dreg:s6], $0x5FFFF  }
0x24: {  	[dreg:$0x1] =	wrdreg $0xFFFFFFFF  }
0x25: {  	[dreg:$0x0] =	wrdreg $0x60  }
0x26: {  	[dreg:$0x2] =	wrdreg s25  }
0x27: {  	[dreg:$0x3] =	wrdreg $0x9  }
0x28: {  	_ =	task.clear_ibuf [dreg:s6], $0x4FFFF;
	_ =	strace $0x90000049  }
0x29: {  	s29 =	simm.s32 $0x9;
	_ =	strace $0x8000004B  }
0x2a: {  	_ =	swait.ge [sflag:s29], $0x1  }
0x2b: {  	[sflag:s29] =	ssyncadd.s32 $0xFFFFFFFF  }
0x2c: {  	_ =	strace $0x9000004B  }
0x2d: {  	_ =	sfence  }
0x2e: {  	s30 =	sld [smem:$0x0];
	_ =	sdelay $0x2  }
0x2f: {  	s31 =	sshll.u32 s3, $0xD;
	s3 =	sshrl.u32 s3, $0x2  }
0x30: {  	s2 =	sand.u32 $0x4000, s31;
	s1 =	sadd.s32 s3, s30  }
0x31: {  	s0 =	sor.u32 s2, s0;
	s1 =	sshll.u32 s1, $0x11  }
0x32: {  	s0 =	sor.u32 s1, s0  }
0x33: {  	s0 =	sadd.s32 $0x8F2B, s0  }
0x34: {  	[sflag:s0] =	ssyncadd.remote.s32 $0x1  }
0x35: {  	_ =	sfence.sel $0xFFFF  }
0x36: {  	[dreg:$0x0] =	wrdreg $0xFFFFFFFF;
	(pc) =	sbr.abs _section_cstart, $3  }
0x37: {  	[dreg:$0x1] =	wrdreg $0xFFFFFFFF  }
0x38: {  	_ =	task.clear_ibuf [dreg:s6], $0x2FFFF;
	_ =	strace $0x9FFFFFFF  }
0x39: {  	(tm) =	ssettm $0x7FFFFFFF  }
tec
execute0_lowered:
.L_overlay_start_1:
0x0: {  	(tag) =	ssettag $0x1  }
0x1: {  	s0 =	stileid.u32  }
0x2: {  	s1 =	srdreg.scid;
	s6 =	rddreg [dreg:$0x0]  }
0x3: {  	s7 =	simm.s32 $0x1;
	s10 =	simm.s32 $0x2;
	s15 =	simm.s32 $0x0  }
0x4: {  	s11 =	simm.s32 $0x6200;
	s2 =	sshll.u32 s0, $0x4;
	s1 =	sshll.u32 s1, $0x8  }
0x5: {  	s16 =	simm.s32 $0x0;
	s17 =	simm.s32 $0x0;
	s1 =	sor.u32 s2, s1  }
0x6: {  	s14 =	simm.s32 $0x0;
	s5 =	sshrl.u32 s0, $0x2;
	s2 =	sand.u32 $0x180, s1  }
0x7: {  	s1 =	rddreg [dreg:$0x1];
	_ =	strace $0x8000004A;
	s4 =	ssub.s32 $0x200, s2  }
0x8: {  	s8 =	sadd.s32 s2, s6;
	s6 =	sadd.s32 $0x1B9400, s6;
	s3 =	sand.u32 $0x180, s4  }
0x9: {  	s31 =	sshrl.u32 s4, $0x9;
	s4 =	simm.s32 $0x1;
	p0 =	sne.s32 s3, $0x0  }
.Ltmp0:
0xa: {  	s3 =	sand.u32 $0x1, s5;
	s7 =	simm.s32 @!p0 $0x0;
	(pc) =	sbr.rel .LBB1_1-.Ltmp0, $4  }
0xb: {  	[sflag:s4] =	ssyncpa.u1 $0x0;
	s9 =	sxor.u32 $0x19, s3;
	s5 =	sadd.s32 s7, s31  }
0xc: {  	s8 =	sadd.s32 $0x31400, s8;
	[sflag:s10] =	ssyncpa.u1 $0x0;
	s5 =	smul.u32 s9, s5  }
0xd: {  	p0 =	por $0x0, $0x0;
	s10 =	simm.s32 $0x80;
	s7 =	sand.u32 $0x3, s0  }
0xe: {  	s12 =	smov.u32 s3;
	s13 =	smov.u32 s7;
	s9 =	sadd.s32 $0x1, s5  }
.LBB1_4:
0xf: {  	v5 =	vld [tilespmem:s21+$0xFFFFFFD0];
	[tilespmem:s20+$0x2040 ss:$0x81] =	vst.msk $0xffff, v1  }
0x10: {  	v58 =	vld [tilespmem:s21+$0xFFFFFFE0];
	[tilespmem:s20+$0x2850 ss:$0x81] =	vst.msk $0xffff, v2  }
0x11: {  	s22 =	sshra.s32 s22, $0x2;
	v59 =	vld [tilespmem:s21+$0xFFFFFFF0];
	[tilespmem:s20+$0x3060 ss:$0x81] =	vst.msk $0xffff, v3  }
0x12: {  	v60 =	vld [tilespmem:s21+$0x0];
	[tilespmem:s20+$0x0 ss:$0x81] =	vst.msk $0xffff, v0;
	s19 =	sadd.s32 s22, s19  }
0x13: {  	v61 =	vld [tilespmem:s21+$0x10];
	[tilespmem:s19+$0x3870 ss:$0x81] =	vst.msk $0xffff, v4  }
0x14: {  	v62 =	vld [tilespmem:s21+$0x20];
	[tilespmem:s19+$0x810 ss:$0x81] =	vst.msk $0xffff, v5  }
0x15: {  	v63 =	vld [tilespmem:s21+$0xFFFFFFC0];
	[tilespmem:s19+$0x1020 ss:$0x81] =	vst.msk $0xffff, v58  }
0x16: {  	[tilespmem:s19+$0x1830 ss:$0x81] =	vst.msk $0xffff, v59  }
0x17: {  	s16 =	sshll.u32 s16, $0x6;
	s17 =	sshll.u32 s17, $0x4;
	[tilespmem:s19+$0x2040 ss:$0x81] =	vst.msk $0xffff, v60  }
0x18: {  	s15 =	smul.u32 $0xC40, s15;
	s17 =	sand.u32 $0x30, s17;
	s16 =	sadd.s32 s6, s16;
	[tilespmem:s19+$0x2850 ss:$0x81] =	vst.msk $0xffff, v61  }
0x19: {  	s16 =	sadd.s32 s17, s16;
	[tilespmem:s19+$0x3060 ss:$0x81] =	vst.msk $0xffff, v62  }
0x1a: {  	s15 =	sadd.s32 s15, s16;
	[tilespmem:s19+$0x0 ss:$0x81] =	vst.msk $0xffff, v63  }
0x1b: {  	[hbm4b:s15+s10] =	stream.strided.scatter [tilespmem:s18], [sflag:$0x2], $0x4000, s11, s10, $0x20;
	[tilespmem:$0x10100] =	vst v63  }
.LBB1_5:
0x1c: {  	s18 =	sadd.s32 $0x2, s12  }
0x1d: {  	s16 =	sadd.s32 $0x4, s13;
	s19 =	smov.u32 s13;
	p2 =	sgt.s32 s18, $0x30  }
0x1e: {  	s19 =	smov.u32 @p2 s16  }
0x1f: {  	s18 =	smov.u32 @p2 s3;
	p2 =	sgt.s32 s19, $0x3  }
0x20: {  	s19 =	smov.u32 @p2 s7;
	p2 =	sne.s32 s14, s9  }
.Ltmp1:
0x21: {  	p1 =	slt.u32 s14, $0x2;
	(pc) =	sbr.rel @!p2 .LBB1_6-.Ltmp1, $4  }
0x22: {  	s17 =	smov.u32 s13;
	s15 =	simm.s32 @!p1 $0x2  }
0x23: {  	p0 =	por !p0, !p0;
	_ =	swait.ge @!p1 [sflag:s15], $0x4000;
	s16 =	smov.u32 s12  }
0x24: {  	[sflag:s15] =	ssyncset.done @!p1 $0x0;
	s12 =	smov.u32 s18;
	s14 =	sadd.s32 $0x1, s14  }
0x25: {  	[sflag:s15] =	ssyncadd.s32 @!p1 $0xFFFFC000;
	s15 =	smov.u32 s2;
	s13 =	smov.u32 s19  }
.LBB1_1:
0x26: {  	p1 =	sge.u32 s14, s5  }
0x27: {  	s19 =	smul.u32 @!p1 $0x62000, s13  }
0x28: {  	s31 =	sadd.s32 $0xFFFFFFFF, s14;
	s18 =	sxor.u32 @!p1 $0xFFFFFFFF, s14;
	s20 =	sshll.u32 @!p1 s12, $0xD  }
0x29: {  	s21 =	simm.s32 @!p1 $0x1000;
	s18 =	sshll.u32 @!p1 s18, $0xE;
	s19 =	sadd.s32 @!p1 s19, s8  }
0x2a: {  	s18 =	sand.u32 @!p1 $0x4000, s18;
	s19 =	sadd.s32 @!p1 s20, s19;
	s20 =	simm.s32 @!p1 $0x400  }
0x2b: {  	[tilespmem:s18], [sflag:$0x1] =	stream.strided.gather @!p1 [hbm4b:s19+s20], $0x4000, s21, s20, $0x38;
	[tilespmem:$0x10100] =	vst v63  }
0x2c: {  	p1 =	sge.u32 s31, s5  }
.Ltmp2:
0x2d: {  	_ = 	snop;
	(pc) =	sbr.rel @p1 .LBB1_5-.Ltmp2, $1  }
0x2e: {  	_ =	sdelay $0x3  }
0x2f: {  	s18 =	simm.s32 $0x1  }
0x30: {  	_ =	swait.ge [sflag:s4], $0x4000;
	s18 =	simm.s32 @!p0 $0x0  }
0x31: {  	[sflag:s4] =	ssyncset.done $0x0;
	s19 =	sshll.u32 s18, $0xE  }
0x32: {  	[sflag:s4] =	ssyncadd.s32 $0xFFFFC000;
	s21 =	sor.u32 $0x40, s19  }
0x33: {  	s18 =	smul.u32 $0x10200, s18;
	v0 =	vld [tilespmem:s21+$0x30]  }
0x34: {  	v3 =	vld [tilespmem:s21+$0xFFFFFFD0]  }
0x35: {  	s18 =	sshrl.u32 s18, $0x2;
	v4 =	vld [tilespmem:s21+$0xFFFFFFE0]  }
0x36: {  	v5 =	vld [tilespmem:s21+$0xFFFFFFF0];
	s19 =	sor.u32 $0x8000, s18  }
0x37: {  	s31 =	sand.u32 $0x1, s14;
	v1 =	vld [tilespmem:s21+$0x0];
	s20 =	sadd.s32 $0x0, s19  }
0x38: {  	v2 =	vld [tilespmem:s21+$0x10];
	s18 =	smul.u32 $0x10200, s31;
	[tilespmem:s20+$0x3870 ss:$0x81] =	vst.msk $0xffff, v0  }
0x39: {  	[tilespmem:s20+$0x810 ss:$0x81] =	vst.msk $0xffff, v3;
	v3 =	vld [tilespmem:s21+$0x20]  }
0x3a: {  	s18 =	sshrl.u32 s18, $0x2;
	v0 =	vld [tilespmem:s21+$0xFFFFFFC0];
	[tilespmem:s20+$0x1020 ss:$0x81] =	vst.msk $0xffff, v4;
	s21 =	sadd.s32 $0x80, s21  }
0x3b: {  	s22 =	simm.s32 $0x4;
	s23 =	simm.s32 $0x8;
	s18 =	sor.u32 $0x8000, s18;
	[tilespmem:s20+$0x1830 ss:$0x81] =	vst.msk $0xffff, v5;
	v4 =	vld [tilespmem:s21+$0x30]  }
.LBB1_3:
0x3c: {  	p1 =	sne.s32 s23, $0x1FC;
	v5 =	vld [tilespmem:s21+$0xFFFFFFD0];
	[tilespmem:s20+$0x2040 ss:$0x81] =	vst.msk $0xffff, v1  }
0x3d: {  	v6 =	vld [tilespmem:s21+$0xFFFFFFE0];
	[tilespmem:s20+$0x2850 ss:$0x81] =	vst.msk $0xffff, v2  }
0x3e: {  	s24 =	sshra.s32 s22, $0x2;
	s22 =	smov.u32 s23;
	v7 =	vld [tilespmem:s21+$0xFFFFFFF0];
	[tilespmem:s20+$0x3060 ss:$0x81] =	vst.msk $0xffff, v3  }
.Ltmp3:
0x3f: {  	v1 =	vld [tilespmem:s21+$0x0];
	[tilespmem:s20+$0x0 ss:$0x81] =	vst.msk $0xffff, v0;
	s20 =	sadd.s32 s24, s19;
	(pc) =	sbr.rel @p1 .LBB1_3-.Ltmp3, $4  }
0x40: {  	v2 =	vld [tilespmem:s21+$0x10];
	[tilespmem:s20+$0x3870 ss:$0x81] =	vst.msk $0xffff, v4  }
0x41: {  	[tilespmem:s20+$0x810 ss:$0x81] =	vst.msk $0xffff, v5;
	v3 =	vld [tilespmem:s21+$0x20]  }
0x42: {  	v0 =	vld [tilespmem:s21+$0xFFFFFFC0];
	[tilespmem:s20+$0x1020 ss:$0x81] =	vst.msk $0xffff, v6;
	s21 =	sadd.s32 $0x80, s21  }
0x43: {  	s23 =	sadd.s32 $0x4, s23;
	v4 =	vld [tilespmem:s21+$0x30];
	[tilespmem:s20+$0x1830 ss:$0x81] =	vst.msk $0xffff, v7  }
.Ltmp4:
0x44: {  	_ = 	snop;
	(pc) =	sbr.rel .LBB1_4-.Ltmp4, $1  }
0x45: {  	_ =	sdelay $0x3  }
.LBB1_6:
0x46: {  	_ =	sfence.sel $0x180000  }
0x47: {  	s2 =	simm.s32 $0x1;
	[bflag:$0x0] =	sbarrier.arrive $0xFFFF  }
0x48: {  	s31 =	simm.s32 $0x2;
	[sflag:s2] =	ssyncpa.u1 $0x1  }
0x49: {  	[sflag:s31] =	ssyncpa.u1 $0x1  }
0x4a: {  	p0 =	sne.s32 s0, $0x0;
	_ =	strace $0x9000004A  }
0x4b: {  	s0 =	sadd.s32 @!p0 $0x100000, s1;
	[bflag:$0x2] =	sbarrier.arrive $0xFFFF  }
0x4c: {  	[sflag:s0] =	ssyncadd.tile.s32 @!p0 $0x1;
	_ =	shalt  }
.Lfunc_end1:
_tile_overlayer_lowered:
.L_overlay_start_2:
0x4d: {  	(tag) =	ssettag $0x2  }
0x4e: {  	s0 =	rddreg [dreg:$0x0];
	s2 =	stileid.u32  }
0x4f: {  	s1 =	rddreg [dreg:$0x1];
	p0 =	sne.s32 s2, $0x0  }
0x50: {  	s3 =	rddreg [dreg:$0x2];
	[bflag:$0x3] =	sbarrier.arrive $0xFFFF;
	s2 =	simm.s32 @!p0 $0x1C01  }
0x51: {  	[timem:s3], [sflag:s2] =	dma.local @!p0 [hbm:s0], s1  }
0x52: {  	s0 =	simm.s32 @!p0 $0x1  }
0x53: {  	_ =	swait.ge @!p0 [sflag:s0], s1  }
0x54: {  	s1 =	ssub.s32 @!p0 $0x0, s1;
	[sflag:s0] =	ssyncset.done @!p0 $0x0  }
0x55: {  	[sflag:s0] =	ssyncadd.s32 @!p0 s1  }
0x56: {  	[bflag:$0x3] =	sbarrier.arrive $0xFFFF  }
0x57: {  	_ =	shalt  }

// kernel: sparse-core-data-format-call.cloned.1.call-start
scs
called_computation_lowered:
.L_overlay_start_0:
0x0: {  	s1 =	sld [smem:$0x3FD9]  }
0x1: {  	s2 =	sld [smem:$0x3FFE];
	_ =	sdelay $0x1  }
0x2: {  	s3 =	srdreg.scid  }
0x3: {  	s0 =	sand.u32 $0x1, s3  }
0x4: {  	s17 =	sshll.u32 s0, $0xA;
	s1 =	sadd.s32 s2, s1  }
0x5: {  	s1 =	sadd.s32 s1, s17  }
0x6: {  	[smem:$0x3FBF] =	sst s1  }
0x7: {  	_ = 	snop  }
0x8: {  	(tm) =	ssettm $0x1  }
0x9: {  	s18 =	sld [smem:$0x3FFB];
	_ =	sdelay $0x3  }
0xa: {  	_ =	strace s18  }
0xb: {  	s1 =	sld [smem:$0x3FFC];
	_ =	sdelay $0x3  }
0xc: {  	_ =	strace s1  }
0xd: {  	s1 =	sld [smem:$0x3FFD];
	_ =	sdelay $0x3  }
0xe: {  	_ =	strace s1  }
0xf: {  	_ =	strace $0x8FFFFFFF  }
0x10: {  	s19 =	sld [smem:$0x3FDB];
	_ =	sdelay $0x1  }
0x11: {  	s20 =	simm.s32 $_scs_section_size  }
0x12: {  	s4 =	simm.s32 $_size__tile_overlayer_lowered;
	s5 =	simm.s32 $_tile_overlayer_lowered  }
0x13: {  	s23 =	simm.s32 $0x1BFF;
	s22 =	sshll.u32 s5, $0x1;
	s1 =	sadd.s32 s20, s19  }
0x14: {  	s6 =	simm.s32 $0x0;
	s21 =	sshll.u32 s4, $0x1;
	s4 =	sadd.s32 s22, s1  }
0x15: {  	[timem:s6], [sflag:s23] =	dma.local [hbm:s4], s21  }
0x16: {  	_ =	swait.ge [sflag:s23], s21  }
0x17: {  	s2 =	ssub.s32 $0x0, s21;
	[sflag:s23] =	ssyncset.done $0x0  }
0x18: {  	[sflag:s23] =	ssyncadd.s32 s2;
	_ =	sdelay $0x1  }
0x19: {  	s24 =	simm.s32 $0x1B8B  }
0x1a: {  	_ =	swait.ge [sflag:s24], $0x1  }
0x1b: {  	[sflag:s24] =	ssyncset.done $0x0  }
0x1c: {  	s26 =	simm.s32 $0x1B8E;
	s25 =	sld [smem:$0x3FFE];
	[sflag:s24] =	ssyncadd.s32 $0xFFFFFFFF  }
0x1d: {  	s27 =	simm.s32 $execute0_lowered;
	[smem:$0x3FD2] =	sst s26  }
0x1e: {  	s4 =	sshll.u32 s27, $0x1;
	_ =	strace $0x8000004C;
	[dreg:$0x1] =	wrdreg $0xFFFFFFFF  }
0x1f: {  	s28 =	simm.s32 $_size_execute0_lowered;
	s1 =	sadd.s32 s1, s4;
	[dreg:$0x0] =	wrdreg $0x0  }
0x20: {  	s4 =	sshll.u32 s28, $0x1;
	[dreg:$0x2] =	wrdreg s1  }
0x21: {  	[dreg:$0x3] =	wrdreg s4  }
0x22: {  	[dreg:$0x4] =	wrdreg $0xC0  }
0x23: {  	_ =	task [dreg:s6], $0x5FFFF  }
0x24: {  	[dreg:$0x1] =	wrdreg $0xFFFFFFFF  }
0x25: {  	[dreg:$0x0] =	wrdreg $0x60  }
0x26: {  	[dreg:$0x2] =	wrdreg s25  }
0x27: {  	[dreg:$0x3] =	wrdreg $0x9  }
0x28: {  	_ =	task.clear_ibuf [dreg:s6], $0x4FFFF;
	_ =	strace $0x9000004C  }
0x29: {  	s29 =	simm.s32 $0x9;
	_ =	strace $0x8000004E  }
0x2a: {  	_ =	swait.ge [sflag:s29], $0x1  }
0x2b: {  	[sflag:s29] =	ssyncadd.s32 $0xFFFFFFFF  }
0x2c: {  	_ =	strace $0x9000004E  }
0x2d: {  	_ =	sfence  }
0x2e: {  	s30 =	sld [smem:$0x0];
	_ =	sdelay $0x2  }
0x2f: {  	s31 =	sshll.u32 s3, $0xD;
	s3 =	sshrl.u32 s3, $0x2  }
0x30: {  	s2 =	sand.u32 $0x4000, s31;
	s1 =	sadd.s32 s3, s30  }
0x31: {  	s0 =	sor.u32 s2, s0;
	s1 =	sshll.u32 s1, $0x11  }
0x32: {  	s0 =	sor.u32 s1, s0  }
0x33: {  	s0 =	sadd.s32 $0x8F2B, s0  }
0x34: {  	[sflag:s0] =	ssyncadd.remote.s32 $0x1  }
0x35: {  	_ =	sfence.sel $0xFFFF  }
0x36: {  	[dreg:$0x0] =	wrdreg $0xFFFFFFFF;
	(pc) =	sbr.abs _section_cstart, $3  }
0x37: {  	[dreg:$0x1] =	wrdreg $0xFFFFFFFF  }
0x38: {  	_ =	task.clear_ibuf [dreg:s6], $0x2FFFF;
	_ =	strace $0x9FFFFFFF  }
0x39: {  	(tm) =	ssettm $0x7FFFFFFF  }
tec
execute0_lowered:
.L_overlay_start_1:
0x0: {  	(tag) =	ssettag $0x1  }
0x1: {  	s0 =	srdreg.scid  }
0x2: {  	s1 =	sshll.u32 s0, $0x4  }
0x3: {  	s0 =	stileid.u32;
	s1 =	sand.u32 $0x10, s1  }
0x4: {  	s2 =	rddreg [dreg:$0x0];
	s7 =	simm.s32 $0x1;
	s1 =	sor.u32 s0, s1  }
0x5: {  	s8 =	simm.s32 $0x2;
	s9 =	simm.s32 $0x0;
	s3 =	sshll.u32 s1, $0x2  }
0x6: {  	s12 =	simm.s32 $0x0;
	s11 =	simm.s32 $0x0;
	s6 =	ssub.s32 $0xC40, s3  }
.Ltmp0:
0x7: {  	s4 =	sadd.s32 $0x1B9400, s2;
	s5 =	sand.u32 $0x7C, s6;
	(pc) =	sbr.rel .LBB1_1-.Ltmp0, $4  }
0x8: {  	s1 =	rddreg [dreg:$0x1];
	_ =	strace $0x8000004D;
	p0 =	sne.s32 s5, $0x0  }
0x9: {  	s6 =	sshrl.u32 s6, $0x7;
	s5 =	simm.s32 $0x1;
	s7 =	simm.s32 @!p0 $0x0  }
0xa: {  	s10 =	smov.u32 s3;
	[sflag:s5] =	ssyncpa.u1 $0x0;
	s6 =	sadd.s32 s7, s6  }
0xb: {  	[sflag:s8] =	ssyncpa.u1 $0x0;
	s8 =	simm.s32 $0x0;
	s7 =	sadd.s32 $0x1, s6  }
.LBB1_9:
0xc: {  	s14 =	sadd.s32 $0x80, s10  }
0xd: {  	p1 =	sgt.s32 s14, $0xC3F  }
0xe: {  	s14 =	smov.u32 @p1 s3;
	p1 =	sne.s32 s11, s7  }
.Ltmp1:
0xf: {  	p0 =	slt.u32 s11, $0x2;
	(pc) =	sbr.rel @!p1 .LBB1_10-.Ltmp1, $4  }
0x10: {  	s13 =	simm.s32 @!p0 $0x2  }
0x11: {  	s15 =	sadd.s32 $0x1, s11;
	_ =	swait.ge @!p0 [sflag:s13], $0x4000  }
0x12: {  	s12 =	smov.u32 s10;
	s9 =	sadd.s32 $0x4000, s9;
	[sflag:s13] =	ssyncset.done @!p0 $0x0  }
0x13: {  	s11 =	smov.u32 s15;
	s10 =	smov.u32 s14;
	[sflag:s13] =	ssyncadd.s32 @!p0 $0xFFFFC000  }
.LBB1_1:
0x14: {  	p0 =	sge.u32 s11, s6  }
0x15: {  	s13 =	sxor.u32 @!p0 $0xFFFFFFFF, s11  }
0x16: {  	s31 =	sadd.s32 $0xFFFFFFFF, s11;
	s14 =	sshll.u32 @!p0 s10, $0x9;
	s13 =	sshll.u32 @!p0 s13, $0xE  }
0x17: {  	s15 =	simm.s32 @!p0 $0x0;
	s14 =	sadd.s32 @!p0 s4, s14;
	s13 =	sand.u32 @!p0 $0x4000, s13  }
0x18: {  	[tilespmem:s13], [sflag:$0x1] =	stream.linear.gather @!p0 [hbm4b:s14+s15], $0x4000, $0x38;
	[tilespmem:$0x10000] =	vst v63  }
0x19: {  	p0 =	sge.u32 s31, s6  }
.Ltmp2:
0x1a: {  	_ = 	snop;
	(pc) =	sbr.rel @p0 .LBB1_9-.Ltmp2, $1  }
0x1b: {  	_ =	sdelay $0x3  }
0x1c: {  	s14 =	sand.u32 $0x4000, s9  }
0x1d: {  	_ =	swait.ge [sflag:s5], $0x4000;
	s15 =	sshll.u32 s11, $0xE;
	s16 =	simm.s32 $0x0  }
0x1e: {  	s13 =	sor.u32 $0x8040, s14;
	[sflag:s5] =	ssyncset.done $0x0;
	s15 =	sand.u32 $0x4000, s15  }
0x1f: {  	s14 =	sor.u32 $0x40, s14;
	[sflag:s5] =	ssyncadd.s32 $0xFFFFC000;
	s15 =	sor.u32 $0x8000, s15  }
.LBB1_3:
0x20: {  	s17 =	smov.u32 s14;
	s18 =	smov.u32 s13;
	s19 =	simm.s32 $0x0  }
.LBB1_4:
0x21: {  	v0 =	vmov s17;
	_ =	sdelay $0x3  }
0x22: {  	s21 =	simm.s32 $0x0  }
0x23: {  	v6 =	vld.idx.msk [tilespmem:v0+s21+$0x30 ss:$0x1], $0xffff  }
0x24: {  	v7 =	vld.idx.msk [tilespmem:v0+s21+$0xFFFFFFC0 ss:$0x1], $0xffff  }
0x25: {  	v5 =	vld.idx.msk [tilespmem:v0+s21+$0xFFFFFFD0 ss:$0x1], $0xffff  }
0x26: {  	v4 =	vld.idx.msk [tilespmem:v0+s21+$0xFFFFFFE0 ss:$0x1], $0xffff  }
0x27: {  	v3 =	vld.idx.msk [tilespmem:v0+s21+$0xFFFFFFF0 ss:$0x1], $0xffff  }
0x28: {  	v1 =	vld.idx.msk [tilespmem:v0+s21+$0x0 ss:$0x1], $0xffff  }
0x29: {  	v2 =	vld.idx.msk [tilespmem:v0+s21+$0x10 ss:$0x1], $0xffff;
	[tilespmem:s18+$0x30] =	vst v6  }
0x2a: {  	s20 =	simm.s32 $0x80;
	s22 =	simm.s32 $0x400;
	[tilespmem:s18+$0xFFFFFFC0] =	vst v7;
	v6 =	vld.idx.msk [tilespmem:v0+s21+$0x20 ss:$0x1], $0xffff;
	s21 =	smov.u32 s18  }
.LBB1_5:
0x2b: {  	p0 =	sne.s32 s22, $0x600;
	v7 =	vld.idx.msk [tilespmem:v0+s20+$0x30 ss:$0x1], $0xffff;
	[tilespmem:s21+$0xFFFFFFD0] =	vst v5  }
0x2c: {  	v8 =	vld.idx.msk [tilespmem:v0+s20+$0xFFFFFFC0 ss:$0x1], $0xffff;
	[tilespmem:s21+$0xFFFFFFE0] =	vst v4  }
0x2d: {  	v5 =	vld.idx.msk [tilespmem:v0+s20+$0xFFFFFFD0 ss:$0x1], $0xffff;
	[tilespmem:s21+$0xFFFFFFF0] =	vst v3  }
.Ltmp3:
0x2e: {  	v4 =	vld.idx.msk [tilespmem:v0+s20+$0xFFFFFFE0 ss:$0x1], $0xffff;
	[tilespmem:s21+$0x0] =	vst v1;
	(pc) =	sbr.rel @p0 .LBB1_5-.Ltmp3, $4  }
0x2f: {  	v3 =	vld.idx.msk [tilespmem:v0+s20+$0xFFFFFFF0 ss:$0x1], $0xffff;
	[tilespmem:s21+$0x10] =	vst v2  }
0x30: {  	v1 =	vld.idx.msk [tilespmem:v0+s20+$0x0 ss:$0x1], $0xffff;
	[tilespmem:s21+$0x20] =	vst v6;
	s21 =	sadd.s32 $0x400, s21  }
0x31: {  	v2 =	vld.idx.msk [tilespmem:v0+s20+$0x10 ss:$0x1], $0xffff;
	[tilespmem:s21+$0x30] =	vst v7  }
0x32: {  	[tilespmem:s21+$0xFFFFFFC0] =	vst v8;
	v6 =	vld.idx.msk [tilespmem:v0+s20+$0x20 ss:$0x1], $0xffff;
	s20 =	sshra.s32 s22, $0x2;
	s22 =	sadd.s32 $0x200, s22  }
0x33: {  	_ =	sdelay $0x2  }
0x34: {  	[tilespmem:s21+$0xFFFFFFD0] =	vst v5  }
0x35: {  	v56 =	vld.idx.msk [tilespmem:v0+s20+$0x30 ss:$0x1], $0xffff;
	[tilespmem:s21+$0xFFFFFFE0] =	vst v4  }
0x36: {  	v57 =	vld.idx.msk [tilespmem:v0+s20+$0xFFFFFFC0 ss:$0x1], $0xffff;
	[tilespmem:s21+$0xFFFFFFF0] =	vst v3  }
0x37: {  	v58 =	vld.idx.msk [tilespmem:v0+s20+$0xFFFFFFD0 ss:$0x1], $0xffff;
	[tilespmem:s21+$0x0] =	vst v1  }
0x38: {  	v59 =	vld.idx.msk [tilespmem:v0+s20+$0xFFFFFFE0 ss:$0x1], $0xffff;
	[tilespmem:s21+$0x10] =	vst v2  }
0x39: {  	v60 =	vld.idx.msk [tilespmem:v0+s20+$0xFFFFFFF0 ss:$0x1], $0xffff;
	s31 =	sadd.s32 $0x400, s21;
	[tilespmem:s21+$0x20] =	vst v6  }
0x3a: {  	v61 =	vld.idx.msk [tilespmem:v0+s20+$0x0 ss:$0x1], $0xffff;
	[tilespmem:s31+$0x30] =	vst v56  }
0x3b: {  	v62 =	vld.idx.msk [tilespmem:v0+s20+$0x10 ss:$0x1], $0xffff;
	s19 =	sadd.s32 $0x1, s19;
	[tilespmem:s31+$0xFFFFFFC0] =	vst v57  }
0x3c: {  	v63 =	vld.idx.msk [tilespmem:v0+s20+$0x20 ss:$0x1], $0xffff;
	p0 =	sne.s32 s19, $0x8;
	[tilespmem:s31+$0xFFFFFFD0] =	vst v58  }
.Ltmp4:
0x3d: {  	[tilespmem:s31+$0xFFFFFFE0] =	vst v59;
	(pc) =	sbr.rel @p0 .LBB1_4-.Ltmp4, $4  }
0x3e: {  	[tilespmem:s31+$0xFFFFFFF0] =	vst v60  }
0x3f: {  	[tilespmem:s31+$0x0] =	vst v61  }
0x40: {  	[tilespmem:s31+$0x10] =	vst v62  }
0x41: {  	s18 =	sadd.s32 $0x80, s18;
	s17 =	sadd.s32 $0x200, s17;
	[tilespmem:s31+$0x20] =	vst v63  }
0x42: {  	s16 =	sadd.s32 $0x1, s16  }
0x43: {  	p0 =	sne.s32 s16, $0x4  }
.Ltmp5:
0x44: {  	_ = 	snop;
	(pc) =	sbr.rel @p0 .LBB1_3-.Ltmp5, $2  }
0x45: {  	_ =	sdelay $0x2  }
0x46: {  	s13 =	sadd.s32 $0x1000, s13;
	s14 =	sadd.s32 $0x1000, s14  }
.Ltmp6:
0x47: {  	(pc) =	sbr.rel .LBB1_9-.Ltmp6, $4  }
0x48: {  	_ = 	snop  }
0x49: {  	s12 =	sshll.u32 s12, $0x9  }
0x4a: {  	s12 =	sadd.s32 s2, s12  }
0x4b: {  	[hbm4b:s12+s8] =	stream.linear.scatter [tilespmem:s15], [sflag:$0x2], $0x4000, $0x38;
	[tilespmem:$0x10000] =	vst v63  }
.LBB1_10:
0x4c: {  	_ =	sfence.sel $0x180000  }
0x4d: {  	s2 =	simm.s32 $0x1;
	[bflag:$0x0] =	sbarrier.arrive $0xFFFF  }
0x4e: {  	s31 =	simm.s32 $0x2;
	[sflag:s2] =	ssyncpa.u1 $0x1  }
0x4f: {  	[sflag:s31] =	ssyncpa.u1 $0x1  }
0x50: {  	p0 =	sne.s32 s0, $0x0;
	_ =	strace $0x9000004D  }
0x51: {  	s0 =	sadd.s32 @!p0 $0x100000, s1;
	[bflag:$0x2] =	sbarrier.arrive $0xFFFF  }
0x52: {  	[sflag:s0] =	ssyncadd.tile.s32 @!p0 $0x1;
	_ =	shalt  }
.Lfunc_end1:
_tile_overlayer_lowered:
.L_overlay_start_2:
0x53: {  	(tag) =	ssettag $0x2  }
0x54: {  	s0 =	rddreg [dreg:$0x0];
	s2 =	stileid.u32  }
0x55: {  	s1 =	rddreg [dreg:$0x1];
	p0 =	sne.s32 s2, $0x0  }
0x56: {  	s3 =	rddreg [dreg:$0x2];
	[bflag:$0x3] =	sbarrier.arrive $0xFFFF;
	s2 =	simm.s32 @!p0 $0x1C01  }
0x57: {  	[timem:s3], [sflag:s2] =	dma.local @!p0 [hbm:s0], s1  }
0x58: {  	s0 =	simm.s32 @!p0 $0x1  }
0x59: {  	_ =	swait.ge @!p0 [sflag:s0], s1  }
0x5a: {  	s1 =	ssub.s32 @!p0 $0x0, s1;
	[sflag:s0] =	ssyncset.done @!p0 $0x0  }
0x5b: {  	[sflag:s0] =	ssyncadd.s32 @!p0 s1  }
0x5c: {  	[bflag:$0x3] =	sbarrier.arrive $0xFFFF  }
0x5d: {  	_ =	shalt  }

</sc_bundles>
